<compile_context>
chip_gen: v7x
topology: tpu7x:2x2x1
jax: 0.10.2.dev20260603
libtpu: 0.0.44.dev20260713+nightly
codegen_flags: <defaults>
</compile_context>

<pallas_src>
import jax
import jax.numpy as jnp
from jax import lax
from jax.experimental import pallas as pl
from jax.experimental.pallas import tpu as pltpu
from jax.experimental.pallas import tpu_sc as plsc

_VOCAB = 1000000
_D = 64
_B = 1024
_L = 200
_N = _B * _L
_NC = 2
_NS = 16
_NW = _NC * _NS
_PER_W = _N // _NW
_CHUNK = 128
_J = _PER_W // _CHUNK
_NBUF = 5
_G = _J // _NBUF


def _scale_rows(src, dst):
  @plsc.parallel_loop(0, _CHUNK, 1, unroll=4)
  def _(r):
    for c in range(_D // 16):
      sl = pl.ds(c * 16, 16)
      dst[r, sl] = src[r, sl] * 8.0


def _body(x_hbm, lut_hbm, out_hbm, idx_v, rows_g, rows_s, gsems, ssems):
  wid = lax.axis_index("s") * _NC + lax.axis_index("c")

  pltpu.sync_copy(x_hbm.at[pl.ds(wid * _PER_W, _PER_W)], idx_v)

  out_base = wid * _PER_W

  def fire_gather(j, b):
    pltpu.make_async_copy(
        lut_hbm.at[idx_v.at[pl.ds(j * _CHUNK, _CHUNK)]], rows_g[b],
        gsems[b]).start()

  def wait_gather(b):
    pltpu.make_async_copy(
        lut_hbm.at[idx_v.at[pl.ds(0, _CHUNK)]], rows_g[b], gsems[b]).wait()

  def fire_store(j, b):
    d = pltpu.make_async_copy(
        rows_s[b],
        out_hbm.at[pl.ds(out_base + j * _CHUNK, _CHUNK)],
        ssems[b])
    d.start()
    return d

  def wait_store(b):
    pltpu.make_async_copy(
        rows_s[b],
        out_hbm.at[pl.ds(out_base, _CHUNK)],
        ssems[b]).wait()

  for b in range(_NBUF):
    fire_gather(b, b)

  for b in range(_NBUF):
    wait_gather(b)
    _scale_rows(rows_g[b], rows_s[b])
    fire_gather(b + _NBUF, b)
    fire_store(b, b)

  def group(g, _):
    for b in range(_NBUF):
      j = g * _NBUF + b
      wait_gather(b)
      wait_store(b)
      _scale_rows(rows_g[b], rows_s[b])
      fire_gather(j + _NBUF, b)
      fire_store(j, b)
    return _

  lax.fori_loop(1, _G - 1, group, 0, unroll=False)

  last = []
  for b in range(_NBUF):
    j = (_G - 1) * _NBUF + b
    wait_gather(b)
    wait_store(b)
    _scale_rows(rows_g[b], rows_s[b])
    last.append(fire_store(j, b))
  for d in last:
    d.wait()


@jax.jit
def kernel(x, lut):
  xf = x.T.astype(jnp.int32).reshape(_N)
  lutp = jnp.pad(lut, ((0, 0), (0, _D)))
  mesh = plsc.VectorSubcoreMesh(core_axis_name="c", subcore_axis_name="s")
  scratch = (
      pltpu.VMEM((_PER_W,), jnp.int32),
      [pltpu.VMEM((_CHUNK, 2 * _D), jnp.float32)] * _NBUF,
      [pltpu.VMEM((_CHUNK, _D), jnp.float32)] * _NBUF,
      [pltpu.SemaphoreType.DMA] * _NBUF,
      [pltpu.SemaphoreType.DMA] * _NBUF,
  )
  mid = pl.kernel(
      _body,
      out_type=jax.ShapeDtypeStruct((_N, _D), jnp.float32),
      mesh=mesh,
      scratch_types=scratch,
      compiler_params=pltpu.CompilerParams(
          use_tc_tiling_on_sc=False,
          disable_bounds_checks=True,
      ),
  )(xf, lutp)
  return mid.reshape(_L, _B, _D).transpose(1, 0, 2)

# --- scband reference (transcript-rebuilt; emitter-appended) ---
"""Pipeline reference for scband-embeddings-47459388621380 (READ-ONLY COPY).

The authoritative reference and input builder live on the scoring server;
editing this copy changes nothing except your own understanding.
"""

import jax, jax.numpy as jnp
import numpy as np
import math

VOCAB_LEN = 1000000
D_MODEL = 64

def setup_inputs(seed: int = 0) -> dict:
    key = jax.random.key(seed)
    k_idx, k_tab = jax.random.split(key)
    x = jax.random.randint(k_idx, (1024, 200), 0, VOCAB_LEN, dtype=jnp.int64 if jax.config.jax_enable_x64 else jnp.int32)
    lut = jax.random.normal(k_tab, (VOCAB_LEN, D_MODEL), dtype=jnp.float32)
    return {"x": x, "lut": lut}

def reference(x, lut):
    # Embedding lookup followed by scaling by sqrt(d_model)
    emb = jnp.take(lut, x, axis=0)  # [B, L, d_model]
    return emb * math.sqrt(D_MODEL)

if __name__ == "__main__":
    import jax
    _d = setup_inputs()
    print(jax.jit(kernel)(*tuple(_d.values())))

</pallas_src>

<mosaic_0001>
#map = affine_map<(d0, d1) -> (0)>
#map1 = affine_map<(d0, d1) -> (0, 0)>
module attributes {stable_mosaic.version = 14 : i64} {
  func.func @_body(%arg0: i32, %arg1: i32, %arg2: memref<204800xi32, #tpu.memory_space<hbm>>, %arg3: memref<1000000x128xf32, #tpu.memory_space<hbm>>, %arg4: memref<204800x64xf32, #tpu.memory_space<hbm>>, %arg5: memref<6400xi32, #tpu.memory_space<vmem>>, %arg6: memref<128x128xf32, #tpu.memory_space<vmem>>, %arg7: memref<128x128xf32, #tpu.memory_space<vmem>>, %arg8: memref<128x128xf32, #tpu.memory_space<vmem>>, %arg9: memref<128x128xf32, #tpu.memory_space<vmem>>, %arg10: memref<128x128xf32, #tpu.memory_space<vmem>>, %arg11: memref<128x64xf32, #tpu.memory_space<vmem>>, %arg12: memref<128x64xf32, #tpu.memory_space<vmem>>, %arg13: memref<128x64xf32, #tpu.memory_space<vmem>>, %arg14: memref<128x64xf32, #tpu.memory_space<vmem>>, %arg15: memref<128x64xf32, #tpu.memory_space<vmem>>, %arg16: memref<!tpu.dma_semaphore, #tpu.memory_space<semaphore_mem>>, %arg17: memref<!tpu.dma_semaphore, #tpu.memory_space<semaphore_mem>>, %arg18: memref<!tpu.dma_semaphore, #tpu.memory_space<semaphore_mem>>, %arg19: memref<!tpu.dma_semaphore, #tpu.memory_space<semaphore_mem>>, %arg20: memref<!tpu.dma_semaphore, #tpu.memory_space<semaphore_mem>>, %arg21: memref<!tpu.dma_semaphore, #tpu.memory_space<semaphore_mem>>, %arg22: memref<!tpu.dma_semaphore, #tpu.memory_space<semaphore_mem>>, %arg23: memref<!tpu.dma_semaphore, #tpu.memory_space<semaphore_mem>>, %arg24: memref<!tpu.dma_semaphore, #tpu.memory_space<semaphore_mem>>, %arg25: memref<!tpu.dma_semaphore, #tpu.memory_space<semaphore_mem>>) attributes {dimension_semantics = [#tpu.dimension_semantics<core_parallel>, #tpu.dimension_semantics<subcore_parallel>], iteration_bounds = array<i64: 2, 16>, scalar_prefetch = 0 : i64, scratch_operands = 21 : i64, tpu.core_type = #tpu.core_type<sc_vector_subcore>, window_params = [{transform_indices = #map}, {transform_indices = #map1}, {transform_indices = #map1}]} {
    %mul3A = arith.constant 2 : i32
    %mul3A_0 = arith.muli %arg1, %mul3A : i32
    %add3A = arith.addi %mul3A_0, %arg0 : i32
    %mul3A_1 = arith.constant 6400 : i32
    %mul3A_2 = arith.muli %add3A, %mul3A_1 : i32
    "tpu.region"() ({
      %run_scoped3A = tpu.sem_alloc : memref<!tpu.dma_semaphore, #tpu.memory_space<semaphore_mem>>
      %dma_start3A_237 = tpu.memref_slice %arg2[%mul3A_2] : memref<204800xi32, #tpu.memory_space<hbm>> -> memref<6400xi32, #tpu.memory_space<hbm>>
      %dma_start3A_238 = tpu.memref_slice %arg2[%mul3A_2] : memref<204800xi32, #tpu.memory_space<hbm>> -> memref<6400xi32, #tpu.memory_space<hbm>>
      tpu.enqueue_dma source(%dma_start3A_238 : memref<6400xi32, #tpu.memory_space<hbm>>) target(%arg5 : memref<6400xi32, #tpu.memory_space<vmem>>) target_semaphore(%run_scoped3A : memref<!tpu.dma_semaphore, #tpu.memory_space<semaphore_mem>>)
      %dma_wait3A_239 = tpu.memref_slice %arg2[%mul3A_2] : memref<204800xi32, #tpu.memory_space<hbm>> -> memref<6400xi32, #tpu.memory_space<hbm>>
      %dma_wait3A_240 = tpu.memref_slice %arg2[%mul3A_2] : memref<204800xi32, #tpu.memory_space<hbm>> -> memref<6400xi32, #tpu.memory_space<hbm>>
      tpu.wait_dma2 semaphore(%run_scoped3A : memref<!tpu.dma_semaphore, #tpu.memory_space<semaphore_mem>>) src(%dma_wait3A_240 : memref<6400xi32, #tpu.memory_space<hbm>>) dst(%arg5 : memref<6400xi32, #tpu.memory_space<vmem>>)
      tpu.yield
    }) : () -> ()
    %mul3A_3 = arith.constant 6400 : i32
    %mul3A_4 = arith.muli %add3A, %mul3A_3 : i32
    %dma_start3A = arith.constant 0 : i32
    %dma_start3A_5 = tpu.memref_slice %arg5[%dma_start3A] : memref<6400xi32, #tpu.memory_space<vmem>> -> memref<128xi32, #tpu.memory_space<vmem>>
    %dma_start3A_6 = arith.constant 0 : i32
    %dma_start3A_7 = arith.constant 0 : i32
    %dma_start3A_8 = tpu.memref_slice %arg3[%dma_start3A_6, %dma_start3A_7] : memref<1000000x128xf32, #tpu.memory_space<hbm>> -> memref<1000000x128xf32, #tpu.memory_space<hbm>>
    tpu.enqueue_indirect_dma source(%dma_start3A_8 : memref<1000000x128xf32, #tpu.memory_space<hbm>>) target(%arg6 : memref<128x128xf32, #tpu.memory_space<vmem>>) offsets(%dma_start3A_5 : memref<128xi32, #tpu.memory_space<vmem>>) semaphore(%arg16 : memref<!tpu.dma_semaphore, #tpu.memory_space<semaphore_mem>>)
    %dma_start3A_9 = arith.constant 128 : i32
    %dma_start3A_10 = tpu.memref_slice %arg5[%dma_start3A_9] : memref<6400xi32, #tpu.memory_space<vmem>> -> memref<128xi32, #tpu.memory_space<vmem>>
    %dma_start3A_11 = arith.constant 0 : i32
    %dma_start3A_12 = arith.constant 0 : i32
    %dma_start3A_13 = tpu.memref_slice %arg3[%dma_start3A_11, %dma_start3A_12] : memref<1000000x128xf32, #tpu.memory_space<hbm>> -> memref<1000000x128xf32, #tpu.memory_space<hbm>>
    tpu.enqueue_indirect_dma source(%dma_start3A_13 : memref<1000000x128xf32, #tpu.memory_space<hbm>>) target(%arg7 : memref<128x128xf32, #tpu.memory_space<vmem>>) offsets(%dma_start3A_10 : memref<128xi32, #tpu.memory_space<vmem>>) semaphore(%arg17 : memref<!tpu.dma_semaphore, #tpu.memory_space<semaphore_mem>>)
    %dma_start3A_14 = arith.constant 256 : i32
    %dma_start3A_15 = tpu.memref_slice %arg5[%dma_start3A_14] : memref<6400xi32, #tpu.memory_space<vmem>> -> memref<128xi32, #tpu.memory_space<vmem>>
    %dma_start3A_16 = arith.constant 0 : i32
    %dma_start3A_17 = arith.constant 0 : i32
    %dma_start3A_18 = tpu.memref_slice %arg3[%dma_start3A_16, %dma_start3A_17] : memref<1000000x128xf32, #tpu.memory_space<hbm>> -> memref<1000000x128xf32, #tpu.memory_space<hbm>>
    tpu.enqueue_indirect_dma source(%dma_start3A_18 : memref<1000000x128xf32, #tpu.memory_space<hbm>>) target(%arg8 : memref<128x128xf32, #tpu.memory_space<vmem>>) offsets(%dma_start3A_15 : memref<128xi32, #tpu.memory_space<vmem>>) semaphore(%arg18 : memref<!tpu.dma_semaphore, #tpu.memory_space<semaphore_mem>>)
    %dma_start3A_19 = arith.constant 384 : i32
    %dma_start3A_20 = tpu.memref_slice %arg5[%dma_start3A_19] : memref<6400xi32, #tpu.memory_space<vmem>> -> memref<128xi32, #tpu.memory_space<vmem>>
    %dma_start3A_21 = arith.constant 0 : i32
    %dma_start3A_22 = arith.constant 0 : i32
    %dma_start3A_23 = tpu.memref_slice %arg3[%dma_start3A_21, %dma_start3A_22] : memref<1000000x128xf32, #tpu.memory_space<hbm>> -> memref<1000000x128xf32, #tpu.memory_space<hbm>>
    tpu.enqueue_indirect_dma source(%dma_start3A_23 : memref<1000000x128xf32, #tpu.memory_space<hbm>>) target(%arg9 : memref<128x128xf32, #tpu.memory_space<vmem>>) offsets(%dma_start3A_20 : memref<128xi32, #tpu.memory_space<vmem>>) semaphore(%arg19 : memref<!tpu.dma_semaphore, #tpu.memory_space<semaphore_mem>>)
    %dma_start3A_24 = arith.constant 512 : i32
    %dma_start3A_25 = tpu.memref_slice %arg5[%dma_start3A_24] : memref<6400xi32, #tpu.memory_space<vmem>> -> memref<128xi32, #tpu.memory_space<vmem>>
    %dma_start3A_26 = arith.constant 0 : i32
    %dma_start3A_27 = arith.constant 0 : i32
    %dma_start3A_28 = tpu.memref_slice %arg3[%dma_start3A_26, %dma_start3A_27] : memref<1000000x128xf32, #tpu.memory_space<hbm>> -> memref<1000000x128xf32, #tpu.memory_space<hbm>>
    tpu.enqueue_indirect_dma source(%dma_start3A_28 : memref<1000000x128xf32, #tpu.memory_space<hbm>>) target(%arg10 : memref<128x128xf32, #tpu.memory_space<vmem>>) offsets(%dma_start3A_25 : memref<128xi32, #tpu.memory_space<vmem>>) semaphore(%arg20 : memref<!tpu.dma_semaphore, #tpu.memory_space<semaphore_mem>>)
    %dma_wait3A = arith.constant 0 : i32
    %dma_wait3A_29 = tpu.memref_slice %arg5[%dma_wait3A] : memref<6400xi32, #tpu.memory_space<vmem>> -> memref<128xi32, #tpu.memory_space<vmem>>
    %dma_wait3A_30 = arith.constant 0 : i32
    %dma_wait3A_31 = arith.constant 0 : i32
    %dma_wait3A_32 = tpu.memref_slice %arg3[%dma_wait3A_30, %dma_wait3A_31] : memref<1000000x128xf32, #tpu.memory_space<hbm>> -> memref<1000000x128xf32, #tpu.memory_space<hbm>>
    tpu.wait_indirect_dma semaphore(%arg16 : memref<!tpu.dma_semaphore, #tpu.memory_space<semaphore_mem>>) src(%dma_wait3A_32 : memref<1000000x128xf32, #tpu.memory_space<hbm>>) dst(%arg6 : memref<128x128xf32, #tpu.memory_space<vmem>>)
    %parallel_loop3A = arith.constant 0 : i32
    %parallel_loop3A_33 = arith.constant 128 : i32
    %parallel_loop3A_34 = arith.constant 1 : i32
    scf.for %parallel_loop3A_237 = %parallel_loop3A to %parallel_loop3A_33 step %parallel_loop3A_34  : i32 {
      %parallel_loop3A_238 = arith.index_cast %parallel_loop3A_237 : i32 to index
      %parallel_loop3A_239 = arith.constant 0 : index
      %parallel_loop3A_240 = tpu.vector_load %arg6[%parallel_loop3A_238, %parallel_loop3A_239] {strides = array<i32>} : memref<128x128xf32, #tpu.memory_space<vmem>>, vector<1x16xf32>,
      %parallel_loop3A_241 = vector.shape_cast %parallel_loop3A_240 : vector<1x16xf32> to vector<16xf32>
      %parallel_loop3A_242 = arith.constant 8.000000e+00 : f32
      %parallel_loop3A_243 = vector.broadcast %parallel_loop3A_242 : f32 to vector<16xf32>
      %parallel_loop3A_244 = arith.mulf %parallel_loop3A_241, %parallel_loop3A_243 : vector<16xf32>
      %parallel_loop3A_245 = arith.index_cast %parallel_loop3A_237 : i32 to index
      %parallel_loop3A_246 = arith.constant 0 : index
      %parallel_loop3A_247 = tpu.vector_load %arg11[%parallel_loop3A_245, %parallel_loop3A_246] {strides = array<i32>} : memref<128x64xf32, #tpu.memory_space<vmem>>, vector<1x16xf32>,
      %parallel_loop3A_248 = vector.shape_cast %parallel_loop3A_247 : vector<1x16xf32> to vector<16xf32>
      %parallel_loop3A_249 = vector.shape_cast %parallel_loop3A_244 : vector<16xf32> to vector<1x16xf32>
      tpu.vector_store %arg11[%parallel_loop3A_245, %parallel_loop3A_246], %parallel_loop3A_249 {strides = array<i32>} : memref<128x64xf32, #tpu.memory_space<vmem>>, vector<1x16xf32>,
      %parallel_loop3A_250 = arith.index_cast %parallel_loop3A_237 : i32 to index
      %parallel_loop3A_251 = arith.constant 16 : index
      %parallel_loop3A_252 = tpu.vector_load %arg6[%parallel_loop3A_250, %parallel_loop3A_251] {strides = array<i32>} : memref<128x128xf32, #tpu.memory_space<vmem>>, vector<1x16xf32>,
      %parallel_loop3A_253 = vector.shape_cast %parallel_loop3A_252 : vector<1x16xf32> to vector<16xf32>
      %parallel_loop3A_254 = arith.constant 8.000000e+00 : f32
      %parallel_loop3A_255 = vector.broadcast %parallel_loop3A_254 : f32 to vector<16xf32>
      %parallel_loop3A_256 = arith.mulf %parallel_loop3A_253, %parallel_loop3A_255 : vector<16xf32>
      %parallel_loop3A_257 = arith.index_cast %parallel_loop3A_237 : i32 to index
      %parallel_loop3A_258 = arith.constant 16 : index
      %parallel_loop3A_259 = tpu.vector_load %arg11[%parallel_loop3A_257, %parallel_loop3A_258] {strides = array<i32>} : memref<128x64xf32, #tpu.memory_space<vmem>>, vector<1x16xf32>,
      %parallel_loop3A_260 = vector.shape_cast %parallel_loop3A_259 : vector<1x16xf32> to vector<16xf32>
      %parallel_loop3A_261 = vector.shape_cast %parallel_loop3A_256 : vector<16xf32> to vector<1x16xf32>
      tpu.vector_store %arg11[%parallel_loop3A_257, %parallel_loop3A_258], %parallel_loop3A_261 {strides = array<i32>} : memref<128x64xf32, #tpu.memory_space<vmem>>, vector<1x16xf32>,
      %parallel_loop3A_262 = arith.index_cast %parallel_loop3A_237 : i32 to index
      %parallel_loop3A_263 = arith.constant 32 : index
      %parallel_loop3A_264 = tpu.vector_load %arg6[%parallel_loop3A_262, %parallel_loop3A_263] {strides = array<i32>} : memref<128x128xf32, #tpu.memory_space<vmem>>, vector<1x16xf32>,
      %parallel_loop3A_265 = vector.shape_cast %parallel_loop3A_264 : vector<1x16xf32> to vector<16xf32>
      %parallel_loop3A_266 = arith.constant 8.000000e+00 : f32
      %parallel_loop3A_267 = vector.broadcast %parallel_loop3A_266 : f32 to vector<16xf32>
      %parallel_loop3A_268 = arith.mulf %parallel_loop3A_265, %parallel_loop3A_267 : vector<16xf32>
      %parallel_loop3A_269 = arith.index_cast %parallel_loop3A_237 : i32 to index
      %parallel_loop3A_270 = arith.constant 32 : index
      %parallel_loop3A_271 = tpu.vector_load %arg11[%parallel_loop3A_269, %parallel_loop3A_270] {strides = array<i32>} : memref<128x64xf32, #tpu.memory_space<vmem>>, vector<1x16xf32>,
      %parallel_loop3A_272 = vector.shape_cast %parallel_loop3A_271 : vector<1x16xf32> to vector<16xf32>
      %parallel_loop3A_273 = vector.shape_cast %parallel_loop3A_268 : vector<16xf32> to vector<1x16xf32>
      tpu.vector_store %arg11[%parallel_loop3A_269, %parallel_loop3A_270], %parallel_loop3A_273 {strides = array<i32>} : memref<128x64xf32, #tpu.memory_space<vmem>>, vector<1x16xf32>,
      %parallel_loop3A_274 = arith.index_cast %parallel_loop3A_237 : i32 to index
      %parallel_loop3A_275 = arith.constant 48 : index
      %parallel_loop3A_276 = tpu.vector_load %arg6[%parallel_loop3A_274, %parallel_loop3A_275] {strides = array<i32>} : memref<128x128xf32, #tpu.memory_space<vmem>>, vector<1x16xf32>,
      %parallel_loop3A_277 = vector.shape_cast %parallel_loop3A_276 : vector<1x16xf32> to vector<16xf32>
      %parallel_loop3A_278 = arith.constant 8.000000e+00 : f32
      %parallel_loop3A_279 = vector.broadcast %parallel_loop3A_278 : f32 to vector<16xf32>
      %parallel_loop3A_280 = arith.mulf %parallel_loop3A_277, %parallel_loop3A_279 : vector<16xf32>
      %parallel_loop3A_281 = arith.index_cast %parallel_loop3A_237 : i32 to index
      %parallel_loop3A_282 = arith.constant 48 : index
      %parallel_loop3A_283 = tpu.vector_load %arg11[%parallel_loop3A_281, %parallel_loop3A_282] {strides = array<i32>} : memref<128x64xf32, #tpu.memory_space<vmem>>, vector<1x16xf32>,
      %parallel_loop3A_284 = vector.shape_cast %parallel_loop3A_283 : vector<1x16xf32> to vector<16xf32>
      %parallel_loop3A_285 = vector.shape_cast %parallel_loop3A_280 : vector<16xf32> to vector<1x16xf32>
      tpu.vector_store %arg11[%parallel_loop3A_281, %parallel_loop3A_282], %parallel_loop3A_285 {strides = array<i32>} : memref<128x64xf32, #tpu.memory_space<vmem>>, vector<1x16xf32>,
    } {sc.loop_unroll_factor = 4 : i64, sc.parallel_access}
    %dma_start3A_35 = arith.constant 640 : i32
    %dma_start3A_36 = tpu.memref_slice %arg5[%dma_start3A_35] : memref<6400xi32, #tpu.memory_space<vmem>> -> memref<128xi32, #tpu.memory_space<vmem>>
    %dma_start3A_37 = arith.constant 0 : i32
    %dma_start3A_38 = arith.constant 0 : i32
    %dma_start3A_39 = tpu.memref_slice %arg3[%dma_start3A_37, %dma_start3A_38] : memref<1000000x128xf32, #tpu.memory_space<hbm>> -> memref<1000000x128xf32, #tpu.memory_space<hbm>>
    tpu.enqueue_indirect_dma source(%dma_start3A_39 : memref<1000000x128xf32, #tpu.memory_space<hbm>>) target(%arg6 : memref<128x128xf32, #tpu.memory_space<vmem>>) offsets(%dma_start3A_36 : memref<128xi32, #tpu.memory_space<vmem>>) semaphore(%arg16 : memref<!tpu.dma_semaphore, #tpu.memory_space<semaphore_mem>>)
    %add3A_40 = arith.constant 0 : i32
    %add3A_41 = arith.addi %mul3A_4, %add3A_40 : i32
    %dma_start3A_42 = arith.constant 0 : i32
    %dma_start3A_43 = tpu.memref_slice %arg4[%add3A_41, %dma_start3A_42] : memref<204800x64xf32, #tpu.memory_space<hbm>> -> memref<128x64xf32, #tpu.memory_space<hbm>>
    %dma_start3A_44 = arith.constant 0 : i32
    %dma_start3A_45 = tpu.memref_slice %arg4[%add3A_41, %dma_start3A_44] : memref<204800x64xf32, #tpu.memory_space<hbm>> -> memref<128x64xf32, #tpu.memory_space<hbm>>
    tpu.enqueue_dma source(%arg11 : memref<128x64xf32, #tpu.memory_space<vmem>>) target(%dma_start3A_45 : memref<128x64xf32, #tpu.memory_space<hbm>>) target_semaphore(%arg21 : memref<!tpu.dma_semaphore, #tpu.memory_space<semaphore_mem>>)
    %dma_wait3A_46 = arith.constant 0 : i32
    %dma_wait3A_47 = tpu.memref_slice %arg5[%dma_wait3A_46] : memref<6400xi32, #tpu.memory_space<vmem>> -> memref<128xi32, #tpu.memory_space<vmem>>
    %dma_wait3A_48 = arith.constant 0 : i32
    %dma_wait3A_49 = arith.constant 0 : i32
    %dma_wait3A_50 = tpu.memref_slice %arg3[%dma_wait3A_48, %dma_wait3A_49] : memref<1000000x128xf32, #tpu.memory_space<hbm>> -> memref<1000000x128xf32, #tpu.memory_space<hbm>>
    tpu.wait_indirect_dma semaphore(%arg17 : memref<!tpu.dma_semaphore, #tpu.memory_space<semaphore_mem>>) src(%dma_wait3A_50 : memref<1000000x128xf32, #tpu.memory_space<hbm>>) dst(%arg7 : memref<128x128xf32, #tpu.memory_space<vmem>>)
    %parallel_loop3A_51 = arith.constant 0 : i32
    %parallel_loop3A_52 = arith.constant 128 : i32
    %parallel_loop3A_53 = arith.constant 1 : i32
    scf.for %parallel_loop3A_237 = %parallel_loop3A_51 to %parallel_loop3A_52 step %parallel_loop3A_53  : i32 {
      %parallel_loop3A_238 = arith.index_cast %parallel_loop3A_237 : i32 to index
      %parallel_loop3A_239 = arith.constant 0 : index
      %parallel_loop3A_240 = tpu.vector_load %arg7[%parallel_loop3A_238, %parallel_loop3A_239] {strides = array<i32>} : memref<128x128xf32, #tpu.memory_space<vmem>>, vector<1x16xf32>,
      %parallel_loop3A_241 = vector.shape_cast %parallel_loop3A_240 : vector<1x16xf32> to vector<16xf32>
      %parallel_loop3A_242 = arith.constant 8.000000e+00 : f32
      %parallel_loop3A_243 = vector.broadcast %parallel_loop3A_242 : f32 to vector<16xf32>
      %parallel_loop3A_244 = arith.mulf %parallel_loop3A_241, %parallel_loop3A_243 : vector<16xf32>
      %parallel_loop3A_245 = arith.index_cast %parallel_loop3A_237 : i32 to index
      %parallel_loop3A_246 = arith.constant 0 : index
      %parallel_loop3A_247 = tpu.vector_load %arg12[%parallel_loop3A_245, %parallel_loop3A_246] {strides = array<i32>} : memref<128x64xf32, #tpu.memory_space<vmem>>, vector<1x16xf32>,
      %parallel_loop3A_248 = vector.shape_cast %parallel_loop3A_247 : vector<1x16xf32> to vector<16xf32>
      %parallel_loop3A_249 = vector.shape_cast %parallel_loop3A_244 : vector<16xf32> to vector<1x16xf32>
      tpu.vector_store %arg12[%parallel_loop3A_245, %parallel_loop3A_246], %parallel_loop3A_249 {strides = array<i32>} : memref<128x64xf32, #tpu.memory_space<vmem>>, vector<1x16xf32>,
      %parallel_loop3A_250 = arith.index_cast %parallel_loop3A_237 : i32 to index
      %parallel_loop3A_251 = arith.constant 16 : index
      %parallel_loop3A_252 = tpu.vector_load %arg7[%parallel_loop3A_250, %parallel_loop3A_251] {strides = array<i32>} : memref<128x128xf32, #tpu.memory_space<vmem>>, vector<1x16xf32>,
      %parallel_loop3A_253 = vector.shape_cast %parallel_loop3A_252 : vector<1x16xf32> to vector<16xf32>
      %parallel_loop3A_254 = arith.constant 8.000000e+00 : f32
      %parallel_loop3A_255 = vector.broadcast %parallel_loop3A_254 : f32 to vector<16xf32>
      %parallel_loop3A_256 = arith.mulf %parallel_loop3A_253, %parallel_loop3A_255 : vector<16xf32>
      %parallel_loop3A_257 = arith.index_cast %parallel_loop3A_237 : i32 to index
      %parallel_loop3A_258 = arith.constant 16 : index
      %parallel_loop3A_259 = tpu.vector_load %arg12[%parallel_loop3A_257, %parallel_loop3A_258] {strides = array<i32>} : memref<128x64xf32, #tpu.memory_space<vmem>>, vector<1x16xf32>,
      %parallel_loop3A_260 = vector.shape_cast %parallel_loop3A_259 : vector<1x16xf32> to vector<16xf32>
      %parallel_loop3A_261 = vector.shape_cast %parallel_loop3A_256 : vector<16xf32> to vector<1x16xf32>
      tpu.vector_store %arg12[%parallel_loop3A_257, %parallel_loop3A_258], %parallel_loop3A_261 {strides = array<i32>} : memref<128x64xf32, #tpu.memory_space<vmem>>, vector<1x16xf32>,
      %parallel_loop3A_262 = arith.index_cast %parallel_loop3A_237 : i32 to index
      %parallel_loop3A_263 = arith.constant 32 : index
      %parallel_loop3A_264 = tpu.vector_load %arg7[%parallel_loop3A_262, %parallel_loop3A_263] {strides = array<i32>} : memref<128x128xf32, #tpu.memory_space<vmem>>, vector<1x16xf32>,
      %parallel_loop3A_265 = vector.shape_cast %parallel_loop3A_264 : vector<1x16xf32> to vector<16xf32>
      %parallel_loop3A_266 = arith.constant 8.000000e+00 : f32
      %parallel_loop3A_267 = vector.broadcast %parallel_loop3A_266 : f32 to vector<16xf32>
      %parallel_loop3A_268 = arith.mulf %parallel_loop3A_265, %parallel_loop3A_267 : vector<16xf32>
      %parallel_loop3A_269 = arith.index_cast %parallel_loop3A_237 : i32 to index
      %parallel_loop3A_270 = arith.constant 32 : index
      %parallel_loop3A_271 = tpu.vector_load %arg12[%parallel_loop3A_269, %parallel_loop3A_270] {strides = array<i32>} : memref<128x64xf32, #tpu.memory_space<vmem>>, vector<1x16xf32>,
      %parallel_loop3A_272 = vector.shape_cast %parallel_loop3A_271 : vector<1x16xf32> to vector<16xf32>
      %parallel_loop3A_273 = vector.shape_cast %parallel_loop3A_268 : vector<16xf32> to vector<1x16xf32>
      tpu.vector_store %arg12[%parallel_loop3A_269, %parallel_loop3A_270], %parallel_loop3A_273 {strides = array<i32>} : memref<128x64xf32, #tpu.memory_space<vmem>>, vector<1x16xf32>,
      %parallel_loop3A_274 = arith.index_cast %parallel_loop3A_237 : i32 to index
      %parallel_loop3A_275 = arith.constant 48 : index
      %parallel_loop3A_276 = tpu.vector_load %arg7[%parallel_loop3A_274, %parallel_loop3A_275] {strides = array<i32>} : memref<128x128xf32, #tpu.memory_space<vmem>>, vector<1x16xf32>,
      %parallel_loop3A_277 = vector.shape_cast %parallel_loop3A_276 : vector<1x16xf32> to vector<16xf32>
      %parallel_loop3A_278 = arith.constant 8.000000e+00 : f32
      %parallel_loop3A_279 = vector.broadcast %parallel_loop3A_278 : f32 to vector<16xf32>
      %parallel_loop3A_280 = arith.mulf %parallel_loop3A_277, %parallel_loop3A_279 : vector<16xf32>
      %parallel_loop3A_281 = arith.index_cast %parallel_loop3A_237 : i32 to index
      %parallel_loop3A_282 = arith.constant 48 : index
      %parallel_loop3A_283 = tpu.vector_load %arg12[%parallel_loop3A_281, %parallel_loop3A_282] {strides = array<i32>} : memref<128x64xf32, #tpu.memory_space<vmem>>, vector<1x16xf32>,
      %parallel_loop3A_284 = vector.shape_cast %parallel_loop3A_283 : vector<1x16xf32> to vector<16xf32>
      %parallel_loop3A_285 = vector.shape_cast %parallel_loop3A_280 : vector<16xf32> to vector<1x16xf32>
      tpu.vector_store %arg12[%parallel_loop3A_281, %parallel_loop3A_282], %parallel_loop3A_285 {strides = array<i32>} : memref<128x64xf32, #tpu.memory_space<vmem>>, vector<1x16xf32>,
    } {sc.loop_unroll_factor = 4 : i64, sc.parallel_access}
    %dma_start3A_54 = arith.constant 768 : i32
    %dma_start3A_55 = tpu.memref_slice %arg5[%dma_start3A_54] : memref<6400xi32, #tpu.memory_space<vmem>> -> memref<128xi32, #tpu.memory_space<vmem>>
    %dma_start3A_56 = arith.constant 0 : i32
    %dma_start3A_57 = arith.constant 0 : i32
    %dma_start3A_58 = tpu.memref_slice %arg3[%dma_start3A_56, %dma_start3A_57] : memref<1000000x128xf32, #tpu.memory_space<hbm>> -> memref<1000000x128xf32, #tpu.memory_space<hbm>>
    tpu.enqueue_indirect_dma source(%dma_start3A_58 : memref<1000000x128xf32, #tpu.memory_space<hbm>>) target(%arg7 : memref<128x128xf32, #tpu.memory_space<vmem>>) offsets(%dma_start3A_55 : memref<128xi32, #tpu.memory_space<vmem>>) semaphore(%arg17 : memref<!tpu.dma_semaphore, #tpu.memory_space<semaphore_mem>>)
    %add3A_59 = arith.constant 128 : i32
    %add3A_60 = arith.addi %mul3A_4, %add3A_59 : i32
    %dma_start3A_61 = arith.constant 0 : i32
    %dma_start3A_62 = tpu.memref_slice %arg4[%add3A_60, %dma_start3A_61] : memref<204800x64xf32, #tpu.memory_space<hbm>> -> memref<128x64xf32, #tpu.memory_space<hbm>>
    %dma_start3A_63 = arith.constant 0 : i32
    %dma_start3A_64 = tpu.memref_slice %arg4[%add3A_60, %dma_start3A_63] : memref<204800x64xf32, #tpu.memory_space<hbm>> -> memref<128x64xf32, #tpu.memory_space<hbm>>
    tpu.enqueue_dma source(%arg12 : memref<128x64xf32, #tpu.memory_space<vmem>>) target(%dma_start3A_64 : memref<128x64xf32, #tpu.memory_space<hbm>>) target_semaphore(%arg22 : memref<!tpu.dma_semaphore, #tpu.memory_space<semaphore_mem>>)
    %dma_wait3A_65 = arith.constant 0 : i32
    %dma_wait3A_66 = tpu.memref_slice %arg5[%dma_wait3A_65] : memref<6400xi32, #tpu.memory_space<vmem>> -> memref<128xi32, #tpu.memory_space<vmem>>
    %dma_wait3A_67 = arith.constant 0 : i32
    %dma_wait3A_68 = arith.constant 0 : i32
    %dma_wait3A_69 = tpu.memref_slice %arg3[%dma_wait3A_67, %dma_wait3A_68] : memref<1000000x128xf32, #tpu.memory_space<hbm>> -> memref<1000000x128xf32, #tpu.memory_space<hbm>>
    tpu.wait_indirect_dma semaphore(%arg18 : memref<!tpu.dma_semaphore, #tpu.memory_space<semaphore_mem>>) src(%dma_wait3A_69 : memref<1000000x128xf32, #tpu.memory_space<hbm>>) dst(%arg8 : memref<128x128xf32, #tpu.memory_space<vmem>>)
    %parallel_loop3A_70 = arith.constant 0 : i32
    %parallel_loop3A_71 = arith.constant 128 : i32
    %parallel_loop3A_72 = arith.constant 1 : i32
    scf.for %parallel_loop3A_237 = %parallel_loop3A_70 to %parallel_loop3A_71 step %parallel_loop3A_72  : i32 {
      %parallel_loop3A_238 = arith.index_cast %parallel_loop3A_237 : i32 to index
      %parallel_loop3A_239 = arith.constant 0 : index
      %parallel_loop3A_240 = tpu.vector_load %arg8[%parallel_loop3A_238, %parallel_loop3A_239] {strides = array<i32>} : memref<128x128xf32, #tpu.memory_space<vmem>>, vector<1x16xf32>,
      %parallel_loop3A_241 = vector.shape_cast %parallel_loop3A_240 : vector<1x16xf32> to vector<16xf32>
      %parallel_loop3A_242 = arith.constant 8.000000e+00 : f32
      %parallel_loop3A_243 = vector.broadcast %parallel_loop3A_242 : f32 to vector<16xf32>
      %parallel_loop3A_244 = arith.mulf %parallel_loop3A_241, %parallel_loop3A_243 : vector<16xf32>
      %parallel_loop3A_245 = arith.index_cast %parallel_loop3A_237 : i32 to index
      %parallel_loop3A_246 = arith.constant 0 : index
      %parallel_loop3A_247 = tpu.vector_load %arg13[%parallel_loop3A_245, %parallel_loop3A_246] {strides = array<i32>} : memref<128x64xf32, #tpu.memory_space<vmem>>, vector<1x16xf32>,
      %parallel_loop3A_248 = vector.shape_cast %parallel_loop3A_247 : vector<1x16xf32> to vector<16xf32>
      %parallel_loop3A_249 = vector.shape_cast %parallel_loop3A_244 : vector<16xf32> to vector<1x16xf32>
      tpu.vector_store %arg13[%parallel_loop3A_245, %parallel_loop3A_246], %parallel_loop3A_249 {strides = array<i32>} : memref<128x64xf32, #tpu.memory_space<vmem>>, vector<1x16xf32>,
      %parallel_loop3A_250 = arith.index_cast %parallel_loop3A_237 : i32 to index
      %parallel_loop3A_251 = arith.constant 16 : index
      %parallel_loop3A_252 = tpu.vector_load %arg8[%parallel_loop3A_250, %parallel_loop3A_251] {strides = array<i32>} : memref<128x128xf32, #tpu.memory_space<vmem>>, vector<1x16xf32>,
      %parallel_loop3A_253 = vector.shape_cast %parallel_loop3A_252 : vector<1x16xf32> to vector<16xf32>
      %parallel_loop3A_254 = arith.constant 8.000000e+00 : f32
      %parallel_loop3A_255 = vector.broadcast %parallel_loop3A_254 : f32 to vector<16xf32>
      %parallel_loop3A_256 = arith.mulf %parallel_loop3A_253, %parallel_loop3A_255 : vector<16xf32>
      %parallel_loop3A_257 = arith.index_cast %parallel_loop3A_237 : i32 to index
      %parallel_loop3A_258 = arith.constant 16 : index
      %parallel_loop3A_259 = tpu.vector_load %arg13[%parallel_loop3A_257, %parallel_loop3A_258] {strides = array<i32>} : memref<128x64xf32, #tpu.memory_space<vmem>>, vector<1x16xf32>,
      %parallel_loop3A_260 = vector.shape_cast %parallel_loop3A_259 : vector<1x16xf32> to vector<16xf32>
      %parallel_loop3A_261 = vector.shape_cast %parallel_loop3A_256 : vector<16xf32> to vector<1x16xf32>
      tpu.vector_store %arg13[%parallel_loop3A_257, %parallel_loop3A_258], %parallel_loop3A_261 {strides = array<i32>} : memref<128x64xf32, #tpu.memory_space<vmem>>, vector<1x16xf32>,
      %parallel_loop3A_262 = arith.index_cast %parallel_loop3A_237 : i32 to index
      %parallel_loop3A_263 = arith.constant 32 : index
      %parallel_loop3A_264 = tpu.vector_load %arg8[%parallel_loop3A_262, %parallel_loop3A_263] {strides = array<i32>} : memref<128x128xf32, #tpu.memory_space<vmem>>, vector<1x16xf32>,
      %parallel_loop3A_265 = vector.shape_cast %parallel_loop3A_264 : vector<1x16xf32> to vector<16xf32>
      %parallel_loop3A_266 = arith.constant 8.000000e+00 : f32
      %parallel_loop3A_267 = vector.broadcast %parallel_loop3A_266 : f32 to vector<16xf32>
      %parallel_loop3A_268 = arith.mulf %parallel_loop3A_265, %parallel_loop3A_267 : vector<16xf32>
      %parallel_loop3A_269 = arith.index_cast %parallel_loop3A_237 : i32 to index
      %parallel_loop3A_270 = arith.constant 32 : index
      %parallel_loop3A_271 = tpu.vector_load %arg13[%parallel_loop3A_269, %parallel_loop3A_270] {strides = array<i32>} : memref<128x64xf32, #tpu.memory_space<vmem>>, vector<1x16xf32>,
      %parallel_loop3A_272 = vector.shape_cast %parallel_loop3A_271 : vector<1x16xf32> to vector<16xf32>
      %parallel_loop3A_273 = vector.shape_cast %parallel_loop3A_268 : vector<16xf32> to vector<1x16xf32>
      tpu.vector_store %arg13[%parallel_loop3A_269, %parallel_loop3A_270], %parallel_loop3A_273 {strides = array<i32>} : memref<128x64xf32, #tpu.memory_space<vmem>>, vector<1x16xf32>,
      %parallel_loop3A_274 = arith.index_cast %parallel_loop3A_237 : i32 to index
      %parallel_loop3A_275 = arith.constant 48 : index
      %parallel_loop3A_276 = tpu.vector_load %arg8[%parallel_loop3A_274, %parallel_loop3A_275] {strides = array<i32>} : memref<128x128xf32, #tpu.memory_space<vmem>>, vector<1x16xf32>,
      %parallel_loop3A_277 = vector.shape_cast %parallel_loop3A_276 : vector<1x16xf32> to vector<16xf32>
      %parallel_loop3A_278 = arith.constant 8.000000e+00 : f32
      %parallel_loop3A_279 = vector.broadcast %parallel_loop3A_278 : f32 to vector<16xf32>
      %parallel_loop3A_280 = arith.mulf %parallel_loop3A_277, %parallel_loop3A_279 : vector<16xf32>
      %parallel_loop3A_281 = arith.index_cast %parallel_loop3A_237 : i32 to index
      %parallel_loop3A_282 = arith.constant 48 : index
      %parallel_loop3A_283 = tpu.vector_load %arg13[%parallel_loop3A_281, %parallel_loop3A_282] {strides = array<i32>} : memref<128x64xf32, #tpu.memory_space<vmem>>, vector<1x16xf32>,
      %parallel_loop3A_284 = vector.shape_cast %parallel_loop3A_283 : vector<1x16xf32> to vector<16xf32>
      %parallel_loop3A_285 = vector.shape_cast %parallel_loop3A_280 : vector<16xf32> to vector<1x16xf32>
      tpu.vector_store %arg13[%parallel_loop3A_281, %parallel_loop3A_282], %parallel_loop3A_285 {strides = array<i32>} : memref<128x64xf32, #tpu.memory_space<vmem>>, vector<1x16xf32>,
    } {sc.loop_unroll_factor = 4 : i64, sc.parallel_access}
    %dma_start3A_73 = arith.constant 896 : i32
    %dma_start3A_74 = tpu.memref_slice %arg5[%dma_start3A_73] : memref<6400xi32, #tpu.memory_space<vmem>> -> memref<128xi32, #tpu.memory_space<vmem>>
    %dma_start3A_75 = arith.constant 0 : i32
    %dma_start3A_76 = arith.constant 0 : i32
    %dma_start3A_77 = tpu.memref_slice %arg3[%dma_start3A_75, %dma_start3A_76] : memref<1000000x128xf32, #tpu.memory_space<hbm>> -> memref<1000000x128xf32, #tpu.memory_space<hbm>>
    tpu.enqueue_indirect_dma source(%dma_start3A_77 : memref<1000000x128xf32, #tpu.memory_space<hbm>>) target(%arg8 : memref<128x128xf32, #tpu.memory_space<vmem>>) offsets(%dma_start3A_74 : memref<128xi32, #tpu.memory_space<vmem>>) semaphore(%arg18 : memref<!tpu.dma_semaphore, #tpu.memory_space<semaphore_mem>>)
    %add3A_78 = arith.constant 256 : i32
    %add3A_79 = arith.addi %mul3A_4, %add3A_78 : i32
    %dma_start3A_80 = arith.constant 0 : i32
    %dma_start3A_81 = tpu.memref_slice %arg4[%add3A_79, %dma_start3A_80] : memref<204800x64xf32, #tpu.memory_space<hbm>> -> memref<128x64xf32, #tpu.memory_space<hbm>>
    %dma_start3A_82 = arith.constant 0 : i32
    %dma_start3A_83 = tpu.memref_slice %arg4[%add3A_79, %dma_start3A_82] : memref<204800x64xf32, #tpu.memory_space<hbm>> -> memref<128x64xf32, #tpu.memory_space<hbm>>
    tpu.enqueue_dma source(%arg13 : memref<128x64xf32, #tpu.memory_space<vmem>>) target(%dma_start3A_83 : memref<128x64xf32, #tpu.memory_space<hbm>>) target_semaphore(%arg23 : memref<!tpu.dma_semaphore, #tpu.memory_space<semaphore_mem>>)
    %dma_wait3A_84 = arith.constant 0 : i32
    %dma_wait3A_85 = tpu.memref_slice %arg5[%dma_wait3A_84] : memref<6400xi32, #tpu.memory_space<vmem>> -> memref<128xi32, #tpu.memory_space<vmem>>
    %dma_wait3A_86 = arith.constant 0 : i32
    %dma_wait3A_87 = arith.constant 0 : i32
    %dma_wait3A_88 = tpu.memref_slice %arg3[%dma_wait3A_86, %dma_wait3A_87] : memref<1000000x128xf32, #tpu.memory_space<hbm>> -> memref<1000000x128xf32, #tpu.memory_space<hbm>>
    tpu.wait_indirect_dma semaphore(%arg19 : memref<!tpu.dma_semaphore, #tpu.memory_space<semaphore_mem>>) src(%dma_wait3A_88 : memref<1000000x128xf32, #tpu.memory_space<hbm>>) dst(%arg9 : memref<128x128xf32, #tpu.memory_space<vmem>>)
    %parallel_loop3A_89 = arith.constant 0 : i32
    %parallel_loop3A_90 = arith.constant 128 : i32
    %parallel_loop3A_91 = arith.constant 1 : i32
    scf.for %parallel_loop3A_237 = %parallel_loop3A_89 to %parallel_loop3A_90 step %parallel_loop3A_91  : i32 {
      %parallel_loop3A_238 = arith.index_cast %parallel_loop3A_237 : i32 to index
      %parallel_loop3A_239 = arith.constant 0 : index
      %parallel_loop3A_240 = tpu.vector_load %arg9[%parallel_loop3A_238, %parallel_loop3A_239] {strides = array<i32>} : memref<128x128xf32, #tpu.memory_space<vmem>>, vector<1x16xf32>,
      %parallel_loop3A_241 = vector.shape_cast %parallel_loop3A_240 : vector<1x16xf32> to vector<16xf32>
      %parallel_loop3A_242 = arith.constant 8.000000e+00 : f32
      %parallel_loop3A_243 = vector.broadcast %parallel_loop3A_242 : f32 to vector<16xf32>
      %parallel_loop3A_244 = arith.mulf %parallel_loop3A_241, %parallel_loop3A_243 : vector<16xf32>
      %parallel_loop3A_245 = arith.index_cast %parallel_loop3A_237 : i32 to index
      %parallel_loop3A_246 = arith.constant 0 : index
      %parallel_loop3A_247 = tpu.vector_load %arg14[%parallel_loop3A_245, %parallel_loop3A_246] {strides = array<i32>} : memref<128x64xf32, #tpu.memory_space<vmem>>, vector<1x16xf32>,
      %parallel_loop3A_248 = vector.shape_cast %parallel_loop3A_247 : vector<1x16xf32> to vector<16xf32>
      %parallel_loop3A_249 = vector.shape_cast %parallel_loop3A_244 : vector<16xf32> to vector<1x16xf32>
      tpu.vector_store %arg14[%parallel_loop3A_245, %parallel_loop3A_246], %parallel_loop3A_249 {strides = array<i32>} : memref<128x64xf32, #tpu.memory_space<vmem>>, vector<1x16xf32>,
      %parallel_loop3A_250 = arith.index_cast %parallel_loop3A_237 : i32 to index
      %parallel_loop3A_251 = arith.constant 16 : index
      %parallel_loop3A_252 = tpu.vector_load %arg9[%parallel_loop3A_250, %parallel_loop3A_251] {strides = array<i32>} : memref<128x128xf32, #tpu.memory_space<vmem>>, vector<1x16xf32>,
      %parallel_loop3A_253 = vector.shape_cast %parallel_loop3A_252 : vector<1x16xf32> to vector<16xf32>
      %parallel_loop3A_254 = arith.constant 8.000000e+00 : f32
      %parallel_loop3A_255 = vector.broadcast %parallel_loop3A_254 : f32 to vector<16xf32>
      %parallel_loop3A_256 = arith.mulf %parallel_loop3A_253, %parallel_loop3A_255 : vector<16xf32>
      %parallel_loop3A_257 = arith.index_cast %parallel_loop3A_237 : i32 to index
      %parallel_loop3A_258 = arith.constant 16 : index
      %parallel_loop3A_259 = tpu.vector_load %arg14[%parallel_loop3A_257, %parallel_loop3A_258] {strides = array<i32>} : memref<128x64xf32, #tpu.memory_space<vmem>>, vector<1x16xf32>,
      %parallel_loop3A_260 = vector.shape_cast %parallel_loop3A_259 : vector<1x16xf32> to vector<16xf32>
      %parallel_loop3A_261 = vector.shape_cast %parallel_loop3A_256 : vector<16xf32> to vector<1x16xf32>
      tpu.vector_store %arg14[%parallel_loop3A_257, %parallel_loop3A_258], %parallel_loop3A_261 {strides = array<i32>} : memref<128x64xf32, #tpu.memory_space<vmem>>, vector<1x16xf32>,
      %parallel_loop3A_262 = arith.index_cast %parallel_loop3A_237 : i32 to index
      %parallel_loop3A_263 = arith.constant 32 : index
      %parallel_loop3A_264 = tpu.vector_load %arg9[%parallel_loop3A_262, %parallel_loop3A_263] {strides = array<i32>} : memref<128x128xf32, #tpu.memory_space<vmem>>, vector<1x16xf32>,
      %parallel_loop3A_265 = vector.shape_cast %parallel_loop3A_264 : vector<1x16xf32> to vector<16xf32>
      %parallel_loop3A_266 = arith.constant 8.000000e+00 : f32
      %parallel_loop3A_267 = vector.broadcast %parallel_loop3A_266 : f32 to vector<16xf32>
      %parallel_loop3A_268 = arith.mulf %parallel_loop3A_265, %parallel_loop3A_267 : vector<16xf32>
      %parallel_loop3A_269 = arith.index_cast %parallel_loop3A_237 : i32 to index
      %parallel_loop3A_270 = arith.constant 32 : index
      %parallel_loop3A_271 = tpu.vector_load %arg14[%parallel_loop3A_269, %parallel_loop3A_270] {strides = array<i32>} : memref<128x64xf32, #tpu.memory_space<vmem>>, vector<1x16xf32>,
      %parallel_loop3A_272 = vector.shape_cast %parallel_loop3A_271 : vector<1x16xf32> to vector<16xf32>
      %parallel_loop3A_273 = vector.shape_cast %parallel_loop3A_268 : vector<16xf32> to vector<1x16xf32>
      tpu.vector_store %arg14[%parallel_loop3A_269, %parallel_loop3A_270], %parallel_loop3A_273 {strides = array<i32>} : memref<128x64xf32, #tpu.memory_space<vmem>>, vector<1x16xf32>,
      %parallel_loop3A_274 = arith.index_cast %parallel_loop3A_237 : i32 to index
      %parallel_loop3A_275 = arith.constant 48 : index
      %parallel_loop3A_276 = tpu.vector_load %arg9[%parallel_loop3A_274, %parallel_loop3A_275] {strides = array<i32>} : memref<128x128xf32, #tpu.memory_space<vmem>>, vector<1x16xf32>,
      %parallel_loop3A_277 = vector.shape_cast %parallel_loop3A_276 : vector<1x16xf32> to vector<16xf32>
      %parallel_loop3A_278 = arith.constant 8.000000e+00 : f32
      %parallel_loop3A_279 = vector.broadcast %parallel_loop3A_278 : f32 to vector<16xf32>
      %parallel_loop3A_280 = arith.mulf %parallel_loop3A_277, %parallel_loop3A_279 : vector<16xf32>
      %parallel_loop3A_281 = arith.index_cast %parallel_loop3A_237 : i32 to index
      %parallel_loop3A_282 = arith.constant 48 : index
      %parallel_loop3A_283 = tpu.vector_load %arg14[%parallel_loop3A_281, %parallel_loop3A_282] {strides = array<i32>} : memref<128x64xf32, #tpu.memory_space<vmem>>, vector<1x16xf32>,
      %parallel_loop3A_284 = vector.shape_cast %parallel_loop3A_283 : vector<1x16xf32> to vector<16xf32>
      %parallel_loop3A_285 = vector.shape_cast %parallel_loop3A_280 : vector<16xf32> to vector<1x16xf32>
      tpu.vector_store %arg14[%parallel_loop3A_281, %parallel_loop3A_282], %parallel_loop3A_285 {strides = array<i32>} : memref<128x64xf32, #tpu.memory_space<vmem>>, vector<1x16xf32>,
    } {sc.loop_unroll_factor = 4 : i64, sc.parallel_access}
    %dma_start3A_92 = arith.constant 1024 : i32
    %dma_start3A_93 = tpu.memref_slice %arg5[%dma_start3A_92] : memref<6400xi32, #tpu.memory_space<vmem>> -> memref<128xi32, #tpu.memory_space<vmem>>
    %dma_start3A_94 = arith.constant 0 : i32
    %dma_start3A_95 = arith.constant 0 : i32
    %dma_start3A_96 = tpu.memref_slice %arg3[%dma_start3A_94, %dma_start3A_95] : memref<1000000x128xf32, #tpu.memory_space<hbm>> -> memref<1000000x128xf32, #tpu.memory_space<hbm>>
    tpu.enqueue_indirect_dma source(%dma_start3A_96 : memref<1000000x128xf32, #tpu.memory_space<hbm>>) target(%arg9 : memref<128x128xf32, #tpu.memory_space<vmem>>) offsets(%dma_start3A_93 : memref<128xi32, #tpu.memory_space<vmem>>) semaphore(%arg19 : memref<!tpu.dma_semaphore, #tpu.memory_space<semaphore_mem>>)
    %add3A_97 = arith.constant 384 : i32
    %add3A_98 = arith.addi %mul3A_4, %add3A_97 : i32
    %dma_start3A_99 = arith.constant 0 : i32
    %dma_start3A_100 = tpu.memref_slice %arg4[%add3A_98, %dma_start3A_99] : memref<204800x64xf32, #tpu.memory_space<hbm>> -> memref<128x64xf32, #tpu.memory_space<hbm>>
    %dma_start3A_101 = arith.constant 0 : i32
    %dma_start3A_102 = tpu.memref_slice %arg4[%add3A_98, %dma_start3A_101] : memref<204800x64xf32, #tpu.memory_space<hbm>> -> memref<128x64xf32, #tpu.memory_space<hbm>>
    tpu.enqueue_dma source(%arg14 : memref<128x64xf32, #tpu.memory_space<vmem>>) target(%dma_start3A_102 : memref<128x64xf32, #tpu.memory_space<hbm>>) target_semaphore(%arg24 : memref<!tpu.dma_semaphore, #tpu.memory_space<semaphore_mem>>)
    %dma_wait3A_103 = arith.constant 0 : i32
    %dma_wait3A_104 = tpu.memref_slice %arg5[%dma_wait3A_103] : memref<6400xi32, #tpu.memory_space<vmem>> -> memref<128xi32, #tpu.memory_space<vmem>>
    %dma_wait3A_105 = arith.constant 0 : i32
    %dma_wait3A_106 = arith.constant 0 : i32
    %dma_wait3A_107 = tpu.memref_slice %arg3[%dma_wait3A_105, %dma_wait3A_106] : memref<1000000x128xf32, #tpu.memory_space<hbm>> -> memref<1000000x128xf32, #tpu.memory_space<hbm>>
    tpu.wait_indirect_dma semaphore(%arg20 : memref<!tpu.dma_semaphore, #tpu.memory_space<semaphore_mem>>) src(%dma_wait3A_107 : memref<1000000x128xf32, #tpu.memory_space<hbm>>) dst(%arg10 : memref<128x128xf32, #tpu.memory_space<vmem>>)
    %parallel_loop3A_108 = arith.constant 0 : i32
    %parallel_loop3A_109 = arith.constant 128 : i32
    %parallel_loop3A_110 = arith.constant 1 : i32
    scf.for %parallel_loop3A_237 = %parallel_loop3A_108 to %parallel_loop3A_109 step %parallel_loop3A_110  : i32 {
      %parallel_loop3A_238 = arith.index_cast %parallel_loop3A_237 : i32 to index
      %parallel_loop3A_239 = arith.constant 0 : index
      %parallel_loop3A_240 = tpu.vector_load %arg10[%parallel_loop3A_238, %parallel_loop3A_239] {strides = array<i32>} : memref<128x128xf32, #tpu.memory_space<vmem>>, vector<1x16xf32>,
      %parallel_loop3A_241 = vector.shape_cast %parallel_loop3A_240 : vector<1x16xf32> to vector<16xf32>
      %parallel_loop3A_242 = arith.constant 8.000000e+00 : f32
      %parallel_loop3A_243 = vector.broadcast %parallel_loop3A_242 : f32 to vector<16xf32>
      %parallel_loop3A_244 = arith.mulf %parallel_loop3A_241, %parallel_loop3A_243 : vector<16xf32>
      %parallel_loop3A_245 = arith.index_cast %parallel_loop3A_237 : i32 to index
      %parallel_loop3A_246 = arith.constant 0 : index
      %parallel_loop3A_247 = tpu.vector_load %arg15[%parallel_loop3A_245, %parallel_loop3A_246] {strides = array<i32>} : memref<128x64xf32, #tpu.memory_space<vmem>>, vector<1x16xf32>,
      %parallel_loop3A_248 = vector.shape_cast %parallel_loop3A_247 : vector<1x16xf32> to vector<16xf32>
      %parallel_loop3A_249 = vector.shape_cast %parallel_loop3A_244 : vector<16xf32> to vector<1x16xf32>
      tpu.vector_store %arg15[%parallel_loop3A_245, %parallel_loop3A_246], %parallel_loop3A_249 {strides = array<i32>} : memref<128x64xf32, #tpu.memory_space<vmem>>, vector<1x16xf32>,
      %parallel_loop3A_250 = arith.index_cast %parallel_loop3A_237 : i32 to index
      %parallel_loop3A_251 = arith.constant 16 : index
      %parallel_loop3A_252 = tpu.vector_load %arg10[%parallel_loop3A_250, %parallel_loop3A_251] {strides = array<i32>} : memref<128x128xf32, #tpu.memory_space<vmem>>, vector<1x16xf32>,
      %parallel_loop3A_253 = vector.shape_cast %parallel_loop3A_252 : vector<1x16xf32> to vector<16xf32>
      %parallel_loop3A_254 = arith.constant 8.000000e+00 : f32
      %parallel_loop3A_255 = vector.broadcast %parallel_loop3A_254 : f32 to vector<16xf32>
      %parallel_loop3A_256 = arith.mulf %parallel_loop3A_253, %parallel_loop3A_255 : vector<16xf32>
      %parallel_loop3A_257 = arith.index_cast %parallel_loop3A_237 : i32 to index
      %parallel_loop3A_258 = arith.constant 16 : index
      %parallel_loop3A_259 = tpu.vector_load %arg15[%parallel_loop3A_257, %parallel_loop3A_258] {strides = array<i32>} : memref<128x64xf32, #tpu.memory_space<vmem>>, vector<1x16xf32>,
      %parallel_loop3A_260 = vector.shape_cast %parallel_loop3A_259 : vector<1x16xf32> to vector<16xf32>
      %parallel_loop3A_261 = vector.shape_cast %parallel_loop3A_256 : vector<16xf32> to vector<1x16xf32>
      tpu.vector_store %arg15[%parallel_loop3A_257, %parallel_loop3A_258], %parallel_loop3A_261 {strides = array<i32>} : memref<128x64xf32, #tpu.memory_space<vmem>>, vector<1x16xf32>,
      %parallel_loop3A_262 = arith.index_cast %parallel_loop3A_237 : i32 to index
      %parallel_loop3A_263 = arith.constant 32 : index
      %parallel_loop3A_264 = tpu.vector_load %arg10[%parallel_loop3A_262, %parallel_loop3A_263] {strides = array<i32>} : memref<128x128xf32, #tpu.memory_space<vmem>>, vector<1x16xf32>,
      %parallel_loop3A_265 = vector.shape_cast %parallel_loop3A_264 : vector<1x16xf32> to vector<16xf32>
      %parallel_loop3A_266 = arith.constant 8.000000e+00 : f32
      %parallel_loop3A_267 = vector.broadcast %parallel_loop3A_266 : f32 to vector<16xf32>
      %parallel_loop3A_268 = arith.mulf %parallel_loop3A_265, %parallel_loop3A_267 : vector<16xf32>
      %parallel_loop3A_269 = arith.index_cast %parallel_loop3A_237 : i32 to index
      %parallel_loop3A_270 = arith.constant 32 : index
      %parallel_loop3A_271 = tpu.vector_load %arg15[%parallel_loop3A_269, %parallel_loop3A_270] {strides = array<i32>} : memref<128x64xf32, #tpu.memory_space<vmem>>, vector<1x16xf32>,
      %parallel_loop3A_272 = vector.shape_cast %parallel_loop3A_271 : vector<1x16xf32> to vector<16xf32>
      %parallel_loop3A_273 = vector.shape_cast %parallel_loop3A_268 : vector<16xf32> to vector<1x16xf32>
      tpu.vector_store %arg15[%parallel_loop3A_269, %parallel_loop3A_270], %parallel_loop3A_273 {strides = array<i32>} : memref<128x64xf32, #tpu.memory_space<vmem>>, vector<1x16xf32>,
      %parallel_loop3A_274 = arith.index_cast %parallel_loop3A_237 : i32 to index
      %parallel_loop3A_275 = arith.constant 48 : index
      %parallel_loop3A_276 = tpu.vector_load %arg10[%parallel_loop3A_274, %parallel_loop3A_275] {strides = array<i32>} : memref<128x128xf32, #tpu.memory_space<vmem>>, vector<1x16xf32>,
      %parallel_loop3A_277 = vector.shape_cast %parallel_loop3A_276 : vector<1x16xf32> to vector<16xf32>
      %parallel_loop3A_278 = arith.constant 8.000000e+00 : f32
      %parallel_loop3A_279 = vector.broadcast %parallel_loop3A_278 : f32 to vector<16xf32>
      %parallel_loop3A_280 = arith.mulf %parallel_loop3A_277, %parallel_loop3A_279 : vector<16xf32>
      %parallel_loop3A_281 = arith.index_cast %parallel_loop3A_237 : i32 to index
      %parallel_loop3A_282 = arith.constant 48 : index
      %parallel_loop3A_283 = tpu.vector_load %arg15[%parallel_loop3A_281, %parallel_loop3A_282] {strides = array<i32>} : memref<128x64xf32, #tpu.memory_space<vmem>>, vector<1x16xf32>,
      %parallel_loop3A_284 = vector.shape_cast %parallel_loop3A_283 : vector<1x16xf32> to vector<16xf32>
      %parallel_loop3A_285 = vector.shape_cast %parallel_loop3A_280 : vector<16xf32> to vector<1x16xf32>
      tpu.vector_store %arg15[%parallel_loop3A_281, %parallel_loop3A_282], %parallel_loop3A_285 {strides = array<i32>} : memref<128x64xf32, #tpu.memory_space<vmem>>, vector<1x16xf32>,
    } {sc.loop_unroll_factor = 4 : i64, sc.parallel_access}
    %dma_start3A_111 = arith.constant 1152 : i32
    %dma_start3A_112 = tpu.memref_slice %arg5[%dma_start3A_111] : memref<6400xi32, #tpu.memory_space<vmem>> -> memref<128xi32, #tpu.memory_space<vmem>>
    %dma_start3A_113 = arith.constant 0 : i32
    %dma_start3A_114 = arith.constant 0 : i32
    %dma_start3A_115 = tpu.memref_slice %arg3[%dma_start3A_113, %dma_start3A_114] : memref<1000000x128xf32, #tpu.memory_space<hbm>> -> memref<1000000x128xf32, #tpu.memory_space<hbm>>
    tpu.enqueue_indirect_dma source(%dma_start3A_115 : memref<1000000x128xf32, #tpu.memory_space<hbm>>) target(%arg10 : memref<128x128xf32, #tpu.memory_space<vmem>>) offsets(%dma_start3A_112 : memref<128xi32, #tpu.memory_space<vmem>>) semaphore(%arg20 : memref<!tpu.dma_semaphore, #tpu.memory_space<semaphore_mem>>)
    %add3A_116 = arith.constant 512 : i32
    %add3A_117 = arith.addi %mul3A_4, %add3A_116 : i32
    %dma_start3A_118 = arith.constant 0 : i32
    %dma_start3A_119 = tpu.memref_slice %arg4[%add3A_117, %dma_start3A_118] : memref<204800x64xf32, #tpu.memory_space<hbm>> -> memref<128x64xf32, #tpu.memory_space<hbm>>
    %dma_start3A_120 = arith.constant 0 : i32
    %dma_start3A_121 = tpu.memref_slice %arg4[%add3A_117, %dma_start3A_120] : memref<204800x64xf32, #tpu.memory_space<hbm>> -> memref<128x64xf32, #tpu.memory_space<hbm>>
    tpu.enqueue_dma source(%arg15 : memref<128x64xf32, #tpu.memory_space<vmem>>) target(%dma_start3A_121 : memref<128x64xf32, #tpu.memory_space<hbm>>) target_semaphore(%arg25 : memref<!tpu.dma_semaphore, #tpu.memory_space<semaphore_mem>>)
    %scan3A = arith.constant 0 : i32
    %scan3A_122 = arith.constant 1 : i32
    %scan3A_123 = arith.constant 8 : i32
    %scan3A_124 = arith.addi %scan3A_122, %scan3A_123 : i32
    %scan3A_125 = arith.constant 1 : i32
    scf.for %scan3A_237 = %scan3A_122 to %scan3A_124 step %scan3A_125  : i32 {
      %mul3A_238 = arith.constant 5 : i32
      %mul3A_239 = arith.muli %scan3A_237, %mul3A_238 : i32
      %add3A_240 = arith.constant 0 : i32
      %add3A_241 = arith.addi %mul3A_239, %add3A_240 : i32
      %dma_wait3A_242 = arith.constant 0 : i32
      %dma_wait3A_243 = tpu.memref_slice %arg5[%dma_wait3A_242] : memref<6400xi32, #tpu.memory_space<vmem>> -> memref<128xi32, #tpu.memory_space<vmem>>
      %dma_wait3A_244 = arith.constant 0 : i32
      %dma_wait3A_245 = arith.constant 0 : i32
      %dma_wait3A_246 = tpu.memref_slice %arg3[%dma_wait3A_244, %dma_wait3A_245] : memref<1000000x128xf32, #tpu.memory_space<hbm>> -> memref<1000000x128xf32, #tpu.memory_space<hbm>>
      tpu.wait_indirect_dma semaphore(%arg16 : memref<!tpu.dma_semaphore, #tpu.memory_space<semaphore_mem>>) src(%dma_wait3A_246 : memref<1000000x128xf32, #tpu.memory_space<hbm>>) dst(%arg6 : memref<128x128xf32, #tpu.memory_space<vmem>>)
      %dma_wait3A_247 = arith.constant 0 : i32
      %dma_wait3A_248 = tpu.memref_slice %arg4[%mul3A_4, %dma_wait3A_247] : memref<204800x64xf32, #tpu.memory_space<hbm>> -> memref<128x64xf32, #tpu.memory_space<hbm>>
      %dma_wait3A_249 = arith.constant 0 : i32
      %dma_wait3A_250 = tpu.memref_slice %arg4[%mul3A_4, %dma_wait3A_249] : memref<204800x64xf32, #tpu.memory_space<hbm>> -> memref<128x64xf32, #tpu.memory_space<hbm>>
      tpu.wait_dma2 semaphore(%arg21 : memref<!tpu.dma_semaphore, #tpu.memory_space<semaphore_mem>>) src(%arg11 : memref<128x64xf32, #tpu.memory_space<vmem>>) dst(%dma_wait3A_250 : memref<128x64xf32, #tpu.memory_space<hbm>>)
      %parallel_loop3A_251 = arith.constant 0 : i32
      %parallel_loop3A_252 = arith.constant 128 : i32
      %parallel_loop3A_253 = arith.constant 1 : i32
      scf.for %parallel_loop3A_393 = %parallel_loop3A_251 to %parallel_loop3A_252 step %parallel_loop3A_253  : i32 {
        %parallel_loop3A_394 = arith.index_cast %parallel_loop3A_393 : i32 to index
        %parallel_loop3A_395 = arith.constant 0 : index
        %parallel_loop3A_396 = tpu.vector_load %arg6[%parallel_loop3A_394, %parallel_loop3A_395] {strides = array<i32>} : memref<128x128xf32, #tpu.memory_space<vmem>>, vector<1x16xf32>,
        %parallel_loop3A_397 = vector.shape_cast %parallel_loop3A_396 : vector<1x16xf32> to vector<16xf32>
        %parallel_loop3A_398 = arith.constant 8.000000e+00 : f32
        %parallel_loop3A_399 = vector.broadcast %parallel_loop3A_398 : f32 to vector<16xf32>
        %parallel_loop3A_400 = arith.mulf %parallel_loop3A_397, %parallel_loop3A_399 : vector<16xf32>
        %parallel_loop3A_401 = arith.index_cast %parallel_loop3A_393 : i32 to index
        %parallel_loop3A_402 = arith.constant 0 : index
        %parallel_loop3A_403 = tpu.vector_load %arg11[%parallel_loop3A_401, %parallel_loop3A_402] {strides = array<i32>} : memref<128x64xf32, #tpu.memory_space<vmem>>, vector<1x16xf32>,
        %parallel_loop3A_404 = vector.shape_cast %parallel_loop3A_403 : vector<1x16xf32> to vector<16xf32>
        %parallel_loop3A_405 = vector.shape_cast %parallel_loop3A_400 : vector<16xf32> to vector<1x16xf32>
        tpu.vector_store %arg11[%parallel_loop3A_401, %parallel_loop3A_402], %parallel_loop3A_405 {strides = array<i32>} : memref<128x64xf32, #tpu.memory_space<vmem>>, vector<1x16xf32>,
        %parallel_loop3A_406 = arith.index_cast %parallel_loop3A_393 : i32 to index
        %parallel_loop3A_407 = arith.constant 16 : index
        %parallel_loop3A_408 = tpu.vector_load %arg6[%parallel_loop3A_406, %parallel_loop3A_407] {strides = array<i32>} : memref<128x128xf32, #tpu.memory_space<vmem>>, vector<1x16xf32>,
        %parallel_loop3A_409 = vector.shape_cast %parallel_loop3A_408 : vector<1x16xf32> to vector<16xf32>
        %parallel_loop3A_410 = arith.constant 8.000000e+00 : f32
        %parallel_loop3A_411 = vector.broadcast %parallel_loop3A_410 : f32 to vector<16xf32>
        %parallel_loop3A_412 = arith.mulf %parallel_loop3A_409, %parallel_loop3A_411 : vector<16xf32>
        %parallel_loop3A_413 = arith.index_cast %parallel_loop3A_393 : i32 to index
        %parallel_loop3A_414 = arith.constant 16 : index
        %parallel_loop3A_415 = tpu.vector_load %arg11[%parallel_loop3A_413, %parallel_loop3A_414] {strides = array<i32>} : memref<128x64xf32, #tpu.memory_space<vmem>>, vector<1x16xf32>,
        %parallel_loop3A_416 = vector.shape_cast %parallel_loop3A_415 : vector<1x16xf32> to vector<16xf32>
        %parallel_loop3A_417 = vector.shape_cast %parallel_loop3A_412 : vector<16xf32> to vector<1x16xf32>
        tpu.vector_store %arg11[%parallel_loop3A_413, %parallel_loop3A_414], %parallel_loop3A_417 {strides = array<i32>} : memref<128x64xf32, #tpu.memory_space<vmem>>, vector<1x16xf32>,
        %parallel_loop3A_418 = arith.index_cast %parallel_loop3A_393 : i32 to index
        %parallel_loop3A_419 = arith.constant 32 : index
        %parallel_loop3A_420 = tpu.vector_load %arg6[%parallel_loop3A_418, %parallel_loop3A_419] {strides = array<i32>} : memref<128x128xf32, #tpu.memory_space<vmem>>, vector<1x16xf32>,
        %parallel_loop3A_421 = vector.shape_cast %parallel_loop3A_420 : vector<1x16xf32> to vector<16xf32>
        %parallel_loop3A_422 = arith.constant 8.000000e+00 : f32
        %parallel_loop3A_423 = vector.broadcast %parallel_loop3A_422 : f32 to vector<16xf32>
        %parallel_loop3A_424 = arith.mulf %parallel_loop3A_421, %parallel_loop3A_423 : vector<16xf32>
        %parallel_loop3A_425 = arith.index_cast %parallel_loop3A_393 : i32 to index
        %parallel_loop3A_426 = arith.constant 32 : index
        %parallel_loop3A_427 = tpu.vector_load %arg11[%parallel_loop3A_425, %parallel_loop3A_426] {strides = array<i32>} : memref<128x64xf32, #tpu.memory_space<vmem>>, vector<1x16xf32>,
        %parallel_loop3A_428 = vector.shape_cast %parallel_loop3A_427 : vector<1x16xf32> to vector<16xf32>
        %parallel_loop3A_429 = vector.shape_cast %parallel_loop3A_424 : vector<16xf32> to vector<1x16xf32>
        tpu.vector_store %arg11[%parallel_loop3A_425, %parallel_loop3A_426], %parallel_loop3A_429 {strides = array<i32>} : memref<128x64xf32, #tpu.memory_space<vmem>>, vector<1x16xf32>,
        %parallel_loop3A_430 = arith.index_cast %parallel_loop3A_393 : i32 to index
        %parallel_loop3A_431 = arith.constant 48 : index
        %parallel_loop3A_432 = tpu.vector_load %arg6[%parallel_loop3A_430, %parallel_loop3A_431] {strides = array<i32>} : memref<128x128xf32, #tpu.memory_space<vmem>>, vector<1x16xf32>,
        %parallel_loop3A_433 = vector.shape_cast %parallel_loop3A_432 : vector<1x16xf32> to vector<16xf32>
        %parallel_loop3A_434 = arith.constant 8.000000e+00 : f32
        %parallel_loop3A_435 = vector.broadcast %parallel_loop3A_434 : f32 to vector<16xf32>
        %parallel_loop3A_436 = arith.mulf %parallel_loop3A_433, %parallel_loop3A_435 : vector<16xf32>
        %parallel_loop3A_437 = arith.index_cast %parallel_loop3A_393 : i32 to index
        %parallel_loop3A_438 = arith.constant 48 : index
        %parallel_loop3A_439 = tpu.vector_load %arg11[%parallel_loop3A_437, %parallel_loop3A_438] {strides = array<i32>} : memref<128x64xf32, #tpu.memory_space<vmem>>, vector<1x16xf32>,
        %parallel_loop3A_440 = vector.shape_cast %parallel_loop3A_439 : vector<1x16xf32> to vector<16xf32>
        %parallel_loop3A_441 = vector.shape_cast %parallel_loop3A_436 : vector<16xf32> to vector<1x16xf32>
        tpu.vector_store %arg11[%parallel_loop3A_437, %parallel_loop3A_438], %parallel_loop3A_441 {strides = array<i32>} : memref<128x64xf32, #tpu.memory_space<vmem>>, vector<1x16xf32>,
      } {sc.loop_unroll_factor = 4 : i64, sc.parallel_access}
      %add3A_254 = arith.constant 5 : i32
      %add3A_255 = arith.addi %add3A_241, %add3A_254 : i32
      %mul3A_256 = arith.constant 128 : i32
      %mul3A_257 = arith.muli %add3A_255, %mul3A_256 : i32
      %dma_start3A_258 = tpu.memref_slice %arg5[%mul3A_257] : memref<6400xi32, #tpu.memory_space<vmem>> -> memref<128xi32, #tpu.memory_space<vmem>>
      %dma_start3A_259 = arith.constant 0 : i32
      %dma_start3A_260 = arith.constant 0 : i32
      %dma_start3A_261 = tpu.memref_slice %arg3[%dma_start3A_259, %dma_start3A_260] : memref<1000000x128xf32, #tpu.memory_space<hbm>> -> memref<1000000x128xf32, #tpu.memory_space<hbm>>
      tpu.enqueue_indirect_dma source(%dma_start3A_261 : memref<1000000x128xf32, #tpu.memory_space<hbm>>) target(%arg6 : memref<128x128xf32, #tpu.memory_space<vmem>>) offsets(%dma_start3A_258 : memref<128xi32, #tpu.memory_space<vmem>>) semaphore(%arg16 : memref<!tpu.dma_semaphore, #tpu.memory_space<semaphore_mem>>)
      %mul3A_262 = arith.constant 128 : i32
      %mul3A_263 = arith.muli %add3A_241, %mul3A_262 : i32
      %add3A_264 = arith.addi %mul3A_4, %mul3A_263 : i32
      %dma_start3A_265 = arith.constant 0 : i32
      %dma_start3A_266 = tpu.memref_slice %arg4[%add3A_264, %dma_start3A_265] : memref<204800x64xf32, #tpu.memory_space<hbm>> -> memref<128x64xf32, #tpu.memory_space<hbm>>
      %dma_start3A_267 = arith.constant 0 : i32
      %dma_start3A_268 = tpu.memref_slice %arg4[%add3A_264, %dma_start3A_267] : memref<204800x64xf32, #tpu.memory_space<hbm>> -> memref<128x64xf32, #tpu.memory_space<hbm>>
      tpu.enqueue_dma source(%arg11 : memref<128x64xf32, #tpu.memory_space<vmem>>) target(%dma_start3A_268 : memref<128x64xf32, #tpu.memory_space<hbm>>) target_semaphore(%arg21 : memref<!tpu.dma_semaphore, #tpu.memory_space<semaphore_mem>>)
      %mul3A_269 = arith.constant 5 : i32
      %mul3A_270 = arith.muli %scan3A_237, %mul3A_269 : i32
      %add3A_271 = arith.constant 1 : i32
      %add3A_272 = arith.addi %mul3A_270, %add3A_271 : i32
      %dma_wait3A_273 = arith.constant 0 : i32
      %dma_wait3A_274 = tpu.memref_slice %arg5[%dma_wait3A_273] : memref<6400xi32, #tpu.memory_space<vmem>> -> memref<128xi32, #tpu.memory_space<vmem>>
      %dma_wait3A_275 = arith.constant 0 : i32
      %dma_wait3A_276 = arith.constant 0 : i32
      %dma_wait3A_277 = tpu.memref_slice %arg3[%dma_wait3A_275, %dma_wait3A_276] : memref<1000000x128xf32, #tpu.memory_space<hbm>> -> memref<1000000x128xf32, #tpu.memory_space<hbm>>
      tpu.wait_indirect_dma semaphore(%arg17 : memref<!tpu.dma_semaphore, #tpu.memory_space<semaphore_mem>>) src(%dma_wait3A_277 : memref<1000000x128xf32, #tpu.memory_space<hbm>>) dst(%arg7 : memref<128x128xf32, #tpu.memory_space<vmem>>)
      %dma_wait3A_278 = arith.constant 0 : i32
      %dma_wait3A_279 = tpu.memref_slice %arg4[%mul3A_4, %dma_wait3A_278] : memref<204800x64xf32, #tpu.memory_space<hbm>> -> memref<128x64xf32, #tpu.memory_space<hbm>>
      %dma_wait3A_280 = arith.constant 0 : i32
      %dma_wait3A_281 = tpu.memref_slice %arg4[%mul3A_4, %dma_wait3A_280] : memref<204800x64xf32, #tpu.memory_space<hbm>> -> memref<128x64xf32, #tpu.memory_space<hbm>>
      tpu.wait_dma2 semaphore(%arg22 : memref<!tpu.dma_semaphore, #tpu.memory_space<semaphore_mem>>) src(%arg12 : memref<128x64xf32, #tpu.memory_space<vmem>>) dst(%dma_wait3A_281 : memref<128x64xf32, #tpu.memory_space<hbm>>)
      %parallel_loop3A_282 = arith.constant 0 : i32
      %parallel_loop3A_283 = arith.constant 128 : i32
      %parallel_loop3A_284 = arith.constant 1 : i32
      scf.for %parallel_loop3A_393 = %parallel_loop3A_282 to %parallel_loop3A_283 step %parallel_loop3A_284  : i32 {
        %parallel_loop3A_394 = arith.index_cast %parallel_loop3A_393 : i32 to index
        %parallel_loop3A_395 = arith.constant 0 : index
        %parallel_loop3A_396 = tpu.vector_load %arg7[%parallel_loop3A_394, %parallel_loop3A_395] {strides = array<i32>} : memref<128x128xf32, #tpu.memory_space<vmem>>, vector<1x16xf32>,
        %parallel_loop3A_397 = vector.shape_cast %parallel_loop3A_396 : vector<1x16xf32> to vector<16xf32>
        %parallel_loop3A_398 = arith.constant 8.000000e+00 : f32
        %parallel_loop3A_399 = vector.broadcast %parallel_loop3A_398 : f32 to vector<16xf32>
        %parallel_loop3A_400 = arith.mulf %parallel_loop3A_397, %parallel_loop3A_399 : vector<16xf32>
        %parallel_loop3A_401 = arith.index_cast %parallel_loop3A_393 : i32 to index
        %parallel_loop3A_402 = arith.constant 0 : index
        %parallel_loop3A_403 = tpu.vector_load %arg12[%parallel_loop3A_401, %parallel_loop3A_402] {strides = array<i32>} : memref<128x64xf32, #tpu.memory_space<vmem>>, vector<1x16xf32>,
        %parallel_loop3A_404 = vector.shape_cast %parallel_loop3A_403 : vector<1x16xf32> to vector<16xf32>
        %parallel_loop3A_405 = vector.shape_cast %parallel_loop3A_400 : vector<16xf32> to vector<1x16xf32>
        tpu.vector_store %arg12[%parallel_loop3A_401, %parallel_loop3A_402], %parallel_loop3A_405 {strides = array<i32>} : memref<128x64xf32, #tpu.memory_space<vmem>>, vector<1x16xf32>,
        %parallel_loop3A_406 = arith.index_cast %parallel_loop3A_393 : i32 to index
        %parallel_loop3A_407 = arith.constant 16 : index
        %parallel_loop3A_408 = tpu.vector_load %arg7[%parallel_loop3A_406, %parallel_loop3A_407] {strides = array<i32>} : memref<128x128xf32, #tpu.memory_space<vmem>>, vector<1x16xf32>,
        %parallel_loop3A_409 = vector.shape_cast %parallel_loop3A_408 : vector<1x16xf32> to vector<16xf32>
        %parallel_loop3A_410 = arith.constant 8.000000e+00 : f32
        %parallel_loop3A_411 = vector.broadcast %parallel_loop3A_410 : f32 to vector<16xf32>
        %parallel_loop3A_412 = arith.mulf %parallel_loop3A_409, %parallel_loop3A_411 : vector<16xf32>
        %parallel_loop3A_413 = arith.index_cast %parallel_loop3A_393 : i32 to index
        %parallel_loop3A_414 = arith.constant 16 : index
        %parallel_loop3A_415 = tpu.vector_load %arg12[%parallel_loop3A_413, %parallel_loop3A_414] {strides = array<i32>} : memref<128x64xf32, #tpu.memory_space<vmem>>, vector<1x16xf32>,
        %parallel_loop3A_416 = vector.shape_cast %parallel_loop3A_415 : vector<1x16xf32> to vector<16xf32>
        %parallel_loop3A_417 = vector.shape_cast %parallel_loop3A_412 : vector<16xf32> to vector<1x16xf32>
        tpu.vector_store %arg12[%parallel_loop3A_413, %parallel_loop3A_414], %parallel_loop3A_417 {strides = array<i32>} : memref<128x64xf32, #tpu.memory_space<vmem>>, vector<1x16xf32>,
        %parallel_loop3A_418 = arith.index_cast %parallel_loop3A_393 : i32 to index
        %parallel_loop3A_419 = arith.constant 32 : index
        %parallel_loop3A_420 = tpu.vector_load %arg7[%parallel_loop3A_418, %parallel_loop3A_419] {strides = array<i32>} : memref<128x128xf32, #tpu.memory_space<vmem>>, vector<1x16xf32>,
        %parallel_loop3A_421 = vector.shape_cast %parallel_loop3A_420 : vector<1x16xf32> to vector<16xf32>
        %parallel_loop3A_422 = arith.constant 8.000000e+00 : f32
        %parallel_loop3A_423 = vector.broadcast %parallel_loop3A_422 : f32 to vector<16xf32>
        %parallel_loop3A_424 = arith.mulf %parallel_loop3A_421, %parallel_loop3A_423 : vector<16xf32>
        %parallel_loop3A_425 = arith.index_cast %parallel_loop3A_393 : i32 to index
        %parallel_loop3A_426 = arith.constant 32 : index
        %parallel_loop3A_427 = tpu.vector_load %arg12[%parallel_loop3A_425, %parallel_loop3A_426] {strides = array<i32>} : memref<128x64xf32, #tpu.memory_space<vmem>>, vector<1x16xf32>,
        %parallel_loop3A_428 = vector.shape_cast %parallel_loop3A_427 : vector<1x16xf32> to vector<16xf32>
        %parallel_loop3A_429 = vector.shape_cast %parallel_loop3A_424 : vector<16xf32> to vector<1x16xf32>
        tpu.vector_store %arg12[%parallel_loop3A_425, %parallel_loop3A_426], %parallel_loop3A_429 {strides = array<i32>} : memref<128x64xf32, #tpu.memory_space<vmem>>, vector<1x16xf32>,
        %parallel_loop3A_430 = arith.index_cast %parallel_loop3A_393 : i32 to index
        %parallel_loop3A_431 = arith.constant 48 : index
        %parallel_loop3A_432 = tpu.vector_load %arg7[%parallel_loop3A_430, %parallel_loop3A_431] {strides = array<i32>} : memref<128x128xf32, #tpu.memory_space<vmem>>, vector<1x16xf32>,
        %parallel_loop3A_433 = vector.shape_cast %parallel_loop3A_432 : vector<1x16xf32> to vector<16xf32>
        %parallel_loop3A_434 = arith.constant 8.000000e+00 : f32
        %parallel_loop3A_435 = vector.broadcast %parallel_loop3A_434 : f32 to vector<16xf32>
        %parallel_loop3A_436 = arith.mulf %parallel_loop3A_433, %parallel_loop3A_435 : vector<16xf32>
        %parallel_loop3A_437 = arith.index_cast %parallel_loop3A_393 : i32 to index
        %parallel_loop3A_438 = arith.constant 48 : index
        %parallel_loop3A_439 = tpu.vector_load %arg12[%parallel_loop3A_437, %parallel_loop3A_438] {strides = array<i32>} : memref<128x64xf32, #tpu.memory_space<vmem>>, vector<1x16xf32>,
        %parallel_loop3A_440 = vector.shape_cast %parallel_loop3A_439 : vector<1x16xf32> to vector<16xf32>
        %parallel_loop3A_441 = vector.shape_cast %parallel_loop3A_436 : vector<16xf32> to vector<1x16xf32>
        tpu.vector_store %arg12[%parallel_loop3A_437, %parallel_loop3A_438], %parallel_loop3A_441 {strides = array<i32>} : memref<128x64xf32, #tpu.memory_space<vmem>>, vector<1x16xf32>,
      } {sc.loop_unroll_factor = 4 : i64, sc.parallel_access}
      %add3A_285 = arith.constant 5 : i32
      %add3A_286 = arith.addi %add3A_272, %add3A_285 : i32
      %mul3A_287 = arith.constant 128 : i32
      %mul3A_288 = arith.muli %add3A_286, %mul3A_287 : i32
      %dma_start3A_289 = tpu.memref_slice %arg5[%mul3A_288] : memref<6400xi32, #tpu.memory_space<vmem>> -> memref<128xi32, #tpu.memory_space<vmem>>
      %dma_start3A_290 = arith.constant 0 : i32
      %dma_start3A_291 = arith.constant 0 : i32
      %dma_start3A_292 = tpu.memref_slice %arg3[%dma_start3A_290, %dma_start3A_291] : memref<1000000x128xf32, #tpu.memory_space<hbm>> -> memref<1000000x128xf32, #tpu.memory_space<hbm>>
      tpu.enqueue_indirect_dma source(%dma_start3A_292 : memref<1000000x128xf32, #tpu.memory_space<hbm>>) target(%arg7 : memref<128x128xf32, #tpu.memory_space<vmem>>) offsets(%dma_start3A_289 : memref<128xi32, #tpu.memory_space<vmem>>) semaphore(%arg17 : memref<!tpu.dma_semaphore, #tpu.memory_space<semaphore_mem>>)
      %mul3A_293 = arith.constant 128 : i32
      %mul3A_294 = arith.muli %add3A_272, %mul3A_293 : i32
      %add3A_295 = arith.addi %mul3A_4, %mul3A_294 : i32
      %dma_start3A_296 = arith.constant 0 : i32
      %dma_start3A_297 = tpu.memref_slice %arg4[%add3A_295, %dma_start3A_296] : memref<204800x64xf32, #tpu.memory_space<hbm>> -> memref<128x64xf32, #tpu.memory_space<hbm>>
      %dma_start3A_298 = arith.constant 0 : i32
      %dma_start3A_299 = tpu.memref_slice %arg4[%add3A_295, %dma_start3A_298] : memref<204800x64xf32, #tpu.memory_space<hbm>> -> memref<128x64xf32, #tpu.memory_space<hbm>>
      tpu.enqueue_dma source(%arg12 : memref<128x64xf32, #tpu.memory_space<vmem>>) target(%dma_start3A_299 : memref<128x64xf32, #tpu.memory_space<hbm>>) target_semaphore(%arg22 : memref<!tpu.dma_semaphore, #tpu.memory_space<semaphore_mem>>)
      %mul3A_300 = arith.constant 5 : i32
      %mul3A_301 = arith.muli %scan3A_237, %mul3A_300 : i32
      %add3A_302 = arith.constant 2 : i32
      %add3A_303 = arith.addi %mul3A_301, %add3A_302 : i32
      %dma_wait3A_304 = arith.constant 0 : i32
      %dma_wait3A_305 = tpu.memref_slice %arg5[%dma_wait3A_304] : memref<6400xi32, #tpu.memory_space<vmem>> -> memref<128xi32, #tpu.memory_space<vmem>>
      %dma_wait3A_306 = arith.constant 0 : i32
      %dma_wait3A_307 = arith.constant 0 : i32
      %dma_wait3A_308 = tpu.memref_slice %arg3[%dma_wait3A_306, %dma_wait3A_307] : memref<1000000x128xf32, #tpu.memory_space<hbm>> -> memref<1000000x128xf32, #tpu.memory_space<hbm>>
      tpu.wait_indirect_dma semaphore(%arg18 : memref<!tpu.dma_semaphore, #tpu.memory_space<semaphore_mem>>) src(%dma_wait3A_308 : memref<1000000x128xf32, #tpu.memory_space<hbm>>) dst(%arg8 : memref<128x128xf32, #tpu.memory_space<vmem>>)
      %dma_wait3A_309 = arith.constant 0 : i32
      %dma_wait3A_310 = tpu.memref_slice %arg4[%mul3A_4, %dma_wait3A_309] : memref<204800x64xf32, #tpu.memory_space<hbm>> -> memref<128x64xf32, #tpu.memory_space<hbm>>
      %dma_wait3A_311 = arith.constant 0 : i32
      %dma_wait3A_312 = tpu.memref_slice %arg4[%mul3A_4, %dma_wait3A_311] : memref<204800x64xf32, #tpu.memory_space<hbm>> -> memref<128x64xf32, #tpu.memory_space<hbm>>
      tpu.wait_dma2 semaphore(%arg23 : memref<!tpu.dma_semaphore, #tpu.memory_space<semaphore_mem>>) src(%arg13 : memref<128x64xf32, #tpu.memory_space<vmem>>) dst(%dma_wait3A_312 : memref<128x64xf32, #tpu.memory_space<hbm>>)
      %parallel_loop3A_313 = arith.constant 0 : i32
      %parallel_loop3A_314 = arith.constant 128 : i32
      %parallel_loop3A_315 = arith.constant 1 : i32
      scf.for %parallel_loop3A_393 = %parallel_loop3A_313 to %parallel_loop3A_314 step %parallel_loop3A_315  : i32 {
        %parallel_loop3A_394 = arith.index_cast %parallel_loop3A_393 : i32 to index
        %parallel_loop3A_395 = arith.constant 0 : index
        %parallel_loop3A_396 = tpu.vector_load %arg8[%parallel_loop3A_394, %parallel_loop3A_395] {strides = array<i32>} : memref<128x128xf32, #tpu.memory_space<vmem>>, vector<1x16xf32>,
        %parallel_loop3A_397 = vector.shape_cast %parallel_loop3A_396 : vector<1x16xf32> to vector<16xf32>
        %parallel_loop3A_398 = arith.constant 8.000000e+00 : f32
        %parallel_loop3A_399 = vector.broadcast %parallel_loop3A_398 : f32 to vector<16xf32>
        %parallel_loop3A_400 = arith.mulf %parallel_loop3A_397, %parallel_loop3A_399 : vector<16xf32>
        %parallel_loop3A_401 = arith.index_cast %parallel_loop3A_393 : i32 to index
        %parallel_loop3A_402 = arith.constant 0 : index
        %parallel_loop3A_403 = tpu.vector_load %arg13[%parallel_loop3A_401, %parallel_loop3A_402] {strides = array<i32>} : memref<128x64xf32, #tpu.memory_space<vmem>>, vector<1x16xf32>,
        %parallel_loop3A_404 = vector.shape_cast %parallel_loop3A_403 : vector<1x16xf32> to vector<16xf32>
        %parallel_loop3A_405 = vector.shape_cast %parallel_loop3A_400 : vector<16xf32> to vector<1x16xf32>
        tpu.vector_store %arg13[%parallel_loop3A_401, %parallel_loop3A_402], %parallel_loop3A_405 {strides = array<i32>} : memref<128x64xf32, #tpu.memory_space<vmem>>, vector<1x16xf32>,
        %parallel_loop3A_406 = arith.index_cast %parallel_loop3A_393 : i32 to index
        %parallel_loop3A_407 = arith.constant 16 : index
        %parallel_loop3A_408 = tpu.vector_load %arg8[%parallel_loop3A_406, %parallel_loop3A_407] {strides = array<i32>} : memref<128x128xf32, #tpu.memory_space<vmem>>, vector<1x16xf32>,
        %parallel_loop3A_409 = vector.shape_cast %parallel_loop3A_408 : vector<1x16xf32> to vector<16xf32>
        %parallel_loop3A_410 = arith.constant 8.000000e+00 : f32
        %parallel_loop3A_411 = vector.broadcast %parallel_loop3A_410 : f32 to vector<16xf32>
        %parallel_loop3A_412 = arith.mulf %parallel_loop3A_409, %parallel_loop3A_411 : vector<16xf32>
        %parallel_loop3A_413 = arith.index_cast %parallel_loop3A_393 : i32 to index
        %parallel_loop3A_414 = arith.constant 16 : index
        %parallel_loop3A_415 = tpu.vector_load %arg13[%parallel_loop3A_413, %parallel_loop3A_414] {strides = array<i32>} : memref<128x64xf32, #tpu.memory_space<vmem>>, vector<1x16xf32>,
        %parallel_loop3A_416 = vector.shape_cast %parallel_loop3A_415 : vector<1x16xf32> to vector<16xf32>
        %parallel_loop3A_417 = vector.shape_cast %parallel_loop3A_412 : vector<16xf32> to vector<1x16xf32>
        tpu.vector_store %arg13[%parallel_loop3A_413, %parallel_loop3A_414], %parallel_loop3A_417 {strides = array<i32>} : memref<128x64xf32, #tpu.memory_space<vmem>>, vector<1x16xf32>,
        %parallel_loop3A_418 = arith.index_cast %parallel_loop3A_393 : i32 to index
        %parallel_loop3A_419 = arith.constant 32 : index
        %parallel_loop3A_420 = tpu.vector_load %arg8[%parallel_loop3A_418, %parallel_loop3A_419] {strides = array<i32>} : memref<128x128xf32, #tpu.memory_space<vmem>>, vector<1x16xf32>,
        %parallel_loop3A_421 = vector.shape_cast %parallel_loop3A_420 : vector<1x16xf32> to vector<16xf32>
        %parallel_loop3A_422 = arith.constant 8.000000e+00 : f32
        %parallel_loop3A_423 = vector.broadcast %parallel_loop3A_422 : f32 to vector<16xf32>
        %parallel_loop3A_424 = arith.mulf %parallel_loop3A_421, %parallel_loop3A_423 : vector<16xf32>
        %parallel_loop3A_425 = arith.index_cast %parallel_loop3A_393 : i32 to index
        %parallel_loop3A_426 = arith.constant 32 : index
        %parallel_loop3A_427 = tpu.vector_load %arg13[%parallel_loop3A_425, %parallel_loop3A_426] {strides = array<i32>} : memref<128x64xf32, #tpu.memory_space<vmem>>, vector<1x16xf32>,
        %parallel_loop3A_428 = vector.shape_cast %parallel_loop3A_427 : vector<1x16xf32> to vector<16xf32>
        %parallel_loop3A_429 = vector.shape_cast %parallel_loop3A_424 : vector<16xf32> to vector<1x16xf32>
        tpu.vector_store %arg13[%parallel_loop3A_425, %parallel_loop3A_426], %parallel_loop3A_429 {strides = array<i32>} : memref<128x64xf32, #tpu.memory_space<vmem>>, vector<1x16xf32>,
        %parallel_loop3A_430 = arith.index_cast %parallel_loop3A_393 : i32 to index
        %parallel_loop3A_431 = arith.constant 48 : index
        %parallel_loop3A_432 = tpu.vector_load %arg8[%parallel_loop3A_430, %parallel_loop3A_431] {strides = array<i32>} : memref<128x128xf32, #tpu.memory_space<vmem>>, vector<1x16xf32>,
        %parallel_loop3A_433 = vector.shape_cast %parallel_loop3A_432 : vector<1x16xf32> to vector<16xf32>
        %parallel_loop3A_434 = arith.constant 8.000000e+00 : f32
        %parallel_loop3A_435 = vector.broadcast %parallel_loop3A_434 : f32 to vector<16xf32>
        %parallel_loop3A_436 = arith.mulf %parallel_loop3A_433, %parallel_loop3A_435 : vector<16xf32>
        %parallel_loop3A_437 = arith.index_cast %parallel_loop3A_393 : i32 to index
        %parallel_loop3A_438 = arith.constant 48 : index
        %parallel_loop3A_439 = tpu.vector_load %arg13[%parallel_loop3A_437, %parallel_loop3A_438] {strides = array<i32>} : memref<128x64xf32, #tpu.memory_space<vmem>>, vector<1x16xf32>,
        %parallel_loop3A_440 = vector.shape_cast %parallel_loop3A_439 : vector<1x16xf32> to vector<16xf32>
        %parallel_loop3A_441 = vector.shape_cast %parallel_loop3A_436 : vector<16xf32> to vector<1x16xf32>
        tpu.vector_store %arg13[%parallel_loop3A_437, %parallel_loop3A_438], %parallel_loop3A_441 {strides = array<i32>} : memref<128x64xf32, #tpu.memory_space<vmem>>, vector<1x16xf32>,
      } {sc.loop_unroll_factor = 4 : i64, sc.parallel_access}
      %add3A_316 = arith.constant 5 : i32
      %add3A_317 = arith.addi %add3A_303, %add3A_316 : i32
      %mul3A_318 = arith.constant 128 : i32
      %mul3A_319 = arith.muli %add3A_317, %mul3A_318 : i32
      %dma_start3A_320 = tpu.memref_slice %arg5[%mul3A_319] : memref<6400xi32, #tpu.memory_space<vmem>> -> memref<128xi32, #tpu.memory_space<vmem>>
      %dma_start3A_321 = arith.constant 0 : i32
      %dma_start3A_322 = arith.constant 0 : i32
      %dma_start3A_323 = tpu.memref_slice %arg3[%dma_start3A_321, %dma_start3A_322] : memref<1000000x128xf32, #tpu.memory_space<hbm>> -> memref<1000000x128xf32, #tpu.memory_space<hbm>>
      tpu.enqueue_indirect_dma source(%dma_start3A_323 : memref<1000000x128xf32, #tpu.memory_space<hbm>>) target(%arg8 : memref<128x128xf32, #tpu.memory_space<vmem>>) offsets(%dma_start3A_320 : memref<128xi32, #tpu.memory_space<vmem>>) semaphore(%arg18 : memref<!tpu.dma_semaphore, #tpu.memory_space<semaphore_mem>>)
      %mul3A_324 = arith.constant 128 : i32
      %mul3A_325 = arith.muli %add3A_303, %mul3A_324 : i32
      %add3A_326 = arith.addi %mul3A_4, %mul3A_325 : i32
      %dma_start3A_327 = arith.constant 0 : i32
      %dma_start3A_328 = tpu.memref_slice %arg4[%add3A_326, %dma_start3A_327] : memref<204800x64xf32, #tpu.memory_space<hbm>> -> memref<128x64xf32, #tpu.memory_space<hbm>>
      %dma_start3A_329 = arith.constant 0 : i32
      %dma_start3A_330 = tpu.memref_slice %arg4[%add3A_326, %dma_start3A_329] : memref<204800x64xf32, #tpu.memory_space<hbm>> -> memref<128x64xf32, #tpu.memory_space<hbm>>
      tpu.enqueue_dma source(%arg13 : memref<128x64xf32, #tpu.memory_space<vmem>>) target(%dma_start3A_330 : memref<128x64xf32, #tpu.memory_space<hbm>>) target_semaphore(%arg23 : memref<!tpu.dma_semaphore, #tpu.memory_space<semaphore_mem>>)
      %mul3A_331 = arith.constant 5 : i32
      %mul3A_332 = arith.muli %scan3A_237, %mul3A_331 : i32
      %add3A_333 = arith.constant 3 : i32
      %add3A_334 = arith.addi %mul3A_332, %add3A_333 : i32
      %dma_wait3A_335 = arith.constant 0 : i32
      %dma_wait3A_336 = tpu.memref_slice %arg5[%dma_wait3A_335] : memref<6400xi32, #tpu.memory_space<vmem>> -> memref<128xi32, #tpu.memory_space<vmem>>
      %dma_wait3A_337 = arith.constant 0 : i32
      %dma_wait3A_338 = arith.constant 0 : i32
      %dma_wait3A_339 = tpu.memref_slice %arg3[%dma_wait3A_337, %dma_wait3A_338] : memref<1000000x128xf32, #tpu.memory_space<hbm>> -> memref<1000000x128xf32, #tpu.memory_space<hbm>>
      tpu.wait_indirect_dma semaphore(%arg19 : memref<!tpu.dma_semaphore, #tpu.memory_space<semaphore_mem>>) src(%dma_wait3A_339 : memref<1000000x128xf32, #tpu.memory_space<hbm>>) dst(%arg9 : memref<128x128xf32, #tpu.memory_space<vmem>>)
      %dma_wait3A_340 = arith.constant 0 : i32
      %dma_wait3A_341 = tpu.memref_slice %arg4[%mul3A_4, %dma_wait3A_340] : memref<204800x64xf32, #tpu.memory_space<hbm>> -> memref<128x64xf32, #tpu.memory_space<hbm>>
      %dma_wait3A_342 = arith.constant 0 : i32
      %dma_wait3A_343 = tpu.memref_slice %arg4[%mul3A_4, %dma_wait3A_342] : memref<204800x64xf32, #tpu.memory_space<hbm>> -> memref<128x64xf32, #tpu.memory_space<hbm>>
      tpu.wait_dma2 semaphore(%arg24 : memref<!tpu.dma_semaphore, #tpu.memory_space<semaphore_mem>>) src(%arg14 : memref<128x64xf32, #tpu.memory_space<vmem>>) dst(%dma_wait3A_343 : memref<128x64xf32, #tpu.memory_space<hbm>>)
      %parallel_loop3A_344 = arith.constant 0 : i32
      %parallel_loop3A_345 = arith.constant 128 : i32
      %parallel_loop3A_346 = arith.constant 1 : i32
      scf.for %parallel_loop3A_393 = %parallel_loop3A_344 to %parallel_loop3A_345 step %parallel_loop3A_346  : i32 {
        %parallel_loop3A_394 = arith.index_cast %parallel_loop3A_393 : i32 to index
        %parallel_loop3A_395 = arith.constant 0 : index
        %parallel_loop3A_396 = tpu.vector_load %arg9[%parallel_loop3A_394, %parallel_loop3A_395] {strides = array<i32>} : memref<128x128xf32, #tpu.memory_space<vmem>>, vector<1x16xf32>,
        %parallel_loop3A_397 = vector.shape_cast %parallel_loop3A_396 : vector<1x16xf32> to vector<16xf32>
        %parallel_loop3A_398 = arith.constant 8.000000e+00 : f32
        %parallel_loop3A_399 = vector.broadcast %parallel_loop3A_398 : f32 to vector<16xf32>
        %parallel_loop3A_400 = arith.mulf %parallel_loop3A_397, %parallel_loop3A_399 : vector<16xf32>
        %parallel_loop3A_401 = arith.index_cast %parallel_loop3A_393 : i32 to index
        %parallel_loop3A_402 = arith.constant 0 : index
        %parallel_loop3A_403 = tpu.vector_load %arg14[%parallel_loop3A_401, %parallel_loop3A_402] {strides = array<i32>} : memref<128x64xf32, #tpu.memory_space<vmem>>, vector<1x16xf32>,
        %parallel_loop3A_404 = vector.shape_cast %parallel_loop3A_403 : vector<1x16xf32> to vector<16xf32>
        %parallel_loop3A_405 = vector.shape_cast %parallel_loop3A_400 : vector<16xf32> to vector<1x16xf32>
        tpu.vector_store %arg14[%parallel_loop3A_401, %parallel_loop3A_402], %parallel_loop3A_405 {strides = array<i32>} : memref<128x64xf32, #tpu.memory_space<vmem>>, vector<1x16xf32>,
        %parallel_loop3A_406 = arith.index_cast %parallel_loop3A_393 : i32 to index
        %parallel_loop3A_407 = arith.constant 16 : index
        %parallel_loop3A_408 = tpu.vector_load %arg9[%parallel_loop3A_406, %parallel_loop3A_407] {strides = array<i32>} : memref<128x128xf32, #tpu.memory_space<vmem>>, vector<1x16xf32>,
        %parallel_loop3A_409 = vector.shape_cast %parallel_loop3A_408 : vector<1x16xf32> to vector<16xf32>
        %parallel_loop3A_410 = arith.constant 8.000000e+00 : f32
        %parallel_loop3A_411 = vector.broadcast %parallel_loop3A_410 : f32 to vector<16xf32>
        %parallel_loop3A_412 = arith.mulf %parallel_loop3A_409, %parallel_loop3A_411 : vector<16xf32>
        %parallel_loop3A_413 = arith.index_cast %parallel_loop3A_393 : i32 to index
        %parallel_loop3A_414 = arith.constant 16 : index
        %parallel_loop3A_415 = tpu.vector_load %arg14[%parallel_loop3A_413, %parallel_loop3A_414] {strides = array<i32>} : memref<128x64xf32, #tpu.memory_space<vmem>>, vector<1x16xf32>,
        %parallel_loop3A_416 = vector.shape_cast %parallel_loop3A_415 : vector<1x16xf32> to vector<16xf32>
        %parallel_loop3A_417 = vector.shape_cast %parallel_loop3A_412 : vector<16xf32> to vector<1x16xf32>
        tpu.vector_store %arg14[%parallel_loop3A_413, %parallel_loop3A_414], %parallel_loop3A_417 {strides = array<i32>} : memref<128x64xf32, #tpu.memory_space<vmem>>, vector<1x16xf32>,
        %parallel_loop3A_418 = arith.index_cast %parallel_loop3A_393 : i32 to index
        %parallel_loop3A_419 = arith.constant 32 : index
        %parallel_loop3A_420 = tpu.vector_load %arg9[%parallel_loop3A_418, %parallel_loop3A_419] {strides = array<i32>} : memref<128x128xf32, #tpu.memory_space<vmem>>, vector<1x16xf32>,
        %parallel_loop3A_421 = vector.shape_cast %parallel_loop3A_420 : vector<1x16xf32> to vector<16xf32>
        %parallel_loop3A_422 = arith.constant 8.000000e+00 : f32
        %parallel_loop3A_423 = vector.broadcast %parallel_loop3A_422 : f32 to vector<16xf32>
        %parallel_loop3A_424 = arith.mulf %parallel_loop3A_421, %parallel_loop3A_423 : vector<16xf32>
        %parallel_loop3A_425 = arith.index_cast %parallel_loop3A_393 : i32 to index
        %parallel_loop3A_426 = arith.constant 32 : index
        %parallel_loop3A_427 = tpu.vector_load %arg14[%parallel_loop3A_425, %parallel_loop3A_426] {strides = array<i32>} : memref<128x64xf32, #tpu.memory_space<vmem>>, vector<1x16xf32>,
        %parallel_loop3A_428 = vector.shape_cast %parallel_loop3A_427 : vector<1x16xf32> to vector<16xf32>
        %parallel_loop3A_429 = vector.shape_cast %parallel_loop3A_424 : vector<16xf32> to vector<1x16xf32>
        tpu.vector_store %arg14[%parallel_loop3A_425, %parallel_loop3A_426], %parallel_loop3A_429 {strides = array<i32>} : memref<128x64xf32, #tpu.memory_space<vmem>>, vector<1x16xf32>,
        %parallel_loop3A_430 = arith.index_cast %parallel_loop3A_393 : i32 to index
        %parallel_loop3A_431 = arith.constant 48 : index
        %parallel_loop3A_432 = tpu.vector_load %arg9[%parallel_loop3A_430, %parallel_loop3A_431] {strides = array<i32>} : memref<128x128xf32, #tpu.memory_space<vmem>>, vector<1x16xf32>,
        %parallel_loop3A_433 = vector.shape_cast %parallel_loop3A_432 : vector<1x16xf32> to vector<16xf32>
        %parallel_loop3A_434 = arith.constant 8.000000e+00 : f32
        %parallel_loop3A_435 = vector.broadcast %parallel_loop3A_434 : f32 to vector<16xf32>
        %parallel_loop3A_436 = arith.mulf %parallel_loop3A_433, %parallel_loop3A_435 : vector<16xf32>
        %parallel_loop3A_437 = arith.index_cast %parallel_loop3A_393 : i32 to index
        %parallel_loop3A_438 = arith.constant 48 : index
        %parallel_loop3A_439 = tpu.vector_load %arg14[%parallel_loop3A_437, %parallel_loop3A_438] {strides = array<i32>} : memref<128x64xf32, #tpu.memory_space<vmem>>, vector<1x16xf32>,
        %parallel_loop3A_440 = vector.shape_cast %parallel_loop3A_439 : vector<1x16xf32> to vector<16xf32>
        %parallel_loop3A_441 = vector.shape_cast %parallel_loop3A_436 : vector<16xf32> to vector<1x16xf32>
        tpu.vector_store %arg14[%parallel_loop3A_437, %parallel_loop3A_438], %parallel_loop3A_441 {strides = array<i32>} : memref<128x64xf32, #tpu.memory_space<vmem>>, vector<1x16xf32>,
      } {sc.loop_unroll_factor = 4 : i64, sc.parallel_access}
      %add3A_347 = arith.constant 5 : i32
      %add3A_348 = arith.addi %add3A_334, %add3A_347 : i32
      %mul3A_349 = arith.constant 128 : i32
      %mul3A_350 = arith.muli %add3A_348, %mul3A_349 : i32
      %dma_start3A_351 = tpu.memref_slice %arg5[%mul3A_350] : memref<6400xi32, #tpu.memory_space<vmem>> -> memref<128xi32, #tpu.memory_space<vmem>>
      %dma_start3A_352 = arith.constant 0 : i32
      %dma_start3A_353 = arith.constant 0 : i32
      %dma_start3A_354 = tpu.memref_slice %arg3[%dma_start3A_352, %dma_start3A_353] : memref<1000000x128xf32, #tpu.memory_space<hbm>> -> memref<1000000x128xf32, #tpu.memory_space<hbm>>
      tpu.enqueue_indirect_dma source(%dma_start3A_354 : memref<1000000x128xf32, #tpu.memory_space<hbm>>) target(%arg9 : memref<128x128xf32, #tpu.memory_space<vmem>>) offsets(%dma_start3A_351 : memref<128xi32, #tpu.memory_space<vmem>>) semaphore(%arg19 : memref<!tpu.dma_semaphore, #tpu.memory_space<semaphore_mem>>)
      %mul3A_355 = arith.constant 128 : i32
      %mul3A_356 = arith.muli %add3A_334, %mul3A_355 : i32
      %add3A_357 = arith.addi %mul3A_4, %mul3A_356 : i32
      %dma_start3A_358 = arith.constant 0 : i32
      %dma_start3A_359 = tpu.memref_slice %arg4[%add3A_357, %dma_start3A_358] : memref<204800x64xf32, #tpu.memory_space<hbm>> -> memref<128x64xf32, #tpu.memory_space<hbm>>
      %dma_start3A_360 = arith.constant 0 : i32
      %dma_start3A_361 = tpu.memref_slice %arg4[%add3A_357, %dma_start3A_360] : memref<204800x64xf32, #tpu.memory_space<hbm>> -> memref<128x64xf32, #tpu.memory_space<hbm>>
      tpu.enqueue_dma source(%arg14 : memref<128x64xf32, #tpu.memory_space<vmem>>) target(%dma_start3A_361 : memref<128x64xf32, #tpu.memory_space<hbm>>) target_semaphore(%arg24 : memref<!tpu.dma_semaphore, #tpu.memory_space<semaphore_mem>>)
      %mul3A_362 = arith.constant 5 : i32
      %mul3A_363 = arith.muli %scan3A_237, %mul3A_362 : i32
      %add3A_364 = arith.constant 4 : i32
      %add3A_365 = arith.addi %mul3A_363, %add3A_364 : i32
      %dma_wait3A_366 = arith.constant 0 : i32
      %dma_wait3A_367 = tpu.memref_slice %arg5[%dma_wait3A_366] : memref<6400xi32, #tpu.memory_space<vmem>> -> memref<128xi32, #tpu.memory_space<vmem>>
      %dma_wait3A_368 = arith.constant 0 : i32
      %dma_wait3A_369 = arith.constant 0 : i32
      %dma_wait3A_370 = tpu.memref_slice %arg3[%dma_wait3A_368, %dma_wait3A_369] : memref<1000000x128xf32, #tpu.memory_space<hbm>> -> memref<1000000x128xf32, #tpu.memory_space<hbm>>
      tpu.wait_indirect_dma semaphore(%arg20 : memref<!tpu.dma_semaphore, #tpu.memory_space<semaphore_mem>>) src(%dma_wait3A_370 : memref<1000000x128xf32, #tpu.memory_space<hbm>>) dst(%arg10 : memref<128x128xf32, #tpu.memory_space<vmem>>)
      %dma_wait3A_371 = arith.constant 0 : i32
      %dma_wait3A_372 = tpu.memref_slice %arg4[%mul3A_4, %dma_wait3A_371] : memref<204800x64xf32, #tpu.memory_space<hbm>> -> memref<128x64xf32, #tpu.memory_space<hbm>>
      %dma_wait3A_373 = arith.constant 0 : i32
      %dma_wait3A_374 = tpu.memref_slice %arg4[%mul3A_4, %dma_wait3A_373] : memref<204800x64xf32, #tpu.memory_space<hbm>> -> memref<128x64xf32, #tpu.memory_space<hbm>>
      tpu.wait_dma2 semaphore(%arg25 : memref<!tpu.dma_semaphore, #tpu.memory_space<semaphore_mem>>) src(%arg15 : memref<128x64xf32, #tpu.memory_space<vmem>>) dst(%dma_wait3A_374 : memref<128x64xf32, #tpu.memory_space<hbm>>)
      %parallel_loop3A_375 = arith.constant 0 : i32
      %parallel_loop3A_376 = arith.constant 128 : i32
      %parallel_loop3A_377 = arith.constant 1 : i32
      scf.for %parallel_loop3A_393 = %parallel_loop3A_375 to %parallel_loop3A_376 step %parallel_loop3A_377  : i32 {
        %parallel_loop3A_394 = arith.index_cast %parallel_loop3A_393 : i32 to index
        %parallel_loop3A_395 = arith.constant 0 : index
        %parallel_loop3A_396 = tpu.vector_load %arg10[%parallel_loop3A_394, %parallel_loop3A_395] {strides = array<i32>} : memref<128x128xf32, #tpu.memory_space<vmem>>, vector<1x16xf32>,
        %parallel_loop3A_397 = vector.shape_cast %parallel_loop3A_396 : vector<1x16xf32> to vector<16xf32>
        %parallel_loop3A_398 = arith.constant 8.000000e+00 : f32
        %parallel_loop3A_399 = vector.broadcast %parallel_loop3A_398 : f32 to vector<16xf32>
        %parallel_loop3A_400 = arith.mulf %parallel_loop3A_397, %parallel_loop3A_399 : vector<16xf32>
        %parallel_loop3A_401 = arith.index_cast %parallel_loop3A_393 : i32 to index
        %parallel_loop3A_402 = arith.constant 0 : index
        %parallel_loop3A_403 = tpu.vector_load %arg15[%parallel_loop3A_401, %parallel_loop3A_402] {strides = array<i32>} : memref<128x64xf32, #tpu.memory_space<vmem>>, vector<1x16xf32>,
        %parallel_loop3A_404 = vector.shape_cast %parallel_loop3A_403 : vector<1x16xf32> to vector<16xf32>
        %parallel_loop3A_405 = vector.shape_cast %parallel_loop3A_400 : vector<16xf32> to vector<1x16xf32>
        tpu.vector_store %arg15[%parallel_loop3A_401, %parallel_loop3A_402], %parallel_loop3A_405 {strides = array<i32>} : memref<128x64xf32, #tpu.memory_space<vmem>>, vector<1x16xf32>,
        %parallel_loop3A_406 = arith.index_cast %parallel_loop3A_393 : i32 to index
        %parallel_loop3A_407 = arith.constant 16 : index
        %parallel_loop3A_408 = tpu.vector_load %arg10[%parallel_loop3A_406, %parallel_loop3A_407] {strides = array<i32>} : memref<128x128xf32, #tpu.memory_space<vmem>>, vector<1x16xf32>,
        %parallel_loop3A_409 = vector.shape_cast %parallel_loop3A_408 : vector<1x16xf32> to vector<16xf32>
        %parallel_loop3A_410 = arith.constant 8.000000e+00 : f32
        %parallel_loop3A_411 = vector.broadcast %parallel_loop3A_410 : f32 to vector<16xf32>
        %parallel_loop3A_412 = arith.mulf %parallel_loop3A_409, %parallel_loop3A_411 : vector<16xf32>
        %parallel_loop3A_413 = arith.index_cast %parallel_loop3A_393 : i32 to index
        %parallel_loop3A_414 = arith.constant 16 : index
        %parallel_loop3A_415 = tpu.vector_load %arg15[%parallel_loop3A_413, %parallel_loop3A_414] {strides = array<i32>} : memref<128x64xf32, #tpu.memory_space<vmem>>, vector<1x16xf32>,
        %parallel_loop3A_416 = vector.shape_cast %parallel_loop3A_415 : vector<1x16xf32> to vector<16xf32>
        %parallel_loop3A_417 = vector.shape_cast %parallel_loop3A_412 : vector<16xf32> to vector<1x16xf32>
        tpu.vector_store %arg15[%parallel_loop3A_413, %parallel_loop3A_414], %parallel_loop3A_417 {strides = array<i32>} : memref<128x64xf32, #tpu.memory_space<vmem>>, vector<1x16xf32>,
        %parallel_loop3A_418 = arith.index_cast %parallel_loop3A_393 : i32 to index
        %parallel_loop3A_419 = arith.constant 32 : index
        %parallel_loop3A_420 = tpu.vector_load %arg10[%parallel_loop3A_418, %parallel_loop3A_419] {strides = array<i32>} : memref<128x128xf32, #tpu.memory_space<vmem>>, vector<1x16xf32>,
        %parallel_loop3A_421 = vector.shape_cast %parallel_loop3A_420 : vector<1x16xf32> to vector<16xf32>
        %parallel_loop3A_422 = arith.constant 8.000000e+00 : f32
        %parallel_loop3A_423 = vector.broadcast %parallel_loop3A_422 : f32 to vector<16xf32>
        %parallel_loop3A_424 = arith.mulf %parallel_loop3A_421, %parallel_loop3A_423 : vector<16xf32>
        %parallel_loop3A_425 = arith.index_cast %parallel_loop3A_393 : i32 to index
        %parallel_loop3A_426 = arith.constant 32 : index
        %parallel_loop3A_427 = tpu.vector_load %arg15[%parallel_loop3A_425, %parallel_loop3A_426] {strides = array<i32>} : memref<128x64xf32, #tpu.memory_space<vmem>>, vector<1x16xf32>,
        %parallel_loop3A_428 = vector.shape_cast %parallel_loop3A_427 : vector<1x16xf32> to vector<16xf32>
        %parallel_loop3A_429 = vector.shape_cast %parallel_loop3A_424 : vector<16xf32> to vector<1x16xf32>
        tpu.vector_store %arg15[%parallel_loop3A_425, %parallel_loop3A_426], %parallel_loop3A_429 {strides = array<i32>} : memref<128x64xf32, #tpu.memory_space<vmem>>, vector<1x16xf32>,
        %parallel_loop3A_430 = arith.index_cast %parallel_loop3A_393 : i32 to index
        %parallel_loop3A_431 = arith.constant 48 : index
        %parallel_loop3A_432 = tpu.vector_load %arg10[%parallel_loop3A_430, %parallel_loop3A_431] {strides = array<i32>} : memref<128x128xf32, #tpu.memory_space<vmem>>, vector<1x16xf32>,
        %parallel_loop3A_433 = vector.shape_cast %parallel_loop3A_432 : vector<1x16xf32> to vector<16xf32>
        %parallel_loop3A_434 = arith.constant 8.000000e+00 : f32
        %parallel_loop3A_435 = vector.broadcast %parallel_loop3A_434 : f32 to vector<16xf32>
        %parallel_loop3A_436 = arith.mulf %parallel_loop3A_433, %parallel_loop3A_435 : vector<16xf32>
        %parallel_loop3A_437 = arith.index_cast %parallel_loop3A_393 : i32 to index
        %parallel_loop3A_438 = arith.constant 48 : index
        %parallel_loop3A_439 = tpu.vector_load %arg15[%parallel_loop3A_437, %parallel_loop3A_438] {strides = array<i32>} : memref<128x64xf32, #tpu.memory_space<vmem>>, vector<1x16xf32>,
        %parallel_loop3A_440 = vector.shape_cast %parallel_loop3A_439 : vector<1x16xf32> to vector<16xf32>
        %parallel_loop3A_441 = vector.shape_cast %parallel_loop3A_436 : vector<16xf32> to vector<1x16xf32>
        tpu.vector_store %arg15[%parallel_loop3A_437, %parallel_loop3A_438], %parallel_loop3A_441 {strides = array<i32>} : memref<128x64xf32, #tpu.memory_space<vmem>>, vector<1x16xf32>,
      } {sc.loop_unroll_factor = 4 : i64, sc.parallel_access}
      %add3A_378 = arith.constant 5 : i32
      %add3A_379 = arith.addi %add3A_365, %add3A_378 : i32
      %mul3A_380 = arith.constant 128 : i32
      %mul3A_381 = arith.muli %add3A_379, %mul3A_380 : i32
      %dma_start3A_382 = tpu.memref_slice %arg5[%mul3A_381] : memref<6400xi32, #tpu.memory_space<vmem>> -> memref<128xi32, #tpu.memory_space<vmem>>
      %dma_start3A_383 = arith.constant 0 : i32
      %dma_start3A_384 = arith.constant 0 : i32
      %dma_start3A_385 = tpu.memref_slice %arg3[%dma_start3A_383, %dma_start3A_384] : memref<1000000x128xf32, #tpu.memory_space<hbm>> -> memref<1000000x128xf32, #tpu.memory_space<hbm>>
      tpu.enqueue_indirect_dma source(%dma_start3A_385 : memref<1000000x128xf32, #tpu.memory_space<hbm>>) target(%arg10 : memref<128x128xf32, #tpu.memory_space<vmem>>) offsets(%dma_start3A_382 : memref<128xi32, #tpu.memory_space<vmem>>) semaphore(%arg20 : memref<!tpu.dma_semaphore, #tpu.memory_space<semaphore_mem>>)
      %mul3A_386 = arith.constant 128 : i32
      %mul3A_387 = arith.muli %add3A_365, %mul3A_386 : i32
      %add3A_388 = arith.addi %mul3A_4, %mul3A_387 : i32
      %dma_start3A_389 = arith.constant 0 : i32
      %dma_start3A_390 = tpu.memref_slice %arg4[%add3A_388, %dma_start3A_389] : memref<204800x64xf32, #tpu.memory_space<hbm>> -> memref<128x64xf32, #tpu.memory_space<hbm>>
      %dma_start3A_391 = arith.constant 0 : i32
      %dma_start3A_392 = tpu.memref_slice %arg4[%add3A_388, %dma_start3A_391] : memref<204800x64xf32, #tpu.memory_space<hbm>> -> memref<128x64xf32, #tpu.memory_space<hbm>>
      tpu.enqueue_dma source(%arg15 : memref<128x64xf32, #tpu.memory_space<vmem>>) target(%dma_start3A_392 : memref<128x64xf32, #tpu.memory_space<hbm>>) target_semaphore(%arg25 : memref<!tpu.dma_semaphore, #tpu.memory_space<semaphore_mem>>)
    }
    %scan3A_126 = arith.constant 8 : i32
    %dma_wait3A_127 = arith.constant 0 : i32
    %dma_wait3A_128 = tpu.memref_slice %arg5[%dma_wait3A_127] : memref<6400xi32, #tpu.memory_space<vmem>> -> memref<128xi32, #tpu.memory_space<vmem>>
    %dma_wait3A_129 = arith.constant 0 : i32
    %dma_wait3A_130 = arith.constant 0 : i32
    %dma_wait3A_131 = tpu.memref_slice %arg3[%dma_wait3A_129, %dma_wait3A_130] : memref<1000000x128xf32, #tpu.memory_space<hbm>> -> memref<1000000x128xf32, #tpu.memory_space<hbm>>
    tpu.wait_indirect_dma semaphore(%arg16 : memref<!tpu.dma_semaphore, #tpu.memory_space<semaphore_mem>>) src(%dma_wait3A_131 : memref<1000000x128xf32, #tpu.memory_space<hbm>>) dst(%arg6 : memref<128x128xf32, #tpu.memory_space<vmem>>)
    %dma_wait3A_132 = arith.constant 0 : i32
    %dma_wait3A_133 = tpu.memref_slice %arg4[%mul3A_4, %dma_wait3A_132] : memref<204800x64xf32, #tpu.memory_space<hbm>> -> memref<128x64xf32, #tpu.memory_space<hbm>>
    %dma_wait3A_134 = arith.constant 0 : i32
    %dma_wait3A_135 = tpu.memref_slice %arg4[%mul3A_4, %dma_wait3A_134] : memref<204800x64xf32, #tpu.memory_space<hbm>> -> memref<128x64xf32, #tpu.memory_space<hbm>>
    tpu.wait_dma2 semaphore(%arg21 : memref<!tpu.dma_semaphore, #tpu.memory_space<semaphore_mem>>) src(%arg11 : memref<128x64xf32, #tpu.memory_space<vmem>>) dst(%dma_wait3A_135 : memref<128x64xf32, #tpu.memory_space<hbm>>)
    %parallel_loop3A_136 = arith.constant 0 : i32
    %parallel_loop3A_137 = arith.constant 128 : i32
    %parallel_loop3A_138 = arith.constant 1 : i32
    scf.for %parallel_loop3A_237 = %parallel_loop3A_136 to %parallel_loop3A_137 step %parallel_loop3A_138  : i32 {
      %parallel_loop3A_238 = arith.index_cast %parallel_loop3A_237 : i32 to index
      %parallel_loop3A_239 = arith.constant 0 : index
      %parallel_loop3A_240 = tpu.vector_load %arg6[%parallel_loop3A_238, %parallel_loop3A_239] {strides = array<i32>} : memref<128x128xf32, #tpu.memory_space<vmem>>, vector<1x16xf32>,
      %parallel_loop3A_241 = vector.shape_cast %parallel_loop3A_240 : vector<1x16xf32> to vector<16xf32>
      %parallel_loop3A_242 = arith.constant 8.000000e+00 : f32
      %parallel_loop3A_243 = vector.broadcast %parallel_loop3A_242 : f32 to vector<16xf32>
      %parallel_loop3A_244 = arith.mulf %parallel_loop3A_241, %parallel_loop3A_243 : vector<16xf32>
      %parallel_loop3A_245 = arith.index_cast %parallel_loop3A_237 : i32 to index
      %parallel_loop3A_246 = arith.constant 0 : index
      %parallel_loop3A_247 = tpu.vector_load %arg11[%parallel_loop3A_245, %parallel_loop3A_246] {strides = array<i32>} : memref<128x64xf32, #tpu.memory_space<vmem>>, vector<1x16xf32>,
      %parallel_loop3A_248 = vector.shape_cast %parallel_loop3A_247 : vector<1x16xf32> to vector<16xf32>
      %parallel_loop3A_249 = vector.shape_cast %parallel_loop3A_244 : vector<16xf32> to vector<1x16xf32>
      tpu.vector_store %arg11[%parallel_loop3A_245, %parallel_loop3A_246], %parallel_loop3A_249 {strides = array<i32>} : memref<128x64xf32, #tpu.memory_space<vmem>>, vector<1x16xf32>,
      %parallel_loop3A_250 = arith.index_cast %parallel_loop3A_237 : i32 to index
      %parallel_loop3A_251 = arith.constant 16 : index
      %parallel_loop3A_252 = tpu.vector_load %arg6[%parallel_loop3A_250, %parallel_loop3A_251] {strides = array<i32>} : memref<128x128xf32, #tpu.memory_space<vmem>>, vector<1x16xf32>,
      %parallel_loop3A_253 = vector.shape_cast %parallel_loop3A_252 : vector<1x16xf32> to vector<16xf32>
      %parallel_loop3A_254 = arith.constant 8.000000e+00 : f32
      %parallel_loop3A_255 = vector.broadcast %parallel_loop3A_254 : f32 to vector<16xf32>
      %parallel_loop3A_256 = arith.mulf %parallel_loop3A_253, %parallel_loop3A_255 : vector<16xf32>
      %parallel_loop3A_257 = arith.index_cast %parallel_loop3A_237 : i32 to index
      %parallel_loop3A_258 = arith.constant 16 : index
      %parallel_loop3A_259 = tpu.vector_load %arg11[%parallel_loop3A_257, %parallel_loop3A_258] {strides = array<i32>} : memref<128x64xf32, #tpu.memory_space<vmem>>, vector<1x16xf32>,
      %parallel_loop3A_260 = vector.shape_cast %parallel_loop3A_259 : vector<1x16xf32> to vector<16xf32>
      %parallel_loop3A_261 = vector.shape_cast %parallel_loop3A_256 : vector<16xf32> to vector<1x16xf32>
      tpu.vector_store %arg11[%parallel_loop3A_257, %parallel_loop3A_258], %parallel_loop3A_261 {strides = array<i32>} : memref<128x64xf32, #tpu.memory_space<vmem>>, vector<1x16xf32>,
      %parallel_loop3A_262 = arith.index_cast %parallel_loop3A_237 : i32 to index
      %parallel_loop3A_263 = arith.constant 32 : index
      %parallel_loop3A_264 = tpu.vector_load %arg6[%parallel_loop3A_262, %parallel_loop3A_263] {strides = array<i32>} : memref<128x128xf32, #tpu.memory_space<vmem>>, vector<1x16xf32>,
      %parallel_loop3A_265 = vector.shape_cast %parallel_loop3A_264 : vector<1x16xf32> to vector<16xf32>
      %parallel_loop3A_266 = arith.constant 8.000000e+00 : f32
      %parallel_loop3A_267 = vector.broadcast %parallel_loop3A_266 : f32 to vector<16xf32>
      %parallel_loop3A_268 = arith.mulf %parallel_loop3A_265, %parallel_loop3A_267 : vector<16xf32>
      %parallel_loop3A_269 = arith.index_cast %parallel_loop3A_237 : i32 to index
      %parallel_loop3A_270 = arith.constant 32 : index
      %parallel_loop3A_271 = tpu.vector_load %arg11[%parallel_loop3A_269, %parallel_loop3A_270] {strides = array<i32>} : memref<128x64xf32, #tpu.memory_space<vmem>>, vector<1x16xf32>,
      %parallel_loop3A_272 = vector.shape_cast %parallel_loop3A_271 : vector<1x16xf32> to vector<16xf32>
      %parallel_loop3A_273 = vector.shape_cast %parallel_loop3A_268 : vector<16xf32> to vector<1x16xf32>
      tpu.vector_store %arg11[%parallel_loop3A_269, %parallel_loop3A_270], %parallel_loop3A_273 {strides = array<i32>} : memref<128x64xf32, #tpu.memory_space<vmem>>, vector<1x16xf32>,
      %parallel_loop3A_274 = arith.index_cast %parallel_loop3A_237 : i32 to index
      %parallel_loop3A_275 = arith.constant 48 : index
      %parallel_loop3A_276 = tpu.vector_load %arg6[%parallel_loop3A_274, %parallel_loop3A_275] {strides = array<i32>} : memref<128x128xf32, #tpu.memory_space<vmem>>, vector<1x16xf32>,
      %parallel_loop3A_277 = vector.shape_cast %parallel_loop3A_276 : vector<1x16xf32> to vector<16xf32>
      %parallel_loop3A_278 = arith.constant 8.000000e+00 : f32
      %parallel_loop3A_279 = vector.broadcast %parallel_loop3A_278 : f32 to vector<16xf32>
      %parallel_loop3A_280 = arith.mulf %parallel_loop3A_277, %parallel_loop3A_279 : vector<16xf32>
      %parallel_loop3A_281 = arith.index_cast %parallel_loop3A_237 : i32 to index
      %parallel_loop3A_282 = arith.constant 48 : index
      %parallel_loop3A_283 = tpu.vector_load %arg11[%parallel_loop3A_281, %parallel_loop3A_282] {strides = array<i32>} : memref<128x64xf32, #tpu.memory_space<vmem>>, vector<1x16xf32>,
      %parallel_loop3A_284 = vector.shape_cast %parallel_loop3A_283 : vector<1x16xf32> to vector<16xf32>
      %parallel_loop3A_285 = vector.shape_cast %parallel_loop3A_280 : vector<16xf32> to vector<1x16xf32>
      tpu.vector_store %arg11[%parallel_loop3A_281, %parallel_loop3A_282], %parallel_loop3A_285 {strides = array<i32>} : memref<128x64xf32, #tpu.memory_space<vmem>>, vector<1x16xf32>,
    } {sc.loop_unroll_factor = 4 : i64, sc.parallel_access}
    %add3A_139 = arith.constant 5760 : i32
    %add3A_140 = arith.addi %mul3A_4, %add3A_139 : i32
    %dma_start3A_141 = arith.constant 0 : i32
    %dma_start3A_142 = tpu.memref_slice %arg4[%add3A_140, %dma_start3A_141] : memref<204800x64xf32, #tpu.memory_space<hbm>> -> memref<128x64xf32, #tpu.memory_space<hbm>>
    %dma_start3A_143 = arith.constant 0 : i32
    %dma_start3A_144 = tpu.memref_slice %arg4[%add3A_140, %dma_start3A_143] : memref<204800x64xf32, #tpu.memory_space<hbm>> -> memref<128x64xf32, #tpu.memory_space<hbm>>
    tpu.enqueue_dma source(%arg11 : memref<128x64xf32, #tpu.memory_space<vmem>>) target(%dma_start3A_144 : memref<128x64xf32, #tpu.memory_space<hbm>>) target_semaphore(%arg21 : memref<!tpu.dma_semaphore, #tpu.memory_space<semaphore_mem>>)
    %dma_wait3A_145 = arith.constant 0 : i32
    %dma_wait3A_146 = tpu.memref_slice %arg5[%dma_wait3A_145] : memref<6400xi32, #tpu.memory_space<vmem>> -> memref<128xi32, #tpu.memory_space<vmem>>
    %dma_wait3A_147 = arith.constant 0 : i32
    %dma_wait3A_148 = arith.constant 0 : i32
    %dma_wait3A_149 = tpu.memref_slice %arg3[%dma_wait3A_147, %dma_wait3A_148] : memref<1000000x128xf32, #tpu.memory_space<hbm>> -> memref<1000000x128xf32, #tpu.memory_space<hbm>>
    tpu.wait_indirect_dma semaphore(%arg17 : memref<!tpu.dma_semaphore, #tpu.memory_space<semaphore_mem>>) src(%dma_wait3A_149 : memref<1000000x128xf32, #tpu.memory_space<hbm>>) dst(%arg7 : memref<128x128xf32, #tpu.memory_space<vmem>>)
    %dma_wait3A_150 = arith.constant 0 : i32
    %dma_wait3A_151 = tpu.memref_slice %arg4[%mul3A_4, %dma_wait3A_150] : memref<204800x64xf32, #tpu.memory_space<hbm>> -> memref<128x64xf32, #tpu.memory_space<hbm>>
    %dma_wait3A_152 = arith.constant 0 : i32
    %dma_wait3A_153 = tpu.memref_slice %arg4[%mul3A_4, %dma_wait3A_152] : memref<204800x64xf32, #tpu.memory_space<hbm>> -> memref<128x64xf32, #tpu.memory_space<hbm>>
    tpu.wait_dma2 semaphore(%arg22 : memref<!tpu.dma_semaphore, #tpu.memory_space<semaphore_mem>>) src(%arg12 : memref<128x64xf32, #tpu.memory_space<vmem>>) dst(%dma_wait3A_153 : memref<128x64xf32, #tpu.memory_space<hbm>>)
    %parallel_loop3A_154 = arith.constant 0 : i32
    %parallel_loop3A_155 = arith.constant 128 : i32
    %parallel_loop3A_156 = arith.constant 1 : i32
    scf.for %parallel_loop3A_237 = %parallel_loop3A_154 to %parallel_loop3A_155 step %parallel_loop3A_156  : i32 {
      %parallel_loop3A_238 = arith.index_cast %parallel_loop3A_237 : i32 to index
      %parallel_loop3A_239 = arith.constant 0 : index
      %parallel_loop3A_240 = tpu.vector_load %arg7[%parallel_loop3A_238, %parallel_loop3A_239] {strides = array<i32>} : memref<128x128xf32, #tpu.memory_space<vmem>>, vector<1x16xf32>,
      %parallel_loop3A_241 = vector.shape_cast %parallel_loop3A_240 : vector<1x16xf32> to vector<16xf32>
      %parallel_loop3A_242 = arith.constant 8.000000e+00 : f32
      %parallel_loop3A_243 = vector.broadcast %parallel_loop3A_242 : f32 to vector<16xf32>
      %parallel_loop3A_244 = arith.mulf %parallel_loop3A_241, %parallel_loop3A_243 : vector<16xf32>
      %parallel_loop3A_245 = arith.index_cast %parallel_loop3A_237 : i32 to index
      %parallel_loop3A_246 = arith.constant 0 : index
      %parallel_loop3A_247 = tpu.vector_load %arg12[%parallel_loop3A_245, %parallel_loop3A_246] {strides = array<i32>} : memref<128x64xf32, #tpu.memory_space<vmem>>, vector<1x16xf32>,
      %parallel_loop3A_248 = vector.shape_cast %parallel_loop3A_247 : vector<1x16xf32> to vector<16xf32>
      %parallel_loop3A_249 = vector.shape_cast %parallel_loop3A_244 : vector<16xf32> to vector<1x16xf32>
      tpu.vector_store %arg12[%parallel_loop3A_245, %parallel_loop3A_246], %parallel_loop3A_249 {strides = array<i32>} : memref<128x64xf32, #tpu.memory_space<vmem>>, vector<1x16xf32>,
      %parallel_loop3A_250 = arith.index_cast %parallel_loop3A_237 : i32 to index
      %parallel_loop3A_251 = arith.constant 16 : index
      %parallel_loop3A_252 = tpu.vector_load %arg7[%parallel_loop3A_250, %parallel_loop3A_251] {strides = array<i32>} : memref<128x128xf32, #tpu.memory_space<vmem>>, vector<1x16xf32>,
      %parallel_loop3A_253 = vector.shape_cast %parallel_loop3A_252 : vector<1x16xf32> to vector<16xf32>
      %parallel_loop3A_254 = arith.constant 8.000000e+00 : f32
      %parallel_loop3A_255 = vector.broadcast %parallel_loop3A_254 : f32 to vector<16xf32>
      %parallel_loop3A_256 = arith.mulf %parallel_loop3A_253, %parallel_loop3A_255 : vector<16xf32>
      %parallel_loop3A_257 = arith.index_cast %parallel_loop3A_237 : i32 to index
      %parallel_loop3A_258 = arith.constant 16 : index
      %parallel_loop3A_259 = tpu.vector_load %arg12[%parallel_loop3A_257, %parallel_loop3A_258] {strides = array<i32>} : memref<128x64xf32, #tpu.memory_space<vmem>>, vector<1x16xf32>,
      %parallel_loop3A_260 = vector.shape_cast %parallel_loop3A_259 : vector<1x16xf32> to vector<16xf32>
      %parallel_loop3A_261 = vector.shape_cast %parallel_loop3A_256 : vector<16xf32> to vector<1x16xf32>
      tpu.vector_store %arg12[%parallel_loop3A_257, %parallel_loop3A_258], %parallel_loop3A_261 {strides = array<i32>} : memref<128x64xf32, #tpu.memory_space<vmem>>, vector<1x16xf32>,
      %parallel_loop3A_262 = arith.index_cast %parallel_loop3A_237 : i32 to index
      %parallel_loop3A_263 = arith.constant 32 : index
      %parallel_loop3A_264 = tpu.vector_load %arg7[%parallel_loop3A_262, %parallel_loop3A_263] {strides = array<i32>} : memref<128x128xf32, #tpu.memory_space<vmem>>, vector<1x16xf32>,
      %parallel_loop3A_265 = vector.shape_cast %parallel_loop3A_264 : vector<1x16xf32> to vector<16xf32>
      %parallel_loop3A_266 = arith.constant 8.000000e+00 : f32
      %parallel_loop3A_267 = vector.broadcast %parallel_loop3A_266 : f32 to vector<16xf32>
      %parallel_loop3A_268 = arith.mulf %parallel_loop3A_265, %parallel_loop3A_267 : vector<16xf32>
      %parallel_loop3A_269 = arith.index_cast %parallel_loop3A_237 : i32 to index
      %parallel_loop3A_270 = arith.constant 32 : index
      %parallel_loop3A_271 = tpu.vector_load %arg12[%parallel_loop3A_269, %parallel_loop3A_270] {strides = array<i32>} : memref<128x64xf32, #tpu.memory_space<vmem>>, vector<1x16xf32>,
      %parallel_loop3A_272 = vector.shape_cast %parallel_loop3A_271 : vector<1x16xf32> to vector<16xf32>
      %parallel_loop3A_273 = vector.shape_cast %parallel_loop3A_268 : vector<16xf32> to vector<1x16xf32>
      tpu.vector_store %arg12[%parallel_loop3A_269, %parallel_loop3A_270], %parallel_loop3A_273 {strides = array<i32>} : memref<128x64xf32, #tpu.memory_space<vmem>>, vector<1x16xf32>,
      %parallel_loop3A_274 = arith.index_cast %parallel_loop3A_237 : i32 to index
      %parallel_loop3A_275 = arith.constant 48 : index
      %parallel_loop3A_276 = tpu.vector_load %arg7[%parallel_loop3A_274, %parallel_loop3A_275] {strides = array<i32>} : memref<128x128xf32, #tpu.memory_space<vmem>>, vector<1x16xf32>,
      %parallel_loop3A_277 = vector.shape_cast %parallel_loop3A_276 : vector<1x16xf32> to vector<16xf32>
      %parallel_loop3A_278 = arith.constant 8.000000e+00 : f32
      %parallel_loop3A_279 = vector.broadcast %parallel_loop3A_278 : f32 to vector<16xf32>
      %parallel_loop3A_280 = arith.mulf %parallel_loop3A_277, %parallel_loop3A_279 : vector<16xf32>
      %parallel_loop3A_281 = arith.index_cast %parallel_loop3A_237 : i32 to index
      %parallel_loop3A_282 = arith.constant 48 : index
      %parallel_loop3A_283 = tpu.vector_load %arg12[%parallel_loop3A_281, %parallel_loop3A_282] {strides = array<i32>} : memref<128x64xf32, #tpu.memory_space<vmem>>, vector<1x16xf32>,
      %parallel_loop3A_284 = vector.shape_cast %parallel_loop3A_283 : vector<1x16xf32> to vector<16xf32>
      %parallel_loop3A_285 = vector.shape_cast %parallel_loop3A_280 : vector<16xf32> to vector<1x16xf32>
      tpu.vector_store %arg12[%parallel_loop3A_281, %parallel_loop3A_282], %parallel_loop3A_285 {strides = array<i32>} : memref<128x64xf32, #tpu.memory_space<vmem>>, vector<1x16xf32>,
    } {sc.loop_unroll_factor = 4 : i64, sc.parallel_access}
    %add3A_157 = arith.constant 5888 : i32
    %add3A_158 = arith.addi %mul3A_4, %add3A_157 : i32
    %dma_start3A_159 = arith.constant 0 : i32
    %dma_start3A_160 = tpu.memref_slice %arg4[%add3A_158, %dma_start3A_159] : memref<204800x64xf32, #tpu.memory_space<hbm>> -> memref<128x64xf32, #tpu.memory_space<hbm>>
    %dma_start3A_161 = arith.constant 0 : i32
    %dma_start3A_162 = tpu.memref_slice %arg4[%add3A_158, %dma_start3A_161] : memref<204800x64xf32, #tpu.memory_space<hbm>> -> memref<128x64xf32, #tpu.memory_space<hbm>>
    tpu.enqueue_dma source(%arg12 : memref<128x64xf32, #tpu.memory_space<vmem>>) target(%dma_start3A_162 : memref<128x64xf32, #tpu.memory_space<hbm>>) target_semaphore(%arg22 : memref<!tpu.dma_semaphore, #tpu.memory_space<semaphore_mem>>)
    %dma_wait3A_163 = arith.constant 0 : i32
    %dma_wait3A_164 = tpu.memref_slice %arg5[%dma_wait3A_163] : memref<6400xi32, #tpu.memory_space<vmem>> -> memref<128xi32, #tpu.memory_space<vmem>>
    %dma_wait3A_165 = arith.constant 0 : i32
    %dma_wait3A_166 = arith.constant 0 : i32
    %dma_wait3A_167 = tpu.memref_slice %arg3[%dma_wait3A_165, %dma_wait3A_166] : memref<1000000x128xf32, #tpu.memory_space<hbm>> -> memref<1000000x128xf32, #tpu.memory_space<hbm>>
    tpu.wait_indirect_dma semaphore(%arg18 : memref<!tpu.dma_semaphore, #tpu.memory_space<semaphore_mem>>) src(%dma_wait3A_167 : memref<1000000x128xf32, #tpu.memory_space<hbm>>) dst(%arg8 : memref<128x128xf32, #tpu.memory_space<vmem>>)
    %dma_wait3A_168 = arith.constant 0 : i32
    %dma_wait3A_169 = tpu.memref_slice %arg4[%mul3A_4, %dma_wait3A_168] : memref<204800x64xf32, #tpu.memory_space<hbm>> -> memref<128x64xf32, #tpu.memory_space<hbm>>
    %dma_wait3A_170 = arith.constant 0 : i32
    %dma_wait3A_171 = tpu.memref_slice %arg4[%mul3A_4, %dma_wait3A_170] : memref<204800x64xf32, #tpu.memory_space<hbm>> -> memref<128x64xf32, #tpu.memory_space<hbm>>
    tpu.wait_dma2 semaphore(%arg23 : memref<!tpu.dma_semaphore, #tpu.memory_space<semaphore_mem>>) src(%arg13 : memref<128x64xf32, #tpu.memory_space<vmem>>) dst(%dma_wait3A_171 : memref<128x64xf32, #tpu.memory_space<hbm>>)
    %parallel_loop3A_172 = arith.constant 0 : i32
    %parallel_loop3A_173 = arith.constant 128 : i32
    %parallel_loop3A_174 = arith.constant 1 : i32
    scf.for %parallel_loop3A_237 = %parallel_loop3A_172 to %parallel_loop3A_173 step %parallel_loop3A_174  : i32 {
      %parallel_loop3A_238 = arith.index_cast %parallel_loop3A_237 : i32 to index
      %parallel_loop3A_239 = arith.constant 0 : index
      %parallel_loop3A_240 = tpu.vector_load %arg8[%parallel_loop3A_238, %parallel_loop3A_239] {strides = array<i32>} : memref<128x128xf32, #tpu.memory_space<vmem>>, vector<1x16xf32>,
      %parallel_loop3A_241 = vector.shape_cast %parallel_loop3A_240 : vector<1x16xf32> to vector<16xf32>
      %parallel_loop3A_242 = arith.constant 8.000000e+00 : f32
      %parallel_loop3A_243 = vector.broadcast %parallel_loop3A_242 : f32 to vector<16xf32>
      %parallel_loop3A_244 = arith.mulf %parallel_loop3A_241, %parallel_loop3A_243 : vector<16xf32>
      %parallel_loop3A_245 = arith.index_cast %parallel_loop3A_237 : i32 to index
      %parallel_loop3A_246 = arith.constant 0 : index
      %parallel_loop3A_247 = tpu.vector_load %arg13[%parallel_loop3A_245, %parallel_loop3A_246] {strides = array<i32>} : memref<128x64xf32, #tpu.memory_space<vmem>>, vector<1x16xf32>,
      %parallel_loop3A_248 = vector.shape_cast %parallel_loop3A_247 : vector<1x16xf32> to vector<16xf32>
      %parallel_loop3A_249 = vector.shape_cast %parallel_loop3A_244 : vector<16xf32> to vector<1x16xf32>
      tpu.vector_store %arg13[%parallel_loop3A_245, %parallel_loop3A_246], %parallel_loop3A_249 {strides = array<i32>} : memref<128x64xf32, #tpu.memory_space<vmem>>, vector<1x16xf32>,
      %parallel_loop3A_250 = arith.index_cast %parallel_loop3A_237 : i32 to index
      %parallel_loop3A_251 = arith.constant 16 : index
      %parallel_loop3A_252 = tpu.vector_load %arg8[%parallel_loop3A_250, %parallel_loop3A_251] {strides = array<i32>} : memref<128x128xf32, #tpu.memory_space<vmem>>, vector<1x16xf32>,
      %parallel_loop3A_253 = vector.shape_cast %parallel_loop3A_252 : vector<1x16xf32> to vector<16xf32>
      %parallel_loop3A_254 = arith.constant 8.000000e+00 : f32
      %parallel_loop3A_255 = vector.broadcast %parallel_loop3A_254 : f32 to vector<16xf32>
      %parallel_loop3A_256 = arith.mulf %parallel_loop3A_253, %parallel_loop3A_255 : vector<16xf32>
      %parallel_loop3A_257 = arith.index_cast %parallel_loop3A_237 : i32 to index
      %parallel_loop3A_258 = arith.constant 16 : index
      %parallel_loop3A_259 = tpu.vector_load %arg13[%parallel_loop3A_257, %parallel_loop3A_258] {strides = array<i32>} : memref<128x64xf32, #tpu.memory_space<vmem>>, vector<1x16xf32>,
      %parallel_loop3A_260 = vector.shape_cast %parallel_loop3A_259 : vector<1x16xf32> to vector<16xf32>
      %parallel_loop3A_261 = vector.shape_cast %parallel_loop3A_256 : vector<16xf32> to vector<1x16xf32>
      tpu.vector_store %arg13[%parallel_loop3A_257, %parallel_loop3A_258], %parallel_loop3A_261 {strides = array<i32>} : memref<128x64xf32, #tpu.memory_space<vmem>>, vector<1x16xf32>,
      %parallel_loop3A_262 = arith.index_cast %parallel_loop3A_237 : i32 to index
      %parallel_loop3A_263 = arith.constant 32 : index
      %parallel_loop3A_264 = tpu.vector_load %arg8[%parallel_loop3A_262, %parallel_loop3A_263] {strides = array<i32>} : memref<128x128xf32, #tpu.memory_space<vmem>>, vector<1x16xf32>,
      %parallel_loop3A_265 = vector.shape_cast %parallel_loop3A_264 : vector<1x16xf32> to vector<16xf32>
      %parallel_loop3A_266 = arith.constant 8.000000e+00 : f32
      %parallel_loop3A_267 = vector.broadcast %parallel_loop3A_266 : f32 to vector<16xf32>
      %parallel_loop3A_268 = arith.mulf %parallel_loop3A_265, %parallel_loop3A_267 : vector<16xf32>
      %parallel_loop3A_269 = arith.index_cast %parallel_loop3A_237 : i32 to index
      %parallel_loop3A_270 = arith.constant 32 : index
      %parallel_loop3A_271 = tpu.vector_load %arg13[%parallel_loop3A_269, %parallel_loop3A_270] {strides = array<i32>} : memref<128x64xf32, #tpu.memory_space<vmem>>, vector<1x16xf32>,
      %parallel_loop3A_272 = vector.shape_cast %parallel_loop3A_271 : vector<1x16xf32> to vector<16xf32>
      %parallel_loop3A_273 = vector.shape_cast %parallel_loop3A_268 : vector<16xf32> to vector<1x16xf32>
      tpu.vector_store %arg13[%parallel_loop3A_269, %parallel_loop3A_270], %parallel_loop3A_273 {strides = array<i32>} : memref<128x64xf32, #tpu.memory_space<vmem>>, vector<1x16xf32>,
      %parallel_loop3A_274 = arith.index_cast %parallel_loop3A_237 : i32 to index
      %parallel_loop3A_275 = arith.constant 48 : index
      %parallel_loop3A_276 = tpu.vector_load %arg8[%parallel_loop3A_274, %parallel_loop3A_275] {strides = array<i32>} : memref<128x128xf32, #tpu.memory_space<vmem>>, vector<1x16xf32>,
      %parallel_loop3A_277 = vector.shape_cast %parallel_loop3A_276 : vector<1x16xf32> to vector<16xf32>
      %parallel_loop3A_278 = arith.constant 8.000000e+00 : f32
      %parallel_loop3A_279 = vector.broadcast %parallel_loop3A_278 : f32 to vector<16xf32>
      %parallel_loop3A_280 = arith.mulf %parallel_loop3A_277, %parallel_loop3A_279 : vector<16xf32>
      %parallel_loop3A_281 = arith.index_cast %parallel_loop3A_237 : i32 to index
      %parallel_loop3A_282 = arith.constant 48 : index
      %parallel_loop3A_283 = tpu.vector_load %arg13[%parallel_loop3A_281, %parallel_loop3A_282] {strides = array<i32>} : memref<128x64xf32, #tpu.memory_space<vmem>>, vector<1x16xf32>,
      %parallel_loop3A_284 = vector.shape_cast %parallel_loop3A_283 : vector<1x16xf32> to vector<16xf32>
      %parallel_loop3A_285 = vector.shape_cast %parallel_loop3A_280 : vector<16xf32> to vector<1x16xf32>
      tpu.vector_store %arg13[%parallel_loop3A_281, %parallel_loop3A_282], %parallel_loop3A_285 {strides = array<i32>} : memref<128x64xf32, #tpu.memory_space<vmem>>, vector<1x16xf32>,
    } {sc.loop_unroll_factor = 4 : i64, sc.parallel_access}
    %add3A_175 = arith.constant 6016 : i32
    %add3A_176 = arith.addi %mul3A_4, %add3A_175 : i32
    %dma_start3A_177 = arith.constant 0 : i32
    %dma_start3A_178 = tpu.memref_slice %arg4[%add3A_176, %dma_start3A_177] : memref<204800x64xf32, #tpu.memory_space<hbm>> -> memref<128x64xf32, #tpu.memory_space<hbm>>
    %dma_start3A_179 = arith.constant 0 : i32
    %dma_start3A_180 = tpu.memref_slice %arg4[%add3A_176, %dma_start3A_179] : memref<204800x64xf32, #tpu.memory_space<hbm>> -> memref<128x64xf32, #tpu.memory_space<hbm>>
    tpu.enqueue_dma source(%arg13 : memref<128x64xf32, #tpu.memory_space<vmem>>) target(%dma_start3A_180 : memref<128x64xf32, #tpu.memory_space<hbm>>) target_semaphore(%arg23 : memref<!tpu.dma_semaphore, #tpu.memory_space<semaphore_mem>>)
    %dma_wait3A_181 = arith.constant 0 : i32
    %dma_wait3A_182 = tpu.memref_slice %arg5[%dma_wait3A_181] : memref<6400xi32, #tpu.memory_space<vmem>> -> memref<128xi32, #tpu.memory_space<vmem>>
    %dma_wait3A_183 = arith.constant 0 : i32
    %dma_wait3A_184 = arith.constant 0 : i32
    %dma_wait3A_185 = tpu.memref_slice %arg3[%dma_wait3A_183, %dma_wait3A_184] : memref<1000000x128xf32, #tpu.memory_space<hbm>> -> memref<1000000x128xf32, #tpu.memory_space<hbm>>
    tpu.wait_indirect_dma semaphore(%arg19 : memref<!tpu.dma_semaphore, #tpu.memory_space<semaphore_mem>>) src(%dma_wait3A_185 : memref<1000000x128xf32, #tpu.memory_space<hbm>>) dst(%arg9 : memref<128x128xf32, #tpu.memory_space<vmem>>)
    %dma_wait3A_186 = arith.constant 0 : i32
    %dma_wait3A_187 = tpu.memref_slice %arg4[%mul3A_4, %dma_wait3A_186] : memref<204800x64xf32, #tpu.memory_space<hbm>> -> memref<128x64xf32, #tpu.memory_space<hbm>>
    %dma_wait3A_188 = arith.constant 0 : i32
    %dma_wait3A_189 = tpu.memref_slice %arg4[%mul3A_4, %dma_wait3A_188] : memref<204800x64xf32, #tpu.memory_space<hbm>> -> memref<128x64xf32, #tpu.memory_space<hbm>>
    tpu.wait_dma2 semaphore(%arg24 : memref<!tpu.dma_semaphore, #tpu.memory_space<semaphore_mem>>) src(%arg14 : memref<128x64xf32, #tpu.memory_space<vmem>>) dst(%dma_wait3A_189 : memref<128x64xf32, #tpu.memory_space<hbm>>)
    %parallel_loop3A_190 = arith.constant 0 : i32
    %parallel_loop3A_191 = arith.constant 128 : i32
    %parallel_loop3A_192 = arith.constant 1 : i32
    scf.for %parallel_loop3A_237 = %parallel_loop3A_190 to %parallel_loop3A_191 step %parallel_loop3A_192  : i32 {
      %parallel_loop3A_238 = arith.index_cast %parallel_loop3A_237 : i32 to index
      %parallel_loop3A_239 = arith.constant 0 : index
      %parallel_loop3A_240 = tpu.vector_load %arg9[%parallel_loop3A_238, %parallel_loop3A_239] {strides = array<i32>} : memref<128x128xf32, #tpu.memory_space<vmem>>, vector<1x16xf32>,
      %parallel_loop3A_241 = vector.shape_cast %parallel_loop3A_240 : vector<1x16xf32> to vector<16xf32>
      %parallel_loop3A_242 = arith.constant 8.000000e+00 : f32
      %parallel_loop3A_243 = vector.broadcast %parallel_loop3A_242 : f32 to vector<16xf32>
      %parallel_loop3A_244 = arith.mulf %parallel_loop3A_241, %parallel_loop3A_243 : vector<16xf32>
      %parallel_loop3A_245 = arith.index_cast %parallel_loop3A_237 : i32 to index
      %parallel_loop3A_246 = arith.constant 0 : index
      %parallel_loop3A_247 = tpu.vector_load %arg14[%parallel_loop3A_245, %parallel_loop3A_246] {strides = array<i32>} : memref<128x64xf32, #tpu.memory_space<vmem>>, vector<1x16xf32>,
      %parallel_loop3A_248 = vector.shape_cast %parallel_loop3A_247 : vector<1x16xf32> to vector<16xf32>
      %parallel_loop3A_249 = vector.shape_cast %parallel_loop3A_244 : vector<16xf32> to vector<1x16xf32>
      tpu.vector_store %arg14[%parallel_loop3A_245, %parallel_loop3A_246], %parallel_loop3A_249 {strides = array<i32>} : memref<128x64xf32, #tpu.memory_space<vmem>>, vector<1x16xf32>,
      %parallel_loop3A_250 = arith.index_cast %parallel_loop3A_237 : i32 to index
      %parallel_loop3A_251 = arith.constant 16 : index
      %parallel_loop3A_252 = tpu.vector_load %arg9[%parallel_loop3A_250, %parallel_loop3A_251] {strides = array<i32>} : memref<128x128xf32, #tpu.memory_space<vmem>>, vector<1x16xf32>,
      %parallel_loop3A_253 = vector.shape_cast %parallel_loop3A_252 : vector<1x16xf32> to vector<16xf32>
      %parallel_loop3A_254 = arith.constant 8.000000e+00 : f32
      %parallel_loop3A_255 = vector.broadcast %parallel_loop3A_254 : f32 to vector<16xf32>
      %parallel_loop3A_256 = arith.mulf %parallel_loop3A_253, %parallel_loop3A_255 : vector<16xf32>
      %parallel_loop3A_257 = arith.index_cast %parallel_loop3A_237 : i32 to index
      %parallel_loop3A_258 = arith.constant 16 : index
      %parallel_loop3A_259 = tpu.vector_load %arg14[%parallel_loop3A_257, %parallel_loop3A_258] {strides = array<i32>} : memref<128x64xf32, #tpu.memory_space<vmem>>, vector<1x16xf32>,
      %parallel_loop3A_260 = vector.shape_cast %parallel_loop3A_259 : vector<1x16xf32> to vector<16xf32>
      %parallel_loop3A_261 = vector.shape_cast %parallel_loop3A_256 : vector<16xf32> to vector<1x16xf32>
      tpu.vector_store %arg14[%parallel_loop3A_257, %parallel_loop3A_258], %parallel_loop3A_261 {strides = array<i32>} : memref<128x64xf32, #tpu.memory_space<vmem>>, vector<1x16xf32>,
      %parallel_loop3A_262 = arith.index_cast %parallel_loop3A_237 : i32 to index
      %parallel_loop3A_263 = arith.constant 32 : index
      %parallel_loop3A_264 = tpu.vector_load %arg9[%parallel_loop3A_262, %parallel_loop3A_263] {strides = array<i32>} : memref<128x128xf32, #tpu.memory_space<vmem>>, vector<1x16xf32>,
      %parallel_loop3A_265 = vector.shape_cast %parallel_loop3A_264 : vector<1x16xf32> to vector<16xf32>
      %parallel_loop3A_266 = arith.constant 8.000000e+00 : f32
      %parallel_loop3A_267 = vector.broadcast %parallel_loop3A_266 : f32 to vector<16xf32>
      %parallel_loop3A_268 = arith.mulf %parallel_loop3A_265, %parallel_loop3A_267 : vector<16xf32>
      %parallel_loop3A_269 = arith.index_cast %parallel_loop3A_237 : i32 to index
      %parallel_loop3A_270 = arith.constant 32 : index
      %parallel_loop3A_271 = tpu.vector_load %arg14[%parallel_loop3A_269, %parallel_loop3A_270] {strides = array<i32>} : memref<128x64xf32, #tpu.memory_space<vmem>>, vector<1x16xf32>,
      %parallel_loop3A_272 = vector.shape_cast %parallel_loop3A_271 : vector<1x16xf32> to vector<16xf32>
      %parallel_loop3A_273 = vector.shape_cast %parallel_loop3A_268 : vector<16xf32> to vector<1x16xf32>
      tpu.vector_store %arg14[%parallel_loop3A_269, %parallel_loop3A_270], %parallel_loop3A_273 {strides = array<i32>} : memref<128x64xf32, #tpu.memory_space<vmem>>, vector<1x16xf32>,
      %parallel_loop3A_274 = arith.index_cast %parallel_loop3A_237 : i32 to index
      %parallel_loop3A_275 = arith.constant 48 : index
      %parallel_loop3A_276 = tpu.vector_load %arg9[%parallel_loop3A_274, %parallel_loop3A_275] {strides = array<i32>} : memref<128x128xf32, #tpu.memory_space<vmem>>, vector<1x16xf32>,
      %parallel_loop3A_277 = vector.shape_cast %parallel_loop3A_276 : vector<1x16xf32> to vector<16xf32>
      %parallel_loop3A_278 = arith.constant 8.000000e+00 : f32
      %parallel_loop3A_279 = vector.broadcast %parallel_loop3A_278 : f32 to vector<16xf32>
      %parallel_loop3A_280 = arith.mulf %parallel_loop3A_277, %parallel_loop3A_279 : vector<16xf32>
      %parallel_loop3A_281 = arith.index_cast %parallel_loop3A_237 : i32 to index
      %parallel_loop3A_282 = arith.constant 48 : index
      %parallel_loop3A_283 = tpu.vector_load %arg14[%parallel_loop3A_281, %parallel_loop3A_282] {strides = array<i32>} : memref<128x64xf32, #tpu.memory_space<vmem>>, vector<1x16xf32>,
      %parallel_loop3A_284 = vector.shape_cast %parallel_loop3A_283 : vector<1x16xf32> to vector<16xf32>
      %parallel_loop3A_285 = vector.shape_cast %parallel_loop3A_280 : vector<16xf32> to vector<1x16xf32>
      tpu.vector_store %arg14[%parallel_loop3A_281, %parallel_loop3A_282], %parallel_loop3A_285 {strides = array<i32>} : memref<128x64xf32, #tpu.memory_space<vmem>>, vector<1x16xf32>,
    } {sc.loop_unroll_factor = 4 : i64, sc.parallel_access}
    %add3A_193 = arith.constant 6144 : i32
    %add3A_194 = arith.addi %mul3A_4, %add3A_193 : i32
    %dma_start3A_195 = arith.constant 0 : i32
    %dma_start3A_196 = tpu.memref_slice %arg4[%add3A_194, %dma_start3A_195] : memref<204800x64xf32, #tpu.memory_space<hbm>> -> memref<128x64xf32, #tpu.memory_space<hbm>>
    %dma_start3A_197 = arith.constant 0 : i32
    %dma_start3A_198 = tpu.memref_slice %arg4[%add3A_194, %dma_start3A_197] : memref<204800x64xf32, #tpu.memory_space<hbm>> -> memref<128x64xf32, #tpu.memory_space<hbm>>
    tpu.enqueue_dma source(%arg14 : memref<128x64xf32, #tpu.memory_space<vmem>>) target(%dma_start3A_198 : memref<128x64xf32, #tpu.memory_space<hbm>>) target_semaphore(%arg24 : memref<!tpu.dma_semaphore, #tpu.memory_space<semaphore_mem>>)
    %dma_wait3A_199 = arith.constant 0 : i32
    %dma_wait3A_200 = tpu.memref_slice %arg5[%dma_wait3A_199] : memref<6400xi32, #tpu.memory_space<vmem>> -> memref<128xi32, #tpu.memory_space<vmem>>
    %dma_wait3A_201 = arith.constant 0 : i32
    %dma_wait3A_202 = arith.constant 0 : i32
    %dma_wait3A_203 = tpu.memref_slice %arg3[%dma_wait3A_201, %dma_wait3A_202] : memref<1000000x128xf32, #tpu.memory_space<hbm>> -> memref<1000000x128xf32, #tpu.memory_space<hbm>>
    tpu.wait_indirect_dma semaphore(%arg20 : memref<!tpu.dma_semaphore, #tpu.memory_space<semaphore_mem>>) src(%dma_wait3A_203 : memref<1000000x128xf32, #tpu.memory_space<hbm>>) dst(%arg10 : memref<128x128xf32, #tpu.memory_space<vmem>>)
    %dma_wait3A_204 = arith.constant 0 : i32
    %dma_wait3A_205 = tpu.memref_slice %arg4[%mul3A_4, %dma_wait3A_204] : memref<204800x64xf32, #tpu.memory_space<hbm>> -> memref<128x64xf32, #tpu.memory_space<hbm>>
    %dma_wait3A_206 = arith.constant 0 : i32
    %dma_wait3A_207 = tpu.memref_slice %arg4[%mul3A_4, %dma_wait3A_206] : memref<204800x64xf32, #tpu.memory_space<hbm>> -> memref<128x64xf32, #tpu.memory_space<hbm>>
    tpu.wait_dma2 semaphore(%arg25 : memref<!tpu.dma_semaphore, #tpu.memory_space<semaphore_mem>>) src(%arg15 : memref<128x64xf32, #tpu.memory_space<vmem>>) dst(%dma_wait3A_207 : memref<128x64xf32, #tpu.memory_space<hbm>>)
    %parallel_loop3A_208 = arith.constant 0 : i32
    %parallel_loop3A_209 = arith.constant 128 : i32
    %parallel_loop3A_210 = arith.constant 1 : i32
    scf.for %parallel_loop3A_237 = %parallel_loop3A_208 to %parallel_loop3A_209 step %parallel_loop3A_210  : i32 {
      %parallel_loop3A_238 = arith.index_cast %parallel_loop3A_237 : i32 to index
      %parallel_loop3A_239 = arith.constant 0 : index
      %parallel_loop3A_240 = tpu.vector_load %arg10[%parallel_loop3A_238, %parallel_loop3A_239] {strides = array<i32>} : memref<128x128xf32, #tpu.memory_space<vmem>>, vector<1x16xf32>,
      %parallel_loop3A_241 = vector.shape_cast %parallel_loop3A_240 : vector<1x16xf32> to vector<16xf32>
      %parallel_loop3A_242 = arith.constant 8.000000e+00 : f32
      %parallel_loop3A_243 = vector.broadcast %parallel_loop3A_242 : f32 to vector<16xf32>
      %parallel_loop3A_244 = arith.mulf %parallel_loop3A_241, %parallel_loop3A_243 : vector<16xf32>
      %parallel_loop3A_245 = arith.index_cast %parallel_loop3A_237 : i32 to index
      %parallel_loop3A_246 = arith.constant 0 : index
      %parallel_loop3A_247 = tpu.vector_load %arg15[%parallel_loop3A_245, %parallel_loop3A_246] {strides = array<i32>} : memref<128x64xf32, #tpu.memory_space<vmem>>, vector<1x16xf32>,
      %parallel_loop3A_248 = vector.shape_cast %parallel_loop3A_247 : vector<1x16xf32> to vector<16xf32>
      %parallel_loop3A_249 = vector.shape_cast %parallel_loop3A_244 : vector<16xf32> to vector<1x16xf32>
      tpu.vector_store %arg15[%parallel_loop3A_245, %parallel_loop3A_246], %parallel_loop3A_249 {strides = array<i32>} : memref<128x64xf32, #tpu.memory_space<vmem>>, vector<1x16xf32>,
      %parallel_loop3A_250 = arith.index_cast %parallel_loop3A_237 : i32 to index
      %parallel_loop3A_251 = arith.constant 16 : index
      %parallel_loop3A_252 = tpu.vector_load %arg10[%parallel_loop3A_250, %parallel_loop3A_251] {strides = array<i32>} : memref<128x128xf32, #tpu.memory_space<vmem>>, vector<1x16xf32>,
      %parallel_loop3A_253 = vector.shape_cast %parallel_loop3A_252 : vector<1x16xf32> to vector<16xf32>
      %parallel_loop3A_254 = arith.constant 8.000000e+00 : f32
      %parallel_loop3A_255 = vector.broadcast %parallel_loop3A_254 : f32 to vector<16xf32>
      %parallel_loop3A_256 = arith.mulf %parallel_loop3A_253, %parallel_loop3A_255 : vector<16xf32>
      %parallel_loop3A_257 = arith.index_cast %parallel_loop3A_237 : i32 to index
      %parallel_loop3A_258 = arith.constant 16 : index
      %parallel_loop3A_259 = tpu.vector_load %arg15[%parallel_loop3A_257, %parallel_loop3A_258] {strides = array<i32>} : memref<128x64xf32, #tpu.memory_space<vmem>>, vector<1x16xf32>,
      %parallel_loop3A_260 = vector.shape_cast %parallel_loop3A_259 : vector<1x16xf32> to vector<16xf32>
      %parallel_loop3A_261 = vector.shape_cast %parallel_loop3A_256 : vector<16xf32> to vector<1x16xf32>
      tpu.vector_store %arg15[%parallel_loop3A_257, %parallel_loop3A_258], %parallel_loop3A_261 {strides = array<i32>} : memref<128x64xf32, #tpu.memory_space<vmem>>, vector<1x16xf32>,
      %parallel_loop3A_262 = arith.index_cast %parallel_loop3A_237 : i32 to index
      %parallel_loop3A_263 = arith.constant 32 : index
      %parallel_loop3A_264 = tpu.vector_load %arg10[%parallel_loop3A_262, %parallel_loop3A_263] {strides = array<i32>} : memref<128x128xf32, #tpu.memory_space<vmem>>, vector<1x16xf32>,
      %parallel_loop3A_265 = vector.shape_cast %parallel_loop3A_264 : vector<1x16xf32> to vector<16xf32>
      %parallel_loop3A_266 = arith.constant 8.000000e+00 : f32
      %parallel_loop3A_267 = vector.broadcast %parallel_loop3A_266 : f32 to vector<16xf32>
      %parallel_loop3A_268 = arith.mulf %parallel_loop3A_265, %parallel_loop3A_267 : vector<16xf32>
      %parallel_loop3A_269 = arith.index_cast %parallel_loop3A_237 : i32 to index
      %parallel_loop3A_270 = arith.constant 32 : index
      %parallel_loop3A_271 = tpu.vector_load %arg15[%parallel_loop3A_269, %parallel_loop3A_270] {strides = array<i32>} : memref<128x64xf32, #tpu.memory_space<vmem>>, vector<1x16xf32>,
      %parallel_loop3A_272 = vector.shape_cast %parallel_loop3A_271 : vector<1x16xf32> to vector<16xf32>
      %parallel_loop3A_273 = vector.shape_cast %parallel_loop3A_268 : vector<16xf32> to vector<1x16xf32>
      tpu.vector_store %arg15[%parallel_loop3A_269, %parallel_loop3A_270], %parallel_loop3A_273 {strides = array<i32>} : memref<128x64xf32, #tpu.memory_space<vmem>>, vector<1x16xf32>,
      %parallel_loop3A_274 = arith.index_cast %parallel_loop3A_237 : i32 to index
      %parallel_loop3A_275 = arith.constant 48 : index
      %parallel_loop3A_276 = tpu.vector_load %arg10[%parallel_loop3A_274, %parallel_loop3A_275] {strides = array<i32>} : memref<128x128xf32, #tpu.memory_space<vmem>>, vector<1x16xf32>,
      %parallel_loop3A_277 = vector.shape_cast %parallel_loop3A_276 : vector<1x16xf32> to vector<16xf32>
      %parallel_loop3A_278 = arith.constant 8.000000e+00 : f32
      %parallel_loop3A_279 = vector.broadcast %parallel_loop3A_278 : f32 to vector<16xf32>
      %parallel_loop3A_280 = arith.mulf %parallel_loop3A_277, %parallel_loop3A_279 : vector<16xf32>
      %parallel_loop3A_281 = arith.index_cast %parallel_loop3A_237 : i32 to index
      %parallel_loop3A_282 = arith.constant 48 : index
      %parallel_loop3A_283 = tpu.vector_load %arg15[%parallel_loop3A_281, %parallel_loop3A_282] {strides = array<i32>} : memref<128x64xf32, #tpu.memory_space<vmem>>, vector<1x16xf32>,
      %parallel_loop3A_284 = vector.shape_cast %parallel_loop3A_283 : vector<1x16xf32> to vector<16xf32>
      %parallel_loop3A_285 = vector.shape_cast %parallel_loop3A_280 : vector<16xf32> to vector<1x16xf32>
      tpu.vector_store %arg15[%parallel_loop3A_281, %parallel_loop3A_282], %parallel_loop3A_285 {strides = array<i32>} : memref<128x64xf32, #tpu.memory_space<vmem>>, vector<1x16xf32>,
    } {sc.loop_unroll_factor = 4 : i64, sc.parallel_access}
    %add3A_211 = arith.constant 6272 : i32
    %add3A_212 = arith.addi %mul3A_4, %add3A_211 : i32
    %dma_start3A_213 = arith.constant 0 : i32
    %dma_start3A_214 = tpu.memref_slice %arg4[%add3A_212, %dma_start3A_213] : memref<204800x64xf32, #tpu.memory_space<hbm>> -> memref<128x64xf32, #tpu.memory_space<hbm>>
    %dma_start3A_215 = arith.constant 0 : i32
    %dma_start3A_216 = tpu.memref_slice %arg4[%add3A_212, %dma_start3A_215] : memref<204800x64xf32, #tpu.memory_space<hbm>> -> memref<128x64xf32, #tpu.memory_space<hbm>>
    tpu.enqueue_dma source(%arg15 : memref<128x64xf32, #tpu.memory_space<vmem>>) target(%dma_start3A_216 : memref<128x64xf32, #tpu.memory_space<hbm>>) target_semaphore(%arg25 : memref<!tpu.dma_semaphore, #tpu.memory_space<semaphore_mem>>)
    %dma_wait3A_217 = arith.constant 0 : i32
    %dma_wait3A_218 = tpu.memref_slice %arg4[%add3A_140, %dma_wait3A_217] : memref<204800x64xf32, #tpu.memory_space<hbm>> -> memref<128x64xf32, #tpu.memory_space<hbm>>
    %dma_wait3A_219 = arith.constant 0 : i32
    %dma_wait3A_220 = tpu.memref_slice %arg4[%add3A_140, %dma_wait3A_219] : memref<204800x64xf32, #tpu.memory_space<hbm>> -> memref<128x64xf32, #tpu.memory_space<hbm>>
    tpu.wait_dma2 semaphore(%arg21 : memref<!tpu.dma_semaphore, #tpu.memory_space<semaphore_mem>>) src(%arg11 : memref<128x64xf32, #tpu.memory_space<vmem>>) dst(%dma_wait3A_220 : memref<128x64xf32, #tpu.memory_space<hbm>>)
    %dma_wait3A_221 = arith.constant 0 : i32
    %dma_wait3A_222 = tpu.memref_slice %arg4[%add3A_158, %dma_wait3A_221] : memref<204800x64xf32, #tpu.memory_space<hbm>> -> memref<128x64xf32, #tpu.memory_space<hbm>>
    %dma_wait3A_223 = arith.constant 0 : i32
    %dma_wait3A_224 = tpu.memref_slice %arg4[%add3A_158, %dma_wait3A_223] : memref<204800x64xf32, #tpu.memory_space<hbm>> -> memref<128x64xf32, #tpu.memory_space<hbm>>
    tpu.wait_dma2 semaphore(%arg22 : memref<!tpu.dma_semaphore, #tpu.memory_space<semaphore_mem>>) src(%arg12 : memref<128x64xf32, #tpu.memory_space<vmem>>) dst(%dma_wait3A_224 : memref<128x64xf32, #tpu.memory_space<hbm>>)
    %dma_wait3A_225 = arith.constant 0 : i32
    %dma_wait3A_226 = tpu.memref_slice %arg4[%add3A_176, %dma_wait3A_225] : memref<204800x64xf32, #tpu.memory_space<hbm>> -> memref<128x64xf32, #tpu.memory_space<hbm>>
    %dma_wait3A_227 = arith.constant 0 : i32
    %dma_wait3A_228 = tpu.memref_slice %arg4[%add3A_176, %dma_wait3A_227] : memref<204800x64xf32, #tpu.memory_space<hbm>> -> memref<128x64xf32, #tpu.memory_space<hbm>>
    tpu.wait_dma2 semaphore(%arg23 : memref<!tpu.dma_semaphore, #tpu.memory_space<semaphore_mem>>) src(%arg13 : memref<128x64xf32, #tpu.memory_space<vmem>>) dst(%dma_wait3A_228 : memref<128x64xf32, #tpu.memory_space<hbm>>)
    %dma_wait3A_229 = arith.constant 0 : i32
    %dma_wait3A_230 = tpu.memref_slice %arg4[%add3A_194, %dma_wait3A_229] : memref<204800x64xf32, #tpu.memory_space<hbm>> -> memref<128x64xf32, #tpu.memory_space<hbm>>
    %dma_wait3A_231 = arith.constant 0 : i32
    %dma_wait3A_232 = tpu.memref_slice %arg4[%add3A_194, %dma_wait3A_231] : memref<204800x64xf32, #tpu.memory_space<hbm>> -> memref<128x64xf32, #tpu.memory_space<hbm>>
    tpu.wait_dma2 semaphore(%arg24 : memref<!tpu.dma_semaphore, #tpu.memory_space<semaphore_mem>>) src(%arg14 : memref<128x64xf32, #tpu.memory_space<vmem>>) dst(%dma_wait3A_232 : memref<128x64xf32, #tpu.memory_space<hbm>>)
    %dma_wait3A_233 = arith.constant 0 : i32
    %dma_wait3A_234 = tpu.memref_slice %arg4[%add3A_212, %dma_wait3A_233] : memref<204800x64xf32, #tpu.memory_space<hbm>> -> memref<128x64xf32, #tpu.memory_space<hbm>>
    %dma_wait3A_235 = arith.constant 0 : i32
    %dma_wait3A_236 = tpu.memref_slice %arg4[%add3A_212, %dma_wait3A_235] : memref<204800x64xf32, #tpu.memory_space<hbm>> -> memref<128x64xf32, #tpu.memory_space<hbm>>
    tpu.wait_dma2 semaphore(%arg25 : memref<!tpu.dma_semaphore, #tpu.memory_space<semaphore_mem>>) src(%arg15 : memref<128x64xf32, #tpu.memory_space<vmem>>) dst(%dma_wait3A_236 : memref<128x64xf32, #tpu.memory_space<hbm>>)
    return
  }
}

</mosaic_0001>

<sc_bundles>
// kernel: kernel.3.cloned.1.call-start
scs
__scs_entry_jumppad:
0x0: {  	(pc) =	sbr.rel $0x88, $3  }
0x1: {  	(tag) =	ssettag $0x0;
	lr =	simm.s32 $0x1  }
0x2: {  	[smem:$0x3F9F] =	sst lr;
	_ =	strace $0xD0000000  }
0x3: {  	_ = 	snop  }
0x4: {  	_ = 	snop  }
0x5: {  	_ = 	snop  }
0x6: {  	_ = 	snop  }
0x7: {  	_ = 	snop  }
__scs_overlays_trampoline_lowered:
0x8: {  	[smem:$0x3FAE] =	sst s0  }
0x9: {  	[smem:$0x3FAF] =	sst s1  }
0xa: {  	[smem:$0x3FB0] =	sst s2  }
0xb: {  	[smem:$0x3FB1] =	sst s3  }
0xc: {  	[smem:$0x3FB2] =	sst s4  }
0xd: {  	[smem:$0x3FB3] =	sst s5  }
0xe: {  	[smem:$0x3FB4] =	sst s6  }
0xf: {  	[smem:$0x3FB5] =	sst s7  }
0x10: {  	[smem:$0x3FB6] =	sst s8  }
0x11: {  	[smem:$0x3FB7] =	sst s9;
	s0 =	simm.s32 @!p0 $0x0  }
0x12: {  	s1 =	sld [smem:$0x3F9D];
	s0 =	simm.s32 @p0 $0x1  }
0x13: {  	[smem:$0x3FB8] =	sst s0;
	s0 =	simm.s32 @!p1 $0x0  }
0x14: {  	s2 =	sld [smem:$0x3F9C];
	s0 =	simm.s32 @p1 $0x1  }
0x15: {  	[smem:$0x3FB9] =	sst s0;
	s0 =	simm.s32 @!p2 $0x0  }
0x16: {  	s3 =	sld [smem:$0x3FDB];
	s0 =	simm.s32 @p2 $0x1  }
0x17: {  	s4 =	simm.s32 $0x1BF5;
	[smem:$0x3FBB] =	sst s0  }
0x18: {  	s0 =	sld [smem:$0x3F9E];
	_ =	swait.ge [sflag:s4], $0x0  }
0x19: {  	s7 =	sld [smem:$0x3F9F]  }
0x1a: {  	s8 =	sadd.s32 $0xFFFFE003, lr  }
0x1b: {  	s9 =	sadd.s32 $0xFFFFFEF7, lr;
	s5 =	simm.s32 $0xFFFFFFFF;
	p2 =	slt.u32 s8, $0xFFFFF086  }
0x1c: {  	p1 =	slt.u32 s9, $0xF7A;
	s5 =	simm.s32 @!p2 $0x0  }
0x1d: {  	s5 =	simm.s32 @p1 $0x1;
	p0 =	seq.s32 s7, s2  }
0x1e: {  	s7 =	smul.u32 @!p0 $0xF7A, s2;
	p2 =	seq.s32 @!p0 s5, $0x0  }
0x1f: {  	s9 =	smul.u32 $0xF7A, s1;
	s8 =	simm.s32 @!p0 $0x1BF5;
	p2 =	por !p2, p0  }
0x20: {  	[sflag:s8] =	ssyncset.s32 @!p0 $0xFFFFF086;
	s6 =	sadd.s32 @!p0 s3, s7;
	s7 =	simm.s32 @!p0 $0x108  }
0x21: {  	s3 =	sadd.s32 s3, s9;
	s6 =	sadd.s32 @!p0 $0x88, s6;
	s7 =	simm.s32 @p2 $0x1082  }
0x22: {  	[simem:s7], [sflag:s8] =	dma.local @!p0 [hbm:s6], $0xF7A  }
0x23: {  	s9 =	sor.u32 $0xD0000000, s2;
	s6 =	simm.s32 $0x108;
	_ =	swait.ge @!p0 [sflag:s8], $0x0  }
0x24: {  	s3 =	sadd.s32 $0x88, s3;
	s6 =	simm.s32 @!p1 $0x1082;
	[sflag:s4] =	ssyncset.s32 $0xFFFFF086  }
0x25: {  	[simem:s6], [sflag:s4] =	dma.local [hbm:s3], $0xF7A  }
0x26: {  	[smem:$0x3F9F] =	sst s1;
	(tag) =	ssettag s2;
	_ =	strace s9  }
0x27: {  	s1 =	sld [smem:$0x3FAF]  }
0x28: {  	s2 =	sld [smem:$0x3FB0]  }
0x29: {  	s4 =	sld [smem:$0x3FB2]  }
0x2a: {  	p0 =	seq.s32 s5, $0x0;
	s5 =	sld [smem:$0x3FB3]  }
0x2b: {  	s6 =	sld [smem:$0x3FB4]  }
0x2c: {  	s7 =	sld [smem:$0x3FB5]  }
0x2d: {  	s3 =	simm.s32 $0x108;
	s8 =	sld [smem:$0x3FB6]  }
0x2e: {  	s3 =	simm.s32 @!p0 $0x1082;
	s9 =	sld [smem:$0x3FB7]  }
0x2f: {  	lr =	sadd.s32 s0, s3;
	s0 =	sld [smem:$0x3FAE]  }
0x30: {  	s3 =	sld [smem:$0x3FB1]  }
0x31: {  	[smem:$0x3FBA] =	sst s10  }
0x32: {  	s10 =	sld [smem:$0x3FB8];
	_ =	sdelay $0x3  }
0x33: {  	p0 =	seq.s32 s10, $0x1;
	s10 =	sld [smem:$0x3FBA];
	_ =	sdelay $0x3  }
0x34: {  	[smem:$0x3FBA] =	sst s10  }
0x35: {  	s10 =	sld [smem:$0x3FB9];
	_ =	sdelay $0x3  }
0x36: {  	p1 =	seq.s32 s10, $0x1;
	s10 =	sld [smem:$0x3FBA];
	_ =	sdelay $0x3  }
0x37: {  	[smem:$0x3FBA] =	sst s10  }
0x38: {  	s10 =	sld [smem:$0x3FBB]  }
0x39: {  	_ = 	snop;
	(pc) =	sbr.ind lr, $3  }
0x3a: {  	_ = 	snop  }
0x3b: {  	_ = 	snop  }
0x3c: {  	p2 =	seq.s32 s10, $0x1;
	s10 =	sld [smem:$0x3FBA]  }
0x3d: {  	_ =	shalt  }
0x3e: {  	_ =	shalt  }
0x3f: {  	_ =	shalt  }
0x40: {  	_ =	shalt  }
0x41: {  	_ =	shalt  }
0x42: {  	_ =	shalt  }
0x43: {  	_ =	shalt  }
0x44: {  	_ =	shalt  }
0x45: {  	_ =	shalt  }
0x46: {  	_ =	shalt  }
0x47: {  	_ =	shalt  }
0x48: {  	_ =	shalt  }
0x49: {  	_ =	shalt  }
0x4a: {  	_ =	shalt  }
0x4b: {  	_ =	shalt  }
0x4c: {  	_ =	shalt  }
0x4d: {  	_ =	shalt  }
0x4e: {  	_ =	shalt  }
0x4f: {  	_ =	shalt  }
0x50: {  	_ =	shalt  }
0x51: {  	_ =	shalt  }
0x52: {  	_ =	shalt  }
0x53: {  	_ =	shalt  }
0x54: {  	_ =	shalt  }
0x55: {  	_ =	shalt  }
0x56: {  	_ =	shalt  }
0x57: {  	_ =	shalt  }
0x58: {  	_ =	shalt  }
0x59: {  	_ =	shalt  }
0x5a: {  	_ =	shalt  }
0x5b: {  	_ =	shalt  }
0x5c: {  	_ =	shalt  }
0x5d: {  	_ =	shalt  }
0x5e: {  	_ =	shalt  }
0x5f: {  	_ =	shalt  }
0x60: {  	_ =	shalt  }
0x61: {  	_ =	shalt  }
0x62: {  	_ =	shalt  }
0x63: {  	_ =	shalt  }
0x64: {  	_ =	shalt  }
0x65: {  	_ =	shalt  }
0x66: {  	_ =	shalt  }
0x67: {  	_ =	shalt  }
0x68: {  	_ =	shalt  }
0x69: {  	_ =	shalt  }
0x6a: {  	_ =	shalt  }
0x6b: {  	_ =	shalt  }
0x6c: {  	_ =	shalt  }
0x6d: {  	_ =	shalt  }
0x6e: {  	_ =	shalt  }
0x6f: {  	_ =	shalt  }
0x70: {  	_ =	shalt  }
0x71: {  	_ =	shalt  }
0x72: {  	_ =	shalt  }
0x73: {  	_ =	shalt  }
0x74: {  	_ =	shalt  }
0x75: {  	_ =	shalt  }
0x76: {  	_ =	shalt  }
0x77: {  	_ =	shalt  }
0x78: {  	_ =	shalt  }
0x79: {  	_ =	shalt  }
0x7a: {  	_ =	shalt  }
0x7b: {  	_ =	shalt  }
0x7c: {  	_ =	shalt  }
0x7d: {  	_ =	shalt  }
0x7e: {  	_ =	shalt  }
0x7f: {  	_ =	shalt  }
0x80: {  	_ =	shalt  }
0x81: {  	_ =	shalt  }
0x82: {  	_ =	shalt  }
0x83: {  	_ =	shalt  }
0x84: {  	_ =	shalt  }
0x85: {  	_ =	shalt  }
0x86: {  	_ =	shalt  }
0x87: {  	_ =	shalt  }
.Lfunc_end0:
.L_simem_size_0:
called_computation.1_lowered:
.L_overlay_start_0:
0x88: {  	s2 =	sld [smem:$0x3FD9]  }
0x89: {  	s3 =	sld [smem:$0x3FFE];
	_ =	sdelay $0x1  }
0x8a: {  	s1 =	srdreg.scid  }
0x8b: {  	s0 =	sand.u32 $0x1, s1  }
0x8c: {  	s17 =	sshll.u32 s0, $0xA;
	s2 =	sadd.s32 s3, s2  }
0x8d: {  	s2 =	sadd.s32 s2, s17  }
0x8e: {  	[smem:$0x3FC6] =	sst s2  }
0x8f: {  	_ = 	snop  }
0x90: {  	s2 =	sld [smem:$0x3FD0];
	(tm) =	ssettm $0x1  }
0x91: {  	s18 =	sld [smem:$0x3FFB];
	_ =	sdelay $0x3  }
0x92: {  	_ =	strace s18  }
0x93: {  	s3 =	sld [smem:$0x3FFC];
	_ =	sdelay $0x3  }
0x94: {  	_ =	strace s3  }
0x95: {  	s3 =	sld [smem:$0x3FFD];
	_ =	sdelay $0x3  }
0x96: {  	_ =	strace s3  }
0x97: {  	_ =	strace $0x8FFFFFFF  }
0x98: {  	s19 =	sld [smem:$0x3FDB];
	_ =	sdelay $0x1  }
0x99: {  	s4 =	simm.s32 $_scs_section_size  }
0x9a: {  	s5 =	simm.s32 $_size__tile_overlayer_lowered;
	s6 =	simm.s32 $_tile_overlayer_lowered  }
0x9b: {  	s22 =	simm.s32 $0x1BFF;
	s21 =	sshll.u32 s6, $0x1;
	s3 =	sadd.s32 s4, s19  }
0x9c: {  	s7 =	simm.s32 $0x0;
	s20 =	sshll.u32 s5, $0x1;
	s5 =	sadd.s32 s21, s3  }
0x9d: {  	[timem:s7], [sflag:s22] =	dma.local [hbm:s5], s20  }
0x9e: {  	_ =	swait.ge [sflag:s22], s20  }
0x9f: {  	s4 =	ssub.s32 $0x0, s20;
	[sflag:s22] =	ssyncset.done $0x0  }
0xa0: {  	[sflag:s22] =	ssyncadd.s32 s4;
	_ =	sdelay $0x1  }
0xa1: {  	s23 =	simm.s32 $0x1B8B  }
0xa2: {  	_ =	swait.ge [sflag:s23], $0x1  }
0xa3: {  	[sflag:s23] =	ssyncset.done $0x0  }
0xa4: {  	s25 =	simm.s32 $0x1B8E;
	s24 =	sld [smem:$0x3FFE];
	[sflag:s23] =	ssyncadd.s32 $0xFFFFFFFF  }
0xa5: {  	s26 =	simm.s32 $execute0_lowered;
	[smem:$0x3FD2] =	sst s25  }
0xa6: {  	s5 =	sshll.u32 s26, $0x1;
	_ =	strace $0x80000046;
	[dreg:$0x1] =	wrdreg $0xFFFFFFFF  }
0xa7: {  	s28 =	simm.s32 $_size_execute0_lowered;
	s3 =	sadd.s32 s3, s5;
	[dreg:$0x0] =	wrdreg $0x0  }
0xa8: {  	s5 =	sshll.u32 s28, $0x1;
	[dreg:$0x2] =	wrdreg s3  }
0xa9: {  	[dreg:$0x3] =	wrdreg s5  }
0xaa: {  	[dreg:$0x4] =	wrdreg $0xC0  }
0xab: {  	_ =	task [dreg:s7], $0x5FFFF  }
0xac: {  	[dreg:$0x1] =	wrdreg $0xFFFFFFFF  }
0xad: {  	[dreg:$0x0] =	wrdreg $0x60  }
0xae: {  	[dreg:$0x2] =	wrdreg s24  }
0xaf: {  	[dreg:$0x3] =	wrdreg s2  }
0xb0: {  	[dreg:$0x4] =	wrdreg $0x9  }
0xb1: {  	_ =	task.clear_ibuf [dreg:s7], $0x5FFFF;
	_ =	strace $0x90000046  }
0xb2: {  	s29 =	simm.s32 $0x9;
	_ =	strace $0x80000048  }
0xb3: {  	_ =	swait.ge [sflag:s29], $0x1  }
0xb4: {  	[sflag:s29] =	ssyncadd.s32 $0xFFFFFFFF  }
0xb5: {  	_ =	strace $0x90000048  }
0xb6: {  	_ =	sfence  }
0xb7: {  	s30 =	sld [smem:$0x0];
	_ =	sdelay $0x2  }
0xb8: {  	s31 =	sshll.u32 s1, $0xD;
	s1 =	sshrl.u32 s1, $0x2  }
0xb9: {  	s3 =	sand.u32 $0x4000, s31;
	s1 =	sadd.s32 s1, s30  }
0xba: {  	s0 =	sor.u32 s3, s0;
	s1 =	sshll.u32 s1, $0x11  }
0xbb: {  	s0 =	sor.u32 s1, s0  }
0xbc: {  	s0 =	sadd.s32 $0x8F2B, s0  }
0xbd: {  	[sflag:s0] =	ssyncadd.remote.s32 $0x1  }
0xbe: {  	_ =	sfence.sel $0xFFFF  }
0xbf: {  	[dreg:$0x0] =	wrdreg $0xFFFFFFFF;
	(pc) =	sbr.abs _section_cstart, $3  }
0xc0: {  	[dreg:$0x1] =	wrdreg $0xFFFFFFFF  }
0xc1: {  	_ =	task.clear_ibuf [dreg:s7], $0x2FFFF;
	_ =	strace $0x9FFFFFFF  }
0xc2: {  	(tm) =	ssettm $0x7FFFFFFF  }
0xc3: {  	_ =	shalt  }
tec
execute0_lowered:
.L_overlay_start_1:
0x0: {  	(tag) =	ssettag $0x1  }
0x1: {  	s0 =	rddreg [dreg:$0x0];
	s1 =	srdreg.scid  }
0x2: {  	s3 =	stileid.u32;
	s2 =	rddreg [dreg:$0x1]  }
0x3: {  	s31 =	simm.s32 $0x2;
	s10 =	simm.s32 $0x1B900;
	s11 =	simm.s32 $0x5  }
0x4: {  	s16 =	simm.s32 $0x1D900;
	s1 =	sand.u32 $0x1, s1;
	s4 =	sshll.u32 s3, $0x1  }
0x5: {  	s17 =	simm.s32 $0x6;
	s18 =	simm.s32 $0x7;
	s5 =	sor.u32 s1, s4  }
0x6: {  	s19 =	simm.s32 $0x8;
	s3 =	simm.s32 $0x0;
	s4 =	smul.u32 $0x1900, s5  }
0x7: {  	[smem:$0x7FF] =	sst s3;
	s1 =	ssub.s32 $0x2, s1;
	s7 =	smul.u32 $0x64000, s5  }
0x8: {  	_ =	strace $0x80000047;
	s8 =	sshrl.u32 s1, $0x1;
	s9 =	smul.u32 $0xC800, s5  }
0x9: {  	s5 =	sadd.s32 $0xF49200, s0;
	s20 =	ssub.s32 s1, s8;
	s8 =	simm.s32 $0x19900  }
0xa: {  	s6 =	sshrl.u32 s4, $0x3;
	s21 =	sshrl.u32 s7, $0x3;
	s22 =	sadd.s32 s2, s9  }
0xb: {  	s6 =	sadd.s32 s6, s0;
	[dreg:$0x4] =	wrdreg s22;
	s0 =	smax.u32 s20, $0x1  }
0xc: {  	s1 =	sadd.s32 s2, s21;
	s6 =	sadd.s32 $0xF42E00, s6;
	[dreg:$0xe] =	wrdreg s0  }
0xd: {  	s12 =	sor.u32 $0x80, s4;
	s23 =	sadd.s32 $0x800, s1;
	[dreg:$0x3] =	wrdreg s6  }
0xe: {  	s13 =	sadd.s32 $0x100, s4;
	s24 =	sadd.s32 $0xC00, s1;
	[dreg:$0x6] =	wrdreg s23  }
0xf: {  	s14 =	sadd.s32 $0x180, s4;
	s25 =	sadd.s32 $0x1000, s1;
	[dreg:$0x7] =	wrdreg s24  }
0x10: {  	s15 =	sadd.s32 $0x200, s4;
	s26 =	sadd.s32 $0xB400, s1;
	[dreg:$0x8] =	wrdreg s25  }
0x11: {  	s9 =	simm.s32 $0x4;
	s28 =	sadd.s32 $0xB800, s1;
	[dreg:$0x9] =	wrdreg s26  }
0x12: {  	s7 =	simm.s32 $0x0;
	s29 =	sadd.s32 $0xBC00, s1;
	[dreg:$0xa] =	wrdreg s28  }
0x13: {  	s20 =	simm.s32 $0x9;
	s30 =	sadd.s32 $0xC000, s1;
	[dreg:$0xb] =	wrdreg s29  }
0x14: {  	s21 =	simm.s32 $0xA;
	s1 =	sadd.s32 $0xC400, s1;
	[dreg:$0xc] =	wrdreg s30  }
0x15: {  	s0 =	simm.s32 $0x1;
	s6 =	sadd.s32 $0x400, s22;
	[dreg:$0xd] =	wrdreg s1  }
0x16: {  	s23 =	simm.s32 $0x80;
	[dreg:$0x5] =	wrdreg s6;
	s6 =	simm.s32 $0x3  }
.LBB2_1:
0x17: {  	[dreg:$0xf] =	wrdreg s7  }
0x18: {  	s1 =	rddreg [dreg:$0x3];
	s30 =	simm.s32 $0xB  }
0x19: {  	[tilespmem:s3], [sflag:$0xB] =	stream.linear.gather [hbm4b:s1+s3], $0x1900, $0x38;
	[tilespmem:$0x1F900] =	vst v63  }
0x1a: {  	_ =	swait.ge [sflag:s30], $0x1900  }
0x1b: {  	[sflag:s30] =	ssyncset.done $0x0  }
0x1c: {  	s7 =	simm.s32 $0x1900;
	[sflag:s30] =	ssyncadd.s32 $0xFFFFE700  }
0x1d: {  	[tilespmem:s7], [sflag:$0x1] =	stream.indirect.gather [hbm4b:s5+s23], $0x80, s3, s23, $0xb8;
	[tilespmem:$0x1F900] =	vst v63  }
0x1e: {  	s22 =	simm.s32 $0x5900  }
0x1f: {  	[tilespmem:s22], [sflag:$0x2] =	stream.indirect.gather [hbm4b:s5+s23], $0x80, s23, s23, $0xb8;
	[tilespmem:$0x1F900] =	vst v63  }
0x20: {  	s24 =	simm.s32 $0x100;
	s25 =	simm.s32 $0x9900  }
0x21: {  	[tilespmem:s25], [sflag:$0x3] =	stream.indirect.gather [hbm4b:s5+s23], $0x80, s24, s23, $0xb8;
	[tilespmem:$0x1F900] =	vst v63  }
0x22: {  	s26 =	simm.s32 $0x180;
	s28 =	simm.s32 $0xD900  }
0x23: {  	[tilespmem:s28], [sflag:$0x4] =	stream.indirect.gather [hbm4b:s5+s23], $0x80, s26, s23, $0xb8;
	[tilespmem:$0x1F900] =	vst v63  }
0x24: {  	s29 =	simm.s32 $0x200;
	s30 =	simm.s32 $0x11900  }
0x25: {  	[tilespmem:s30], [sflag:$0x5] =	stream.indirect.gather [hbm4b:s5+s23], $0x80, s29, s23, $0xb8;
	[tilespmem:$0x1F900] =	vst v63  }
0x26: {  	_ =	swait.ge [sflag:s0], $0x4000  }
0x27: {  	[sflag:s0] =	ssyncset.done $0x0  }
0x28: {  	s28 =	simm.s32 $0x1A00;
	[sflag:s0] =	ssyncadd.s32 $0xFFFFC000  }
0x29: {  	v0 =	vld [tilespmem:s28+$0x80];
	_ =	sdelay $0x3  }
0x2a: {  	v1 =	vld [tilespmem:s28+$0xFFFFFF00]  }
0x2b: {  	v2 =	vld [tilespmem:s28+$0xFFFFFF80];
	v0 =	vmul.f32 $8.000000000e+00, v0  }
0x2c: {  	s7 =	simm.s32 $0x15980;
	v3 =	vld [tilespmem:s28+$0x0]  }
0x2d: {  	[tilespmem:s7+$0x40] =	vst v0  }
0x2e: {  	v0 =	vld [tilespmem:s28+$0x90]  }
0x2f: {  	v1 =	vmul.f32 $8.000000000e+00, v1  }
0x30: {  	v2 =	vmul.f32 $8.000000000e+00, v2  }
0x31: {  	v3 =	vmul.f32 $8.000000000e+00, v3;
	[tilespmem:s7+$0xFFFFFF80] =	vst v1  }
0x32: {  	[tilespmem:s7+$0xFFFFFFC0] =	vst v2;
	v1 =	vld [tilespmem:s28+$0xFFFFFF10]  }
0x33: {  	[tilespmem:s7+$0x0] =	vst v3;
	v2 =	vld [tilespmem:s28+$0xFFFFFF90];
	v0 =	vmul.f32 $8.000000000e+00, v0  }
0x34: {  	s22 =	simm.s32 $0x1C00;
	v3 =	vld [tilespmem:s28+$0x10]  }
0x35: {  	[tilespmem:s7+$0x50] =	vst v0;
	v0 =	vld [tilespmem:s22+$0x80]  }
0x36: {  	v4 =	vld [tilespmem:s28+$0xA0]  }
0x37: {  	v5 =	vld [tilespmem:s22+$0xFFFFFF80];
	v1 =	vmul.f32 $8.000000000e+00, v1  }
0x38: {  	v6 =	vld [tilespmem:s22+$0x0];
	v2 =	vmul.f32 $8.000000000e+00, v2  }
0x39: {  	v3 =	vmul.f32 $8.000000000e+00, v3;
	[tilespmem:s7+$0xFFFFFF90] =	vst v1;
	v1 =	vld [tilespmem:s22+$0xFFFFFF00]  }
0x3a: {  	[tilespmem:s7+$0xFFFFFFD0] =	vst v2;
	v2 =	vld [tilespmem:s28+$0xFFFFFF20];
	v0 =	vmul.f32 $8.000000000e+00, v0  }
0x3b: {  	s24 =	simm.s32 $0x15A80;
	[tilespmem:s7+$0x10] =	vst v3;
	v7 =	vld [tilespmem:s28+$0xFFFFFFA0];
	v3 =	vmul.f32 $8.000000000e+00, v4  }
0x3c: {  	v4 =	vmul.f32 $8.000000000e+00, v5;
	[tilespmem:s24+$0x40] =	vst v0;
	v0 =	vld [tilespmem:s28+$0x20]  }
0x3d: {  	v5 =	vmul.f32 $8.000000000e+00, v6;
	v6 =	vld [tilespmem:s22+$0x90];
	[tilespmem:s7+$0x60] =	vst v3  }
0x3e: {  	v1 =	vmul.f32 $8.000000000e+00, v1;
	[tilespmem:s24+$0xFFFFFFC0] =	vst v4;
	v8 =	vld [tilespmem:s28+$0xB0]  }
0x3f: {  	v2 =	vmul.f32 $8.000000000e+00, v2;
	[tilespmem:s24+$0x0] =	vst v5;
	v9 =	vld [tilespmem:s22+$0xFFFFFF90]  }
0x40: {  	[tilespmem:s24+$0xFFFFFF80] =	vst v1;
	v5 =	vmul.f32 $8.000000000e+00, v7;
	v3 =	vld [tilespmem:s22+$0x10]  }
0x41: {  	v4 =	vld [tilespmem:s22+$0xFFFFFF10];
	[tilespmem:s7+$0xFFFFFFA0] =	vst v2;
	v2 =	vmul.f32 $8.000000000e+00, v0  }
0x42: {  	v1 =	vld [tilespmem:s28+$0xFFFFFF30];
	[tilespmem:s7+$0xFFFFFFE0] =	vst v5;
	v7 =	vmul.f32 $8.000000000e+00, v6  }
0x43: {  	v0 =	vld [tilespmem:s28+$0xFFFFFFB0];
	[tilespmem:s7+$0x20] =	vst v2;
	v5 =	vmul.f32 $8.000000000e+00, v8  }
0x44: {  	s1 =	simm.s32 $0x1E00;
	s25 =	simm.s32 $0x4;
	v6 =	vmul.f32 $8.000000000e+00, v9;
	[tilespmem:s24+$0x50] =	vst v7;
	v2 =	vld [tilespmem:s28+$0x30]  }
.LBB2_2:
0x45: {  	v7 =	vld [tilespmem:s1+$0x80];
	v3 =	vmul.f32 $8.000000000e+00, v3;
	[tilespmem:s7+$0x70] =	vst v5  }
0x46: {  	s25 =	sadd.s32 $0x4, s25;
	v4 =	vmul.f32 $8.000000000e+00, v4;
	[tilespmem:s24+$0xFFFFFFD0] =	vst v6;
	v5 =	vld [tilespmem:s22+$0xA0]  }
0x47: {  	p0 =	slt.u32 s25, $0x7C;
	v6 =	vld [tilespmem:s1+$0xFFFFFF80];
	[tilespmem:s24+$0x10] =	vst v3;
	v1 =	vmul.f32 $8.000000000e+00, v1  }
0x48: {  	v3 =	vld [tilespmem:s1+$0x0];
	[tilespmem:s24+$0xFFFFFF90] =	vst v4;
	v0 =	vmul.f32 $8.000000000e+00, v0  }
0x49: {  	v4 =	vld [tilespmem:s1+$0xFFFFFF00];
	[tilespmem:s7+$0xFFFFFFB0] =	vst v1;
	v1 =	vmul.f32 $8.000000000e+00, v2  }
0x4a: {  	v2 =	vmul.f32 $8.000000000e+00, v7;
	v7 =	vld [tilespmem:s22+$0xFFFFFF20];
	[tilespmem:s7+$0xFFFFFFF0] =	vst v0  }
0x4b: {  	v0 =	vld [tilespmem:s22+$0xFFFFFFA0];
	v5 =	vmul.f32 $8.000000000e+00, v5;
	[tilespmem:s7+$0x30] =	vst v1;
	s7 =	smov.u32 s24;
	s24 =	sadd.s32 $0x100, s24  }
0x4c: {  	v1 =	vmul.f32 $8.000000000e+00, v6;
	[tilespmem:s24+$0x40] =	vst v2;
	v2 =	vld [tilespmem:s22+$0x20]  }
0x4d: {  	v3 =	vmul.f32 $8.000000000e+00, v3;
	v6 =	vld [tilespmem:s1+$0x90];
	[tilespmem:s7+$0x60] =	vst v5  }
0x4e: {  	v4 =	vmul.f32 $8.000000000e+00, v4;
	[tilespmem:s24+$0xFFFFFFC0] =	vst v1;
	v5 =	vld [tilespmem:s22+$0xB0]  }
0x4f: {  	v8 =	vld [tilespmem:s1+$0xFFFFFF90];
	[tilespmem:s24+$0x0] =	vst v3;
	v1 =	vmul.f32 $8.000000000e+00, v7  }
.Ltmp0:
0x50: {  	[tilespmem:s24+$0xFFFFFF80] =	vst v4;
	v3 =	vld [tilespmem:s1+$0x10];
	v0 =	vmul.f32 $8.000000000e+00, v0;
	(pc) =	sbr.rel @p0 .LBB2_2-.Ltmp0, $4  }
0x51: {  	v4 =	vld [tilespmem:s1+$0xFFFFFF10];
	[tilespmem:s7+$0xFFFFFFA0] =	vst v1;
	v2 =	vmul.f32 $8.000000000e+00, v2  }
0x52: {  	v7 =	vmul.f32 $8.000000000e+00, v6;
	v1 =	vld [tilespmem:s22+$0xFFFFFF30];
	[tilespmem:s7+$0xFFFFFFE0] =	vst v0  }
0x53: {  	v0 =	vld [tilespmem:s22+$0xFFFFFFB0];
	[tilespmem:s7+$0x20] =	vst v2;
	v5 =	vmul.f32 $8.000000000e+00, v5  }
0x54: {  	v6 =	vmul.f32 $8.000000000e+00, v8;
	[tilespmem:s24+$0x50] =	vst v7;
	v2 =	vld [tilespmem:s22+$0x30];
	s22 =	smov.u32 s1;
	s1 =	sadd.s32 $0x200, s1  }
0x55: {  	_ = 	snop  }
0x56: {  	v4 =	vmul.f32 $8.000000000e+00, v4;
	_ =	sdelay $0x1  }
0x57: {  	v3 =	vmul.f32 $8.000000000e+00, v3;
	v7 =	vld [tilespmem:s22+$0xA0];
	[tilespmem:s24+$0xFFFFFF90] =	vst v4  }
0x58: {  	[tilespmem:s24+$0xFFFFFFD0] =	vst v6;
	v4 =	vld [tilespmem:s22+$0xFFFFFF20]  }
0x59: {  	[tilespmem:s24+$0x10] =	vst v3;
	v3 =	vld [tilespmem:s22+$0xFFFFFFA0]  }
0x5a: {  	v6 =	vld [tilespmem:s22+$0x20];
	_ =	sdelay $0x1  }
0x5b: {  	v7 =	vmul.f32 $8.000000000e+00, v7  }
0x5c: {  	v4 =	vmul.f32 $8.000000000e+00, v4  }
0x5d: {  	[tilespmem:s24+$0x60] =	vst v7;
	v3 =	vmul.f32 $8.000000000e+00, v3  }
0x5e: {  	v7 =	vld [tilespmem:s22+$0xB0];
	[tilespmem:s24+$0xFFFFFFA0] =	vst v4;
	v4 =	vmul.f32 $8.000000000e+00, v6  }
0x5f: {  	[tilespmem:s24+$0xFFFFFFE0] =	vst v3;
	v6 =	vld [tilespmem:s22+$0xFFFFFF30]  }
0x60: {  	v1 =	vmul.f32 $8.000000000e+00, v1;
	v3 =	vld [tilespmem:s22+$0xFFFFFFB0];
	[tilespmem:s24+$0x20] =	vst v4  }
0x61: {  	[tilespmem:s7+$0x70] =	vst v5;
	v0 =	vmul.f32 $8.000000000e+00, v0;
	v4 =	vld [tilespmem:s22+$0x30]  }
0x62: {  	[tilespmem:s7+$0xFFFFFFB0] =	vst v1;
	v1 =	vmul.f32 $8.000000000e+00, v2  }
0x63: {  	[tilespmem:s7+$0xFFFFFFF0] =	vst v0;
	v0 =	vmul.f32 $8.000000000e+00, v7  }
0x64: {  	[tilespmem:s7+$0x30] =	vst v1;
	v1 =	vmul.f32 $8.000000000e+00, v6  }
0x65: {  	[tilespmem:s24+$0x70] =	vst v0;
	v0 =	vmul.f32 $8.000000000e+00, v3  }
0x66: {  	[tilespmem:s24+$0xFFFFFFB0] =	vst v1;
	v1 =	vmul.f32 $8.000000000e+00, v4  }
0x67: {  	[tilespmem:s24+$0xFFFFFFF0] =	vst v0  }
0x68: {  	s1 =	simm.s32 $0x1900;
	s28 =	simm.s32 $0x280;
	[tilespmem:s24+$0x30] =	vst v1  }
0x69: {  	[tilespmem:s1], [sflag:$0x1] =	stream.indirect.gather [hbm4b:s5+s23], $0x80, s28, s23, $0xb8;
	[tilespmem:$0x1F900] =	vst v63  }
0x6a: {  	s30 =	simm.s32 $0x15900;
	s29 =	rddreg [dreg:$0x4]  }
0x6b: {  	[hbm4b:s29+s3] =	stream.linear.scatter [tilespmem:s30], [sflag:$0x6], $0x2000, $0x38;
	[tilespmem:$0x1F900] =	vst v63  }
0x6c: {  	_ =	swait.ge [sflag:s31], $0x4000  }
0x6d: {  	[sflag:s31] =	ssyncset.done $0x0  }
0x6e: {  	s28 =	simm.s32 $0x5A00;
	[sflag:s31] =	ssyncadd.s32 $0xFFFFC000  }
0x6f: {  	v0 =	vld [tilespmem:s28+$0x80];
	_ =	sdelay $0x3  }
0x70: {  	v1 =	vld [tilespmem:s28+$0xFFFFFF00]  }
0x71: {  	v2 =	vld [tilespmem:s28+$0xFFFFFF80];
	v0 =	vmul.f32 $8.000000000e+00, v0  }
0x72: {  	s7 =	simm.s32 $0x17980;
	v3 =	vld [tilespmem:s28+$0x0]  }
0x73: {  	[tilespmem:s7+$0x40] =	vst v0  }
0x74: {  	v0 =	vld [tilespmem:s28+$0x90]  }
0x75: {  	v1 =	vmul.f32 $8.000000000e+00, v1  }
0x76: {  	v2 =	vmul.f32 $8.000000000e+00, v2  }
0x77: {  	v3 =	vmul.f32 $8.000000000e+00, v3;
	[tilespmem:s7+$0xFFFFFF80] =	vst v1  }
0x78: {  	[tilespmem:s7+$0xFFFFFFC0] =	vst v2;
	v1 =	vld [tilespmem:s28+$0xFFFFFF10]  }
0x79: {  	[tilespmem:s7+$0x0] =	vst v3;
	v2 =	vld [tilespmem:s28+$0xFFFFFF90];
	v0 =	vmul.f32 $8.000000000e+00, v0  }
0x7a: {  	s22 =	simm.s32 $0x5C00;
	v3 =	vld [tilespmem:s28+$0x10]  }
0x7b: {  	[tilespmem:s7+$0x50] =	vst v0;
	v0 =	vld [tilespmem:s22+$0x80]  }
0x7c: {  	v4 =	vld [tilespmem:s28+$0xA0]  }
0x7d: {  	v5 =	vld [tilespmem:s22+$0xFFFFFF80];
	v1 =	vmul.f32 $8.000000000e+00, v1  }
0x7e: {  	v6 =	vld [tilespmem:s22+$0x0];
	v2 =	vmul.f32 $8.000000000e+00, v2  }
0x7f: {  	v3 =	vmul.f32 $8.000000000e+00, v3;
	[tilespmem:s7+$0xFFFFFF90] =	vst v1;
	v1 =	vld [tilespmem:s22+$0xFFFFFF00]  }
0x80: {  	[tilespmem:s7+$0xFFFFFFD0] =	vst v2;
	v2 =	vld [tilespmem:s28+$0xFFFFFF20];
	v0 =	vmul.f32 $8.000000000e+00, v0  }
0x81: {  	s24 =	simm.s32 $0x17A80;
	[tilespmem:s7+$0x10] =	vst v3;
	v7 =	vld [tilespmem:s28+$0xFFFFFFA0];
	v3 =	vmul.f32 $8.000000000e+00, v4  }
0x82: {  	v4 =	vmul.f32 $8.000000000e+00, v5;
	[tilespmem:s24+$0x40] =	vst v0;
	v0 =	vld [tilespmem:s28+$0x20]  }
0x83: {  	v5 =	vmul.f32 $8.000000000e+00, v6;
	v6 =	vld [tilespmem:s22+$0x90];
	[tilespmem:s7+$0x60] =	vst v3  }
0x84: {  	v1 =	vmul.f32 $8.000000000e+00, v1;
	[tilespmem:s24+$0xFFFFFFC0] =	vst v4;
	v8 =	vld [tilespmem:s28+$0xB0]  }
0x85: {  	v2 =	vmul.f32 $8.000000000e+00, v2;
	[tilespmem:s24+$0x0] =	vst v5;
	v9 =	vld [tilespmem:s22+$0xFFFFFF90]  }
0x86: {  	[tilespmem:s24+$0xFFFFFF80] =	vst v1;
	v5 =	vmul.f32 $8.000000000e+00, v7;
	v3 =	vld [tilespmem:s22+$0x10]  }
0x87: {  	v4 =	vld [tilespmem:s22+$0xFFFFFF10];
	[tilespmem:s7+$0xFFFFFFA0] =	vst v2;
	v2 =	vmul.f32 $8.000000000e+00, v0  }
0x88: {  	v1 =	vld [tilespmem:s28+$0xFFFFFF30];
	[tilespmem:s7+$0xFFFFFFE0] =	vst v5;
	v7 =	vmul.f32 $8.000000000e+00, v6  }
0x89: {  	v0 =	vld [tilespmem:s28+$0xFFFFFFB0];
	[tilespmem:s7+$0x20] =	vst v2;
	v5 =	vmul.f32 $8.000000000e+00, v8  }
0x8a: {  	s25 =	simm.s32 $0x4;
	s1 =	simm.s32 $0x5E00;
	v6 =	vmul.f32 $8.000000000e+00, v9;
	[tilespmem:s24+$0x50] =	vst v7;
	v2 =	vld [tilespmem:s28+$0x30]  }
.LBB2_4:
0x8b: {  	v7 =	vld [tilespmem:s1+$0x80];
	v3 =	vmul.f32 $8.000000000e+00, v3;
	[tilespmem:s7+$0x70] =	vst v5  }
0x8c: {  	s25 =	sadd.s32 $0x4, s25;
	v4 =	vmul.f32 $8.000000000e+00, v4;
	[tilespmem:s24+$0xFFFFFFD0] =	vst v6;
	v5 =	vld [tilespmem:s22+$0xA0]  }
0x8d: {  	p0 =	slt.u32 s25, $0x7C;
	v6 =	vld [tilespmem:s1+$0xFFFFFF80];
	[tilespmem:s24+$0x10] =	vst v3;
	v1 =	vmul.f32 $8.000000000e+00, v1  }
0x8e: {  	v3 =	vld [tilespmem:s1+$0x0];
	[tilespmem:s24+$0xFFFFFF90] =	vst v4;
	v0 =	vmul.f32 $8.000000000e+00, v0  }
0x8f: {  	v4 =	vld [tilespmem:s1+$0xFFFFFF00];
	[tilespmem:s7+$0xFFFFFFB0] =	vst v1;
	v1 =	vmul.f32 $8.000000000e+00, v2  }
0x90: {  	v2 =	vmul.f32 $8.000000000e+00, v7;
	v7 =	vld [tilespmem:s22+$0xFFFFFF20];
	[tilespmem:s7+$0xFFFFFFF0] =	vst v0  }
0x91: {  	v0 =	vld [tilespmem:s22+$0xFFFFFFA0];
	v5 =	vmul.f32 $8.000000000e+00, v5;
	[tilespmem:s7+$0x30] =	vst v1;
	s7 =	smov.u32 s24;
	s24 =	sadd.s32 $0x100, s24  }
0x92: {  	v1 =	vmul.f32 $8.000000000e+00, v6;
	[tilespmem:s24+$0x40] =	vst v2;
	v2 =	vld [tilespmem:s22+$0x20]  }
0x93: {  	v3 =	vmul.f32 $8.000000000e+00, v3;
	v6 =	vld [tilespmem:s1+$0x90];
	[tilespmem:s7+$0x60] =	vst v5  }
0x94: {  	v4 =	vmul.f32 $8.000000000e+00, v4;
	[tilespmem:s24+$0xFFFFFFC0] =	vst v1;
	v5 =	vld [tilespmem:s22+$0xB0]  }
0x95: {  	v8 =	vld [tilespmem:s1+$0xFFFFFF90];
	[tilespmem:s24+$0x0] =	vst v3;
	v1 =	vmul.f32 $8.000000000e+00, v7  }
.Ltmp1:
0x96: {  	[tilespmem:s24+$0xFFFFFF80] =	vst v4;
	v3 =	vld [tilespmem:s1+$0x10];
	v0 =	vmul.f32 $8.000000000e+00, v0;
	(pc) =	sbr.rel @p0 .LBB2_4-.Ltmp1, $4  }
0x97: {  	v4 =	vld [tilespmem:s1+$0xFFFFFF10];
	[tilespmem:s7+$0xFFFFFFA0] =	vst v1;
	v2 =	vmul.f32 $8.000000000e+00, v2  }
0x98: {  	v7 =	vmul.f32 $8.000000000e+00, v6;
	v1 =	vld [tilespmem:s22+$0xFFFFFF30];
	[tilespmem:s7+$0xFFFFFFE0] =	vst v0  }
0x99: {  	v0 =	vld [tilespmem:s22+$0xFFFFFFB0];
	[tilespmem:s7+$0x20] =	vst v2;
	v5 =	vmul.f32 $8.000000000e+00, v5  }
0x9a: {  	v6 =	vmul.f32 $8.000000000e+00, v8;
	[tilespmem:s24+$0x50] =	vst v7;
	v2 =	vld [tilespmem:s22+$0x30];
	s22 =	smov.u32 s1;
	s1 =	sadd.s32 $0x200, s1  }
0x9b: {  	_ = 	snop  }
0x9c: {  	v4 =	vmul.f32 $8.000000000e+00, v4;
	_ =	sdelay $0x1  }
0x9d: {  	v3 =	vmul.f32 $8.000000000e+00, v3;
	v7 =	vld [tilespmem:s22+$0xA0];
	[tilespmem:s24+$0xFFFFFF90] =	vst v4  }
0x9e: {  	[tilespmem:s24+$0xFFFFFFD0] =	vst v6;
	v4 =	vld [tilespmem:s22+$0xFFFFFF20]  }
0x9f: {  	[tilespmem:s24+$0x10] =	vst v3;
	v3 =	vld [tilespmem:s22+$0xFFFFFFA0]  }
0xa0: {  	v6 =	vld [tilespmem:s22+$0x20];
	_ =	sdelay $0x1  }
0xa1: {  	v7 =	vmul.f32 $8.000000000e+00, v7  }
0xa2: {  	v4 =	vmul.f32 $8.000000000e+00, v4  }
0xa3: {  	[tilespmem:s24+$0x60] =	vst v7;
	v3 =	vmul.f32 $8.000000000e+00, v3  }
0xa4: {  	v7 =	vld [tilespmem:s22+$0xB0];
	[tilespmem:s24+$0xFFFFFFA0] =	vst v4;
	v4 =	vmul.f32 $8.000000000e+00, v6  }
0xa5: {  	[tilespmem:s24+$0xFFFFFFE0] =	vst v3;
	v6 =	vld [tilespmem:s22+$0xFFFFFF30]  }
0xa6: {  	v1 =	vmul.f32 $8.000000000e+00, v1;
	v3 =	vld [tilespmem:s22+$0xFFFFFFB0];
	[tilespmem:s24+$0x20] =	vst v4  }
0xa7: {  	[tilespmem:s7+$0x70] =	vst v5;
	v0 =	vmul.f32 $8.000000000e+00, v0;
	v4 =	vld [tilespmem:s22+$0x30]  }
0xa8: {  	[tilespmem:s7+$0xFFFFFFB0] =	vst v1;
	v1 =	vmul.f32 $8.000000000e+00, v2  }
0xa9: {  	[tilespmem:s7+$0xFFFFFFF0] =	vst v0;
	v0 =	vmul.f32 $8.000000000e+00, v7  }
0xaa: {  	[tilespmem:s7+$0x30] =	vst v1;
	v1 =	vmul.f32 $8.000000000e+00, v6  }
0xab: {  	[tilespmem:s24+$0x70] =	vst v0;
	v0 =	vmul.f32 $8.000000000e+00, v3  }
0xac: {  	[tilespmem:s24+$0xFFFFFFB0] =	vst v1;
	v1 =	vmul.f32 $8.000000000e+00, v4  }
0xad: {  	[tilespmem:s24+$0xFFFFFFF0] =	vst v0  }
0xae: {  	s1 =	simm.s32 $0x5900;
	s28 =	simm.s32 $0x300;
	[tilespmem:s24+$0x30] =	vst v1  }
0xaf: {  	[tilespmem:s1], [sflag:$0x2] =	stream.indirect.gather [hbm4b:s5+s23], $0x80, s28, s23, $0xb8;
	[tilespmem:$0x1F900] =	vst v63  }
0xb0: {  	s30 =	simm.s32 $0x17900;
	s29 =	rddreg [dreg:$0x5]  }
0xb1: {  	[hbm4b:s29+s3] =	stream.linear.scatter [tilespmem:s30], [sflag:$0x7], $0x2000, $0x38;
	[tilespmem:$0x1F900] =	vst v63  }
0xb2: {  	_ =	swait.ge [sflag:s6], $0x4000  }
0xb3: {  	[sflag:s6] =	ssyncset.done $0x0  }
0xb4: {  	s28 =	simm.s32 $0x9A00;
	[sflag:s6] =	ssyncadd.s32 $0xFFFFC000  }
0xb5: {  	v0 =	vld [tilespmem:s28+$0x80];
	_ =	sdelay $0x3  }
0xb6: {  	v1 =	vld [tilespmem:s28+$0xFFFFFF00]  }
0xb7: {  	v2 =	vld [tilespmem:s28+$0xFFFFFF80];
	v0 =	vmul.f32 $8.000000000e+00, v0  }
0xb8: {  	s7 =	simm.s32 $0x19980;
	v3 =	vld [tilespmem:s28+$0x0]  }
0xb9: {  	[tilespmem:s7+$0x40] =	vst v0  }
0xba: {  	v0 =	vld [tilespmem:s28+$0x90]  }
0xbb: {  	v1 =	vmul.f32 $8.000000000e+00, v1  }
0xbc: {  	v2 =	vmul.f32 $8.000000000e+00, v2  }
0xbd: {  	v3 =	vmul.f32 $8.000000000e+00, v3;
	[tilespmem:s7+$0xFFFFFF80] =	vst v1  }
0xbe: {  	[tilespmem:s7+$0xFFFFFFC0] =	vst v2;
	v1 =	vld [tilespmem:s28+$0xFFFFFF10]  }
0xbf: {  	[tilespmem:s7+$0x0] =	vst v3;
	v2 =	vld [tilespmem:s28+$0xFFFFFF90];
	v0 =	vmul.f32 $8.000000000e+00, v0  }
0xc0: {  	s22 =	simm.s32 $0x9C00;
	v3 =	vld [tilespmem:s28+$0x10]  }
0xc1: {  	[tilespmem:s7+$0x50] =	vst v0;
	v0 =	vld [tilespmem:s22+$0x80]  }
0xc2: {  	v4 =	vld [tilespmem:s28+$0xA0]  }
0xc3: {  	v5 =	vld [tilespmem:s22+$0xFFFFFF80];
	v1 =	vmul.f32 $8.000000000e+00, v1  }
0xc4: {  	v6 =	vld [tilespmem:s22+$0x0];
	v2 =	vmul.f32 $8.000000000e+00, v2  }
0xc5: {  	v3 =	vmul.f32 $8.000000000e+00, v3;
	[tilespmem:s7+$0xFFFFFF90] =	vst v1;
	v1 =	vld [tilespmem:s22+$0xFFFFFF00]  }
0xc6: {  	[tilespmem:s7+$0xFFFFFFD0] =	vst v2;
	v2 =	vld [tilespmem:s28+$0xFFFFFF20];
	v0 =	vmul.f32 $8.000000000e+00, v0  }
0xc7: {  	s24 =	simm.s32 $0x19A80;
	[tilespmem:s7+$0x10] =	vst v3;
	v7 =	vld [tilespmem:s28+$0xFFFFFFA0];
	v3 =	vmul.f32 $8.000000000e+00, v4  }
0xc8: {  	v4 =	vmul.f32 $8.000000000e+00, v5;
	[tilespmem:s24+$0x40] =	vst v0;
	v0 =	vld [tilespmem:s28+$0x20]  }
0xc9: {  	v5 =	vmul.f32 $8.000000000e+00, v6;
	v6 =	vld [tilespmem:s22+$0x90];
	[tilespmem:s7+$0x60] =	vst v3  }
0xca: {  	v1 =	vmul.f32 $8.000000000e+00, v1;
	[tilespmem:s24+$0xFFFFFFC0] =	vst v4;
	v8 =	vld [tilespmem:s28+$0xB0]  }
0xcb: {  	v2 =	vmul.f32 $8.000000000e+00, v2;
	[tilespmem:s24+$0x0] =	vst v5;
	v9 =	vld [tilespmem:s22+$0xFFFFFF90]  }
0xcc: {  	[tilespmem:s24+$0xFFFFFF80] =	vst v1;
	v5 =	vmul.f32 $8.000000000e+00, v7;
	v3 =	vld [tilespmem:s22+$0x10]  }
0xcd: {  	v4 =	vld [tilespmem:s22+$0xFFFFFF10];
	[tilespmem:s7+$0xFFFFFFA0] =	vst v2;
	v2 =	vmul.f32 $8.000000000e+00, v0  }
0xce: {  	v1 =	vld [tilespmem:s28+$0xFFFFFF30];
	[tilespmem:s7+$0xFFFFFFE0] =	vst v5;
	v7 =	vmul.f32 $8.000000000e+00, v6  }
0xcf: {  	v0 =	vld [tilespmem:s28+$0xFFFFFFB0];
	[tilespmem:s7+$0x20] =	vst v2;
	v5 =	vmul.f32 $8.000000000e+00, v8  }
0xd0: {  	s25 =	simm.s32 $0x4;
	s1 =	simm.s32 $0x9E00;
	v6 =	vmul.f32 $8.000000000e+00, v9;
	[tilespmem:s24+$0x50] =	vst v7;
	v2 =	vld [tilespmem:s28+$0x30]  }
.LBB2_6:
0xd1: {  	v7 =	vld [tilespmem:s1+$0x80];
	v3 =	vmul.f32 $8.000000000e+00, v3;
	[tilespmem:s7+$0x70] =	vst v5  }
0xd2: {  	s25 =	sadd.s32 $0x4, s25;
	v4 =	vmul.f32 $8.000000000e+00, v4;
	[tilespmem:s24+$0xFFFFFFD0] =	vst v6;
	v5 =	vld [tilespmem:s22+$0xA0]  }
0xd3: {  	p0 =	slt.u32 s25, $0x7C;
	v6 =	vld [tilespmem:s1+$0xFFFFFF80];
	[tilespmem:s24+$0x10] =	vst v3;
	v1 =	vmul.f32 $8.000000000e+00, v1  }
0xd4: {  	v3 =	vld [tilespmem:s1+$0x0];
	[tilespmem:s24+$0xFFFFFF90] =	vst v4;
	v0 =	vmul.f32 $8.000000000e+00, v0  }
0xd5: {  	v4 =	vld [tilespmem:s1+$0xFFFFFF00];
	[tilespmem:s7+$0xFFFFFFB0] =	vst v1;
	v1 =	vmul.f32 $8.000000000e+00, v2  }
0xd6: {  	v2 =	vmul.f32 $8.000000000e+00, v7;
	v7 =	vld [tilespmem:s22+$0xFFFFFF20];
	[tilespmem:s7+$0xFFFFFFF0] =	vst v0  }
0xd7: {  	v0 =	vld [tilespmem:s22+$0xFFFFFFA0];
	v5 =	vmul.f32 $8.000000000e+00, v5;
	[tilespmem:s7+$0x30] =	vst v1;
	s7 =	smov.u32 s24;
	s24 =	sadd.s32 $0x100, s24  }
0xd8: {  	v1 =	vmul.f32 $8.000000000e+00, v6;
	[tilespmem:s24+$0x40] =	vst v2;
	v2 =	vld [tilespmem:s22+$0x20]  }
0xd9: {  	v3 =	vmul.f32 $8.000000000e+00, v3;
	v6 =	vld [tilespmem:s1+$0x90];
	[tilespmem:s7+$0x60] =	vst v5  }
0xda: {  	v4 =	vmul.f32 $8.000000000e+00, v4;
	[tilespmem:s24+$0xFFFFFFC0] =	vst v1;
	v5 =	vld [tilespmem:s22+$0xB0]  }
0xdb: {  	v8 =	vld [tilespmem:s1+$0xFFFFFF90];
	[tilespmem:s24+$0x0] =	vst v3;
	v1 =	vmul.f32 $8.000000000e+00, v7  }
.Ltmp2:
0xdc: {  	[tilespmem:s24+$0xFFFFFF80] =	vst v4;
	v3 =	vld [tilespmem:s1+$0x10];
	v0 =	vmul.f32 $8.000000000e+00, v0;
	(pc) =	sbr.rel @p0 .LBB2_6-.Ltmp2, $4  }
0xdd: {  	v4 =	vld [tilespmem:s1+$0xFFFFFF10];
	[tilespmem:s7+$0xFFFFFFA0] =	vst v1;
	v2 =	vmul.f32 $8.000000000e+00, v2  }
0xde: {  	v7 =	vmul.f32 $8.000000000e+00, v6;
	v1 =	vld [tilespmem:s22+$0xFFFFFF30];
	[tilespmem:s7+$0xFFFFFFE0] =	vst v0  }
0xdf: {  	v0 =	vld [tilespmem:s22+$0xFFFFFFB0];
	[tilespmem:s7+$0x20] =	vst v2;
	v5 =	vmul.f32 $8.000000000e+00, v5  }
0xe0: {  	v6 =	vmul.f32 $8.000000000e+00, v8;
	[tilespmem:s24+$0x50] =	vst v7;
	v2 =	vld [tilespmem:s22+$0x30];
	s22 =	smov.u32 s1;
	s1 =	sadd.s32 $0x200, s1  }
0xe1: {  	_ = 	snop  }
0xe2: {  	v4 =	vmul.f32 $8.000000000e+00, v4;
	_ =	sdelay $0x1  }
0xe3: {  	v3 =	vmul.f32 $8.000000000e+00, v3;
	v7 =	vld [tilespmem:s22+$0xA0];
	[tilespmem:s24+$0xFFFFFF90] =	vst v4  }
0xe4: {  	[tilespmem:s24+$0xFFFFFFD0] =	vst v6;
	v4 =	vld [tilespmem:s22+$0xFFFFFF20]  }
0xe5: {  	[tilespmem:s24+$0x10] =	vst v3;
	v3 =	vld [tilespmem:s22+$0xFFFFFFA0]  }
0xe6: {  	v6 =	vld [tilespmem:s22+$0x20];
	_ =	sdelay $0x1  }
0xe7: {  	v7 =	vmul.f32 $8.000000000e+00, v7  }
0xe8: {  	v4 =	vmul.f32 $8.000000000e+00, v4  }
0xe9: {  	[tilespmem:s24+$0x60] =	vst v7;
	v3 =	vmul.f32 $8.000000000e+00, v3  }
0xea: {  	v7 =	vld [tilespmem:s22+$0xB0];
	[tilespmem:s24+$0xFFFFFFA0] =	vst v4;
	v4 =	vmul.f32 $8.000000000e+00, v6  }
0xeb: {  	[tilespmem:s24+$0xFFFFFFE0] =	vst v3;
	v6 =	vld [tilespmem:s22+$0xFFFFFF30]  }
0xec: {  	v1 =	vmul.f32 $8.000000000e+00, v1;
	v3 =	vld [tilespmem:s22+$0xFFFFFFB0];
	[tilespmem:s24+$0x20] =	vst v4  }
0xed: {  	[tilespmem:s7+$0x70] =	vst v5;
	v0 =	vmul.f32 $8.000000000e+00, v0;
	v4 =	vld [tilespmem:s22+$0x30]  }
0xee: {  	[tilespmem:s7+$0xFFFFFFB0] =	vst v1;
	v1 =	vmul.f32 $8.000000000e+00, v2  }
0xef: {  	[tilespmem:s7+$0xFFFFFFF0] =	vst v0;
	v0 =	vmul.f32 $8.000000000e+00, v7  }
0xf0: {  	[tilespmem:s7+$0x30] =	vst v1;
	v1 =	vmul.f32 $8.000000000e+00, v6  }
0xf1: {  	[tilespmem:s24+$0x70] =	vst v0;
	v0 =	vmul.f32 $8.000000000e+00, v3  }
0xf2: {  	[tilespmem:s24+$0xFFFFFFB0] =	vst v1;
	v1 =	vmul.f32 $8.000000000e+00, v4  }
0xf3: {  	[tilespmem:s24+$0xFFFFFFF0] =	vst v0  }
0xf4: {  	s1 =	simm.s32 $0x9900;
	s29 =	simm.s32 $0x380;
	[tilespmem:s24+$0x30] =	vst v1  }
0xf5: {  	[tilespmem:s1], [sflag:$0x3] =	stream.indirect.gather [hbm4b:s5+s23], $0x80, s29, s23, $0xb8;
	[tilespmem:$0x1F900] =	vst v63  }
0xf6: {  	s30 =	rddreg [dreg:$0x6]  }
0xf7: {  	[hbm4b:s30+s3] =	stream.linear.scatter [tilespmem:s8], [sflag:$0x8], $0x2000, $0x38;
	[tilespmem:$0x1F900] =	vst v63  }
0xf8: {  	_ =	swait.ge [sflag:s9], $0x4000  }
0xf9: {  	[sflag:s9] =	ssyncset.done $0x0  }
0xfa: {  	s28 =	simm.s32 $0xDA00;
	[sflag:s9] =	ssyncadd.s32 $0xFFFFC000  }
0xfb: {  	v0 =	vld [tilespmem:s28+$0x80];
	_ =	sdelay $0x3  }
0xfc: {  	v1 =	vld [tilespmem:s28+$0xFFFFFF00]  }
0xfd: {  	v2 =	vld [tilespmem:s28+$0xFFFFFF80];
	v0 =	vmul.f32 $8.000000000e+00, v0  }
0xfe: {  	s7 =	simm.s32 $0x1B980;
	v3 =	vld [tilespmem:s28+$0x0]  }
0xff: {  	[tilespmem:s7+$0x40] =	vst v0  }
0x100: {  	v0 =	vld [tilespmem:s28+$0x90]  }
0x101: {  	v1 =	vmul.f32 $8.000000000e+00, v1  }
0x102: {  	v2 =	vmul.f32 $8.000000000e+00, v2  }
0x103: {  	v3 =	vmul.f32 $8.000000000e+00, v3;
	[tilespmem:s7+$0xFFFFFF80] =	vst v1  }
0x104: {  	[tilespmem:s7+$0xFFFFFFC0] =	vst v2;
	v1 =	vld [tilespmem:s28+$0xFFFFFF10]  }
0x105: {  	[tilespmem:s7+$0x0] =	vst v3;
	v2 =	vld [tilespmem:s28+$0xFFFFFF90];
	v0 =	vmul.f32 $8.000000000e+00, v0  }
0x106: {  	s22 =	simm.s32 $0xDC00;
	v3 =	vld [tilespmem:s28+$0x10]  }
0x107: {  	[tilespmem:s7+$0x50] =	vst v0;
	v0 =	vld [tilespmem:s22+$0x80]  }
0x108: {  	v4 =	vld [tilespmem:s28+$0xA0]  }
0x109: {  	v5 =	vld [tilespmem:s22+$0xFFFFFF80];
	v1 =	vmul.f32 $8.000000000e+00, v1  }
0x10a: {  	v6 =	vld [tilespmem:s22+$0x0];
	v2 =	vmul.f32 $8.000000000e+00, v2  }
0x10b: {  	v3 =	vmul.f32 $8.000000000e+00, v3;
	[tilespmem:s7+$0xFFFFFF90] =	vst v1;
	v1 =	vld [tilespmem:s22+$0xFFFFFF00]  }
0x10c: {  	[tilespmem:s7+$0xFFFFFFD0] =	vst v2;
	v2 =	vld [tilespmem:s28+$0xFFFFFF20];
	v0 =	vmul.f32 $8.000000000e+00, v0  }
0x10d: {  	s24 =	simm.s32 $0x1BA80;
	[tilespmem:s7+$0x10] =	vst v3;
	v7 =	vld [tilespmem:s28+$0xFFFFFFA0];
	v3 =	vmul.f32 $8.000000000e+00, v4  }
0x10e: {  	v4 =	vmul.f32 $8.000000000e+00, v5;
	[tilespmem:s24+$0x40] =	vst v0;
	v0 =	vld [tilespmem:s28+$0x20]  }
0x10f: {  	v5 =	vmul.f32 $8.000000000e+00, v6;
	v6 =	vld [tilespmem:s22+$0x90];
	[tilespmem:s7+$0x60] =	vst v3  }
0x110: {  	v1 =	vmul.f32 $8.000000000e+00, v1;
	[tilespmem:s24+$0xFFFFFFC0] =	vst v4;
	v8 =	vld [tilespmem:s28+$0xB0]  }
0x111: {  	v2 =	vmul.f32 $8.000000000e+00, v2;
	[tilespmem:s24+$0x0] =	vst v5;
	v9 =	vld [tilespmem:s22+$0xFFFFFF90]  }
0x112: {  	[tilespmem:s24+$0xFFFFFF80] =	vst v1;
	v5 =	vmul.f32 $8.000000000e+00, v7;
	v3 =	vld [tilespmem:s22+$0x10]  }
0x113: {  	v4 =	vld [tilespmem:s22+$0xFFFFFF10];
	[tilespmem:s7+$0xFFFFFFA0] =	vst v2;
	v2 =	vmul.f32 $8.000000000e+00, v0  }
0x114: {  	v1 =	vld [tilespmem:s28+$0xFFFFFF30];
	[tilespmem:s7+$0xFFFFFFE0] =	vst v5;
	v7 =	vmul.f32 $8.000000000e+00, v6  }
0x115: {  	v0 =	vld [tilespmem:s28+$0xFFFFFFB0];
	[tilespmem:s7+$0x20] =	vst v2;
	v5 =	vmul.f32 $8.000000000e+00, v8  }
0x116: {  	s25 =	simm.s32 $0x4;
	s1 =	simm.s32 $0xDE00;
	v6 =	vmul.f32 $8.000000000e+00, v9;
	[tilespmem:s24+$0x50] =	vst v7;
	v2 =	vld [tilespmem:s28+$0x30]  }
.LBB2_8:
0x117: {  	v7 =	vld [tilespmem:s1+$0x80];
	v3 =	vmul.f32 $8.000000000e+00, v3;
	[tilespmem:s7+$0x70] =	vst v5  }
0x118: {  	s25 =	sadd.s32 $0x4, s25;
	v4 =	vmul.f32 $8.000000000e+00, v4;
	[tilespmem:s24+$0xFFFFFFD0] =	vst v6;
	v5 =	vld [tilespmem:s22+$0xA0]  }
0x119: {  	p0 =	slt.u32 s25, $0x7C;
	v6 =	vld [tilespmem:s1+$0xFFFFFF80];
	[tilespmem:s24+$0x10] =	vst v3;
	v1 =	vmul.f32 $8.000000000e+00, v1  }
0x11a: {  	v3 =	vld [tilespmem:s1+$0x0];
	[tilespmem:s24+$0xFFFFFF90] =	vst v4;
	v0 =	vmul.f32 $8.000000000e+00, v0  }
0x11b: {  	v4 =	vld [tilespmem:s1+$0xFFFFFF00];
	[tilespmem:s7+$0xFFFFFFB0] =	vst v1;
	v1 =	vmul.f32 $8.000000000e+00, v2  }
0x11c: {  	v2 =	vmul.f32 $8.000000000e+00, v7;
	v7 =	vld [tilespmem:s22+$0xFFFFFF20];
	[tilespmem:s7+$0xFFFFFFF0] =	vst v0  }
0x11d: {  	v0 =	vld [tilespmem:s22+$0xFFFFFFA0];
	v5 =	vmul.f32 $8.000000000e+00, v5;
	[tilespmem:s7+$0x30] =	vst v1;
	s7 =	smov.u32 s24;
	s24 =	sadd.s32 $0x100, s24  }
0x11e: {  	v1 =	vmul.f32 $8.000000000e+00, v6;
	[tilespmem:s24+$0x40] =	vst v2;
	v2 =	vld [tilespmem:s22+$0x20]  }
0x11f: {  	v3 =	vmul.f32 $8.000000000e+00, v3;
	v6 =	vld [tilespmem:s1+$0x90];
	[tilespmem:s7+$0x60] =	vst v5  }
0x120: {  	v4 =	vmul.f32 $8.000000000e+00, v4;
	[tilespmem:s24+$0xFFFFFFC0] =	vst v1;
	v5 =	vld [tilespmem:s22+$0xB0]  }
0x121: {  	v8 =	vld [tilespmem:s1+$0xFFFFFF90];
	[tilespmem:s24+$0x0] =	vst v3;
	v1 =	vmul.f32 $8.000000000e+00, v7  }
.Ltmp3:
0x122: {  	[tilespmem:s24+$0xFFFFFF80] =	vst v4;
	v3 =	vld [tilespmem:s1+$0x10];
	v0 =	vmul.f32 $8.000000000e+00, v0;
	(pc) =	sbr.rel @p0 .LBB2_8-.Ltmp3, $4  }
0x123: {  	v4 =	vld [tilespmem:s1+$0xFFFFFF10];
	[tilespmem:s7+$0xFFFFFFA0] =	vst v1;
	v2 =	vmul.f32 $8.000000000e+00, v2  }
0x124: {  	v7 =	vmul.f32 $8.000000000e+00, v6;
	v1 =	vld [tilespmem:s22+$0xFFFFFF30];
	[tilespmem:s7+$0xFFFFFFE0] =	vst v0  }
0x125: {  	v0 =	vld [tilespmem:s22+$0xFFFFFFB0];
	[tilespmem:s7+$0x20] =	vst v2;
	v5 =	vmul.f32 $8.000000000e+00, v5  }
0x126: {  	v6 =	vmul.f32 $8.000000000e+00, v8;
	[tilespmem:s24+$0x50] =	vst v7;
	v2 =	vld [tilespmem:s22+$0x30];
	s22 =	smov.u32 s1;
	s1 =	sadd.s32 $0x200, s1  }
0x127: {  	_ = 	snop  }
0x128: {  	v4 =	vmul.f32 $8.000000000e+00, v4;
	_ =	sdelay $0x1  }
0x129: {  	v3 =	vmul.f32 $8.000000000e+00, v3;
	v7 =	vld [tilespmem:s22+$0xA0];
	[tilespmem:s24+$0xFFFFFF90] =	vst v4  }
0x12a: {  	[tilespmem:s24+$0xFFFFFFD0] =	vst v6;
	v4 =	vld [tilespmem:s22+$0xFFFFFF20]  }
0x12b: {  	[tilespmem:s24+$0x10] =	vst v3;
	v3 =	vld [tilespmem:s22+$0xFFFFFFA0]  }
0x12c: {  	v6 =	vld [tilespmem:s22+$0x20];
	_ =	sdelay $0x1  }
0x12d: {  	v7 =	vmul.f32 $8.000000000e+00, v7  }
0x12e: {  	v4 =	vmul.f32 $8.000000000e+00, v4  }
0x12f: {  	[tilespmem:s24+$0x60] =	vst v7;
	v3 =	vmul.f32 $8.000000000e+00, v3  }
0x130: {  	v7 =	vld [tilespmem:s22+$0xB0];
	[tilespmem:s24+$0xFFFFFFA0] =	vst v4;
	v4 =	vmul.f32 $8.000000000e+00, v6  }
0x131: {  	[tilespmem:s24+$0xFFFFFFE0] =	vst v3;
	v6 =	vld [tilespmem:s22+$0xFFFFFF30]  }
0x132: {  	v1 =	vmul.f32 $8.000000000e+00, v1;
	v3 =	vld [tilespmem:s22+$0xFFFFFFB0];
	[tilespmem:s24+$0x20] =	vst v4  }
0x133: {  	[tilespmem:s7+$0x70] =	vst v5;
	v0 =	vmul.f32 $8.000000000e+00, v0;
	v4 =	vld [tilespmem:s22+$0x30]  }
0x134: {  	[tilespmem:s7+$0xFFFFFFB0] =	vst v1;
	v1 =	vmul.f32 $8.000000000e+00, v2  }
0x135: {  	[tilespmem:s7+$0xFFFFFFF0] =	vst v0;
	v0 =	vmul.f32 $8.000000000e+00, v7  }
0x136: {  	[tilespmem:s7+$0x30] =	vst v1;
	v1 =	vmul.f32 $8.000000000e+00, v6  }
0x137: {  	[tilespmem:s24+$0x70] =	vst v0;
	v0 =	vmul.f32 $8.000000000e+00, v3  }
0x138: {  	[tilespmem:s24+$0xFFFFFFB0] =	vst v1;
	v1 =	vmul.f32 $8.000000000e+00, v4  }
0x139: {  	[tilespmem:s24+$0xFFFFFFF0] =	vst v0  }
0x13a: {  	s1 =	simm.s32 $0xD900;
	s29 =	simm.s32 $0x400;
	[tilespmem:s24+$0x30] =	vst v1  }
0x13b: {  	[tilespmem:s1], [sflag:$0x4] =	stream.indirect.gather [hbm4b:s5+s23], $0x80, s29, s23, $0xb8;
	[tilespmem:$0x1F900] =	vst v63  }
0x13c: {  	s30 =	rddreg [dreg:$0x7]  }
0x13d: {  	[hbm4b:s30+s3] =	stream.linear.scatter [tilespmem:s10], [sflag:$0x9], $0x2000, $0x38;
	[tilespmem:$0x1F900] =	vst v63  }
0x13e: {  	_ =	swait.ge [sflag:s11], $0x4000  }
0x13f: {  	[sflag:s11] =	ssyncset.done $0x0  }
0x140: {  	s28 =	simm.s32 $0x11A00;
	[sflag:s11] =	ssyncadd.s32 $0xFFFFC000  }
0x141: {  	v0 =	vld [tilespmem:s28+$0x80];
	_ =	sdelay $0x3  }
0x142: {  	v1 =	vld [tilespmem:s28+$0xFFFFFF00]  }
0x143: {  	v2 =	vld [tilespmem:s28+$0xFFFFFF80];
	v0 =	vmul.f32 $8.000000000e+00, v0  }
0x144: {  	s7 =	simm.s32 $0x1D980;
	v3 =	vld [tilespmem:s28+$0x0]  }
0x145: {  	[tilespmem:s7+$0x40] =	vst v0  }
0x146: {  	v0 =	vld [tilespmem:s28+$0x90]  }
0x147: {  	v1 =	vmul.f32 $8.000000000e+00, v1  }
0x148: {  	v2 =	vmul.f32 $8.000000000e+00, v2  }
0x149: {  	v3 =	vmul.f32 $8.000000000e+00, v3;
	[tilespmem:s7+$0xFFFFFF80] =	vst v1  }
0x14a: {  	[tilespmem:s7+$0xFFFFFFC0] =	vst v2;
	v1 =	vld [tilespmem:s28+$0xFFFFFF10]  }
0x14b: {  	[tilespmem:s7+$0x0] =	vst v3;
	v2 =	vld [tilespmem:s28+$0xFFFFFF90];
	v0 =	vmul.f32 $8.000000000e+00, v0  }
0x14c: {  	s22 =	simm.s32 $0x11C00;
	v3 =	vld [tilespmem:s28+$0x10]  }
0x14d: {  	[tilespmem:s7+$0x50] =	vst v0;
	v0 =	vld [tilespmem:s22+$0x80]  }
0x14e: {  	v4 =	vld [tilespmem:s28+$0xA0]  }
0x14f: {  	v5 =	vld [tilespmem:s22+$0xFFFFFF80];
	v1 =	vmul.f32 $8.000000000e+00, v1  }
0x150: {  	v6 =	vld [tilespmem:s22+$0x0];
	v2 =	vmul.f32 $8.000000000e+00, v2  }
0x151: {  	v3 =	vmul.f32 $8.000000000e+00, v3;
	[tilespmem:s7+$0xFFFFFF90] =	vst v1;
	v1 =	vld [tilespmem:s22+$0xFFFFFF00]  }
0x152: {  	[tilespmem:s7+$0xFFFFFFD0] =	vst v2;
	v2 =	vld [tilespmem:s28+$0xFFFFFF20];
	v0 =	vmul.f32 $8.000000000e+00, v0  }
0x153: {  	s24 =	simm.s32 $0x1DA80;
	[tilespmem:s7+$0x10] =	vst v3;
	v7 =	vld [tilespmem:s28+$0xFFFFFFA0];
	v3 =	vmul.f32 $8.000000000e+00, v4  }
0x154: {  	v4 =	vmul.f32 $8.000000000e+00, v5;
	[tilespmem:s24+$0x40] =	vst v0;
	v0 =	vld [tilespmem:s28+$0x20]  }
0x155: {  	v5 =	vmul.f32 $8.000000000e+00, v6;
	v6 =	vld [tilespmem:s22+$0x90];
	[tilespmem:s7+$0x60] =	vst v3  }
0x156: {  	v1 =	vmul.f32 $8.000000000e+00, v1;
	[tilespmem:s24+$0xFFFFFFC0] =	vst v4;
	v8 =	vld [tilespmem:s28+$0xB0]  }
0x157: {  	v2 =	vmul.f32 $8.000000000e+00, v2;
	[tilespmem:s24+$0x0] =	vst v5;
	v9 =	vld [tilespmem:s22+$0xFFFFFF90]  }
0x158: {  	[tilespmem:s24+$0xFFFFFF80] =	vst v1;
	v5 =	vmul.f32 $8.000000000e+00, v7;
	v3 =	vld [tilespmem:s22+$0x10]  }
0x159: {  	v4 =	vld [tilespmem:s22+$0xFFFFFF10];
	[tilespmem:s7+$0xFFFFFFA0] =	vst v2;
	v2 =	vmul.f32 $8.000000000e+00, v0  }
0x15a: {  	v1 =	vld [tilespmem:s28+$0xFFFFFF30];
	[tilespmem:s7+$0xFFFFFFE0] =	vst v5;
	v7 =	vmul.f32 $8.000000000e+00, v6  }
0x15b: {  	v0 =	vld [tilespmem:s28+$0xFFFFFFB0];
	[tilespmem:s7+$0x20] =	vst v2;
	v5 =	vmul.f32 $8.000000000e+00, v8  }
0x15c: {  	s25 =	simm.s32 $0x4;
	s1 =	simm.s32 $0x11E00;
	v6 =	vmul.f32 $8.000000000e+00, v9;
	[tilespmem:s24+$0x50] =	vst v7;
	v2 =	vld [tilespmem:s28+$0x30]  }
.LBB2_10:
0x15d: {  	v7 =	vld [tilespmem:s1+$0x80];
	v3 =	vmul.f32 $8.000000000e+00, v3;
	[tilespmem:s7+$0x70] =	vst v5  }
0x15e: {  	s25 =	sadd.s32 $0x4, s25;
	v4 =	vmul.f32 $8.000000000e+00, v4;
	[tilespmem:s24+$0xFFFFFFD0] =	vst v6;
	v5 =	vld [tilespmem:s22+$0xA0]  }
0x15f: {  	p0 =	slt.u32 s25, $0x7C;
	v6 =	vld [tilespmem:s1+$0xFFFFFF80];
	[tilespmem:s24+$0x10] =	vst v3;
	v1 =	vmul.f32 $8.000000000e+00, v1  }
0x160: {  	v3 =	vld [tilespmem:s1+$0x0];
	[tilespmem:s24+$0xFFFFFF90] =	vst v4;
	v0 =	vmul.f32 $8.000000000e+00, v0  }
0x161: {  	v4 =	vld [tilespmem:s1+$0xFFFFFF00];
	[tilespmem:s7+$0xFFFFFFB0] =	vst v1;
	v1 =	vmul.f32 $8.000000000e+00, v2  }
0x162: {  	v2 =	vmul.f32 $8.000000000e+00, v7;
	v7 =	vld [tilespmem:s22+$0xFFFFFF20];
	[tilespmem:s7+$0xFFFFFFF0] =	vst v0  }
0x163: {  	v0 =	vld [tilespmem:s22+$0xFFFFFFA0];
	v5 =	vmul.f32 $8.000000000e+00, v5;
	[tilespmem:s7+$0x30] =	vst v1;
	s7 =	smov.u32 s24;
	s24 =	sadd.s32 $0x100, s24  }
0x164: {  	v1 =	vmul.f32 $8.000000000e+00, v6;
	[tilespmem:s24+$0x40] =	vst v2;
	v2 =	vld [tilespmem:s22+$0x20]  }
0x165: {  	v3 =	vmul.f32 $8.000000000e+00, v3;
	v6 =	vld [tilespmem:s1+$0x90];
	[tilespmem:s7+$0x60] =	vst v5  }
0x166: {  	v4 =	vmul.f32 $8.000000000e+00, v4;
	[tilespmem:s24+$0xFFFFFFC0] =	vst v1;
	v5 =	vld [tilespmem:s22+$0xB0]  }
0x167: {  	v8 =	vld [tilespmem:s1+$0xFFFFFF90];
	[tilespmem:s24+$0x0] =	vst v3;
	v1 =	vmul.f32 $8.000000000e+00, v7  }
.Ltmp4:
0x168: {  	[tilespmem:s24+$0xFFFFFF80] =	vst v4;
	v3 =	vld [tilespmem:s1+$0x10];
	v0 =	vmul.f32 $8.000000000e+00, v0;
	(pc) =	sbr.rel @p0 .LBB2_10-.Ltmp4, $4  }
0x169: {  	v4 =	vld [tilespmem:s1+$0xFFFFFF10];
	[tilespmem:s7+$0xFFFFFFA0] =	vst v1;
	v2 =	vmul.f32 $8.000000000e+00, v2  }
0x16a: {  	v7 =	vmul.f32 $8.000000000e+00, v6;
	v1 =	vld [tilespmem:s22+$0xFFFFFF30];
	[tilespmem:s7+$0xFFFFFFE0] =	vst v0  }
0x16b: {  	v0 =	vld [tilespmem:s22+$0xFFFFFFB0];
	[tilespmem:s7+$0x20] =	vst v2;
	v5 =	vmul.f32 $8.000000000e+00, v5  }
0x16c: {  	v6 =	vmul.f32 $8.000000000e+00, v8;
	[tilespmem:s24+$0x50] =	vst v7;
	v2 =	vld [tilespmem:s22+$0x30];
	s22 =	smov.u32 s1;
	s1 =	sadd.s32 $0x200, s1  }
0x16d: {  	v3 =	vmul.f32 $8.000000000e+00, v3  }
0x16e: {  	v7 =	vld [tilespmem:s22+$0xA0];
	v4 =	vmul.f32 $8.000000000e+00, v4;
	[tilespmem:s24+$0xFFFFFFD0] =	vst v6  }
0x16f: {  	[tilespmem:s24+$0x10] =	vst v3;
	v53 =	vld [tilespmem:s22+$0xFFFFFFA0]  }
0x170: {  	[tilespmem:s24+$0xFFFFFF90] =	vst v4;
	v54 =	vld [tilespmem:s22+$0x20]  }
0x171: {  	v4 =	vld [tilespmem:s22+$0xFFFFFF20];
	_ =	sdelay $0x1  }
0x172: {  	v7 =	vmul.f32 $8.000000000e+00, v7  }
0x173: {  	v3 =	vmul.f32 $8.000000000e+00, v53  }
0x174: {  	[tilespmem:s24+$0x60] =	vst v7;
	v6 =	vmul.f32 $8.000000000e+00, v54  }
0x175: {  	v55 =	vld [tilespmem:s22+$0xB0];
	v4 =	vmul.f32 $8.000000000e+00, v4;
	[tilespmem:s24+$0xFFFFFFE0] =	vst v3  }
0x176: {  	[tilespmem:s24+$0x20] =	vst v6;
	v57 =	vld [tilespmem:s22+$0xFFFFFFB0]  }
0x177: {  	v1 =	vmul.f32 $8.000000000e+00, v1;
	[tilespmem:s24+$0xFFFFFFA0] =	vst v4;
	v58 =	vld [tilespmem:s22+$0x30]  }
0x178: {  	[tilespmem:s7+$0x70] =	vst v5;
	v0 =	vmul.f32 $8.000000000e+00, v0;
	v56 =	vld [tilespmem:s22+$0xFFFFFF30]  }
0x179: {  	[tilespmem:s7+$0xFFFFFFB0] =	vst v1;
	v59 =	vmul.f32 $8.000000000e+00, v2  }
0x17a: {  	[tilespmem:s7+$0xFFFFFFF0] =	vst v0;
	v60 =	vmul.f32 $8.000000000e+00, v55  }
0x17b: {  	[tilespmem:s7+$0x30] =	vst v59;
	v62 =	vmul.f32 $8.000000000e+00, v57  }
0x17c: {  	[tilespmem:s24+$0x70] =	vst v60;
	v63 =	vmul.f32 $8.000000000e+00, v58  }
0x17d: {  	v61 =	vmul.f32 $8.000000000e+00, v56;
	[tilespmem:s24+$0xFFFFFFF0] =	vst v62  }
0x17e: {  	[tilespmem:s24+$0x30] =	vst v63  }
0x17f: {  	s1 =	simm.s32 $0x11900;
	s29 =	simm.s32 $0x480;
	[tilespmem:s24+$0xFFFFFFB0] =	vst v61  }
0x180: {  	[tilespmem:s1], [sflag:$0x5] =	stream.indirect.gather [hbm4b:s5+s23], $0x80, s29, s23, $0xb8;
	[tilespmem:$0x1F900] =	vst v63  }
0x181: {  	s22 =	simm.s32 $0x1;
	s30 =	rddreg [dreg:$0x8]  }
0x182: {  	[hbm4b:s30+s3] =	stream.linear.scatter [tilespmem:s16], [sflag:$0xA], $0x2000, $0x38;
	[tilespmem:$0x1F900] =	vst v63  }
.LBB2_12:
0x183: {  	_ =	swait.ge [sflag:s0], $0x4000  }
0x184: {  	[sflag:s0] =	ssyncset.done $0x0  }
0x185: {  	[sflag:s0] =	ssyncadd.s32 $0xFFFFC000  }
0x186: {  	_ =	swait.ge [sflag:s17], $0x2000  }
0x187: {  	[sflag:s17] =	ssyncset.done $0x0  }
0x188: {  	s29 =	simm.s32 $0x1A00;
	[sflag:s17] =	ssyncadd.s32 $0xFFFFE000  }
0x189: {  	v0 =	vld [tilespmem:s29+$0x80];
	_ =	sdelay $0x3  }
0x18a: {  	v1 =	vld [tilespmem:s29+$0xFFFFFF00]  }
0x18b: {  	v2 =	vld [tilespmem:s29+$0xFFFFFF80];
	v0 =	vmul.f32 $8.000000000e+00, v0  }
0x18c: {  	s7 =	simm.s32 $0x15980;
	v3 =	vld [tilespmem:s29+$0x0]  }
0x18d: {  	[tilespmem:s7+$0x40] =	vst v0  }
0x18e: {  	v0 =	vld [tilespmem:s29+$0x90]  }
0x18f: {  	v1 =	vmul.f32 $8.000000000e+00, v1  }
0x190: {  	v2 =	vmul.f32 $8.000000000e+00, v2  }
0x191: {  	v3 =	vmul.f32 $8.000000000e+00, v3;
	[tilespmem:s7+$0xFFFFFF80] =	vst v1  }
0x192: {  	[tilespmem:s7+$0xFFFFFFC0] =	vst v2;
	v1 =	vld [tilespmem:s29+$0xFFFFFF10]  }
0x193: {  	[tilespmem:s7+$0x0] =	vst v3;
	v2 =	vld [tilespmem:s29+$0xFFFFFF90];
	v0 =	vmul.f32 $8.000000000e+00, v0  }
0x194: {  	s24 =	simm.s32 $0x1C00;
	v3 =	vld [tilespmem:s29+$0x10]  }
0x195: {  	[tilespmem:s7+$0x50] =	vst v0;
	v0 =	vld [tilespmem:s24+$0x80]  }
0x196: {  	v4 =	vld [tilespmem:s29+$0xA0]  }
0x197: {  	v5 =	vld [tilespmem:s24+$0xFFFFFF80];
	v1 =	vmul.f32 $8.000000000e+00, v1  }
0x198: {  	v6 =	vld [tilespmem:s24+$0x0];
	v2 =	vmul.f32 $8.000000000e+00, v2  }
0x199: {  	v3 =	vmul.f32 $8.000000000e+00, v3;
	[tilespmem:s7+$0xFFFFFF90] =	vst v1;
	v1 =	vld [tilespmem:s24+$0xFFFFFF00]  }
0x19a: {  	[tilespmem:s7+$0xFFFFFFD0] =	vst v2;
	v2 =	vld [tilespmem:s29+$0xFFFFFF20];
	v0 =	vmul.f32 $8.000000000e+00, v0  }
0x19b: {  	s25 =	simm.s32 $0x15A80;
	[tilespmem:s7+$0x10] =	vst v3;
	v7 =	vld [tilespmem:s29+$0xFFFFFFA0];
	v3 =	vmul.f32 $8.000000000e+00, v4  }
0x19c: {  	v4 =	vmul.f32 $8.000000000e+00, v5;
	[tilespmem:s25+$0x40] =	vst v0;
	v0 =	vld [tilespmem:s29+$0x20]  }
0x19d: {  	v5 =	vmul.f32 $8.000000000e+00, v6;
	v6 =	vld [tilespmem:s24+$0x90];
	[tilespmem:s7+$0x60] =	vst v3  }
0x19e: {  	v1 =	vmul.f32 $8.000000000e+00, v1;
	[tilespmem:s25+$0xFFFFFFC0] =	vst v4;
	v8 =	vld [tilespmem:s29+$0xB0]  }
0x19f: {  	v2 =	vmul.f32 $8.000000000e+00, v2;
	[tilespmem:s25+$0x0] =	vst v5;
	v9 =	vld [tilespmem:s24+$0xFFFFFF90]  }
0x1a0: {  	[tilespmem:s25+$0xFFFFFF80] =	vst v1;
	v5 =	vmul.f32 $8.000000000e+00, v7;
	v3 =	vld [tilespmem:s24+$0x10]  }
0x1a1: {  	v4 =	vld [tilespmem:s24+$0xFFFFFF10];
	[tilespmem:s7+$0xFFFFFFA0] =	vst v2;
	v2 =	vmul.f32 $8.000000000e+00, v0  }
0x1a2: {  	v1 =	vld [tilespmem:s29+$0xFFFFFF30];
	[tilespmem:s7+$0xFFFFFFE0] =	vst v5;
	v7 =	vmul.f32 $8.000000000e+00, v6  }
0x1a3: {  	v0 =	vld [tilespmem:s29+$0xFFFFFFB0];
	[tilespmem:s7+$0x20] =	vst v2;
	v5 =	vmul.f32 $8.000000000e+00, v8  }
0x1a4: {  	s28 =	simm.s32 $0x4;
	s1 =	simm.s32 $0x1E00;
	v6 =	vmul.f32 $8.000000000e+00, v9;
	[tilespmem:s25+$0x50] =	vst v7;
	v2 =	vld [tilespmem:s29+$0x30]  }
.LBB2_13:
0x1a5: {  	v7 =	vld [tilespmem:s1+$0x80];
	v3 =	vmul.f32 $8.000000000e+00, v3;
	[tilespmem:s7+$0x70] =	vst v5  }
0x1a6: {  	s28 =	sadd.s32 $0x4, s28;
	v4 =	vmul.f32 $8.000000000e+00, v4;
	[tilespmem:s25+$0xFFFFFFD0] =	vst v6;
	v5 =	vld [tilespmem:s24+$0xA0]  }
0x1a7: {  	p0 =	slt.u32 s28, $0x7C;
	v6 =	vld [tilespmem:s1+$0xFFFFFF80];
	[tilespmem:s25+$0x10] =	vst v3;
	v1 =	vmul.f32 $8.000000000e+00, v1  }
0x1a8: {  	v3 =	vld [tilespmem:s1+$0x0];
	[tilespmem:s25+$0xFFFFFF90] =	vst v4;
	v0 =	vmul.f32 $8.000000000e+00, v0  }
0x1a9: {  	v4 =	vld [tilespmem:s1+$0xFFFFFF00];
	[tilespmem:s7+$0xFFFFFFB0] =	vst v1;
	v1 =	vmul.f32 $8.000000000e+00, v2  }
0x1aa: {  	v2 =	vmul.f32 $8.000000000e+00, v7;
	v7 =	vld [tilespmem:s24+$0xFFFFFF20];
	[tilespmem:s7+$0xFFFFFFF0] =	vst v0  }
0x1ab: {  	v0 =	vld [tilespmem:s24+$0xFFFFFFA0];
	v5 =	vmul.f32 $8.000000000e+00, v5;
	[tilespmem:s7+$0x30] =	vst v1;
	s7 =	smov.u32 s25;
	s25 =	sadd.s32 $0x100, s25  }
0x1ac: {  	v1 =	vmul.f32 $8.000000000e+00, v6;
	[tilespmem:s25+$0x40] =	vst v2;
	v2 =	vld [tilespmem:s24+$0x20]  }
0x1ad: {  	v3 =	vmul.f32 $8.000000000e+00, v3;
	v6 =	vld [tilespmem:s1+$0x90];
	[tilespmem:s7+$0x60] =	vst v5  }
0x1ae: {  	v4 =	vmul.f32 $8.000000000e+00, v4;
	[tilespmem:s25+$0xFFFFFFC0] =	vst v1;
	v5 =	vld [tilespmem:s24+$0xB0]  }
0x1af: {  	v8 =	vld [tilespmem:s1+$0xFFFFFF90];
	[tilespmem:s25+$0x0] =	vst v3;
	v1 =	vmul.f32 $8.000000000e+00, v7  }
.Ltmp5:
0x1b0: {  	[tilespmem:s25+$0xFFFFFF80] =	vst v4;
	v3 =	vld [tilespmem:s1+$0x10];
	v0 =	vmul.f32 $8.000000000e+00, v0;
	(pc) =	sbr.rel @p0 .LBB2_13-.Ltmp5, $4  }
0x1b1: {  	v4 =	vld [tilespmem:s1+$0xFFFFFF10];
	[tilespmem:s7+$0xFFFFFFA0] =	vst v1;
	v2 =	vmul.f32 $8.000000000e+00, v2  }
0x1b2: {  	v7 =	vmul.f32 $8.000000000e+00, v6;
	v1 =	vld [tilespmem:s24+$0xFFFFFF30];
	[tilespmem:s7+$0xFFFFFFE0] =	vst v0  }
0x1b3: {  	v0 =	vld [tilespmem:s24+$0xFFFFFFB0];
	[tilespmem:s7+$0x20] =	vst v2;
	v5 =	vmul.f32 $8.000000000e+00, v5  }
0x1b4: {  	v6 =	vmul.f32 $8.000000000e+00, v8;
	[tilespmem:s25+$0x50] =	vst v7;
	v2 =	vld [tilespmem:s24+$0x30];
	s24 =	smov.u32 s1;
	s1 =	sadd.s32 $0x200, s1  }
0x1b5: {  	_ = 	snop  }
0x1b6: {  	v4 =	vmul.f32 $8.000000000e+00, v4;
	_ =	sdelay $0x1  }
0x1b7: {  	v3 =	vmul.f32 $8.000000000e+00, v3;
	v7 =	vld [tilespmem:s24+$0xA0];
	[tilespmem:s25+$0xFFFFFF90] =	vst v4  }
0x1b8: {  	[tilespmem:s25+$0xFFFFFFD0] =	vst v6;
	v4 =	vld [tilespmem:s24+$0xFFFFFF20]  }
0x1b9: {  	[tilespmem:s25+$0x10] =	vst v3;
	v3 =	vld [tilespmem:s24+$0xFFFFFFA0]  }
0x1ba: {  	v6 =	vld [tilespmem:s24+$0x20];
	_ =	sdelay $0x1  }
0x1bb: {  	v7 =	vmul.f32 $8.000000000e+00, v7  }
0x1bc: {  	v4 =	vmul.f32 $8.000000000e+00, v4  }
0x1bd: {  	[tilespmem:s25+$0x60] =	vst v7;
	v3 =	vmul.f32 $8.000000000e+00, v3  }
0x1be: {  	v7 =	vld [tilespmem:s24+$0xB0];
	[tilespmem:s25+$0xFFFFFFA0] =	vst v4;
	v4 =	vmul.f32 $8.000000000e+00, v6  }
0x1bf: {  	[tilespmem:s25+$0xFFFFFFE0] =	vst v3;
	v6 =	vld [tilespmem:s24+$0xFFFFFF30]  }
0x1c0: {  	v1 =	vmul.f32 $8.000000000e+00, v1;
	v3 =	vld [tilespmem:s24+$0xFFFFFFB0];
	[tilespmem:s25+$0x20] =	vst v4  }
0x1c1: {  	[tilespmem:s7+$0x70] =	vst v5;
	v0 =	vmul.f32 $8.000000000e+00, v0;
	v4 =	vld [tilespmem:s24+$0x30]  }
0x1c2: {  	[tilespmem:s7+$0xFFFFFFB0] =	vst v1;
	v1 =	vmul.f32 $8.000000000e+00, v2  }
0x1c3: {  	[tilespmem:s7+$0xFFFFFFF0] =	vst v0;
	v0 =	vmul.f32 $8.000000000e+00, v7  }
0x1c4: {  	[tilespmem:s7+$0x30] =	vst v1;
	v1 =	vmul.f32 $8.000000000e+00, v6  }
0x1c5: {  	s1 =	smul.u32 $0xA00, s22;
	[tilespmem:s25+$0x70] =	vst v0;
	v0 =	vmul.f32 $8.000000000e+00, v3  }
0x1c6: {  	s24 =	smul.u32 $0x280, s22;
	[tilespmem:s25+$0xFFFFFFB0] =	vst v1;
	v1 =	vmul.f32 $8.000000000e+00, v4  }
0x1c7: {  	s7 =	sshra.s32 s1, $0x2;
	[tilespmem:s25+$0xFFFFFFF0] =	vst v0  }
0x1c8: {  	s26 =	simm.s32 $0x1900;
	s1 =	sadd.s32 $0x280, s7;
	[tilespmem:s25+$0x30] =	vst v1;
	s25 =	sadd.s32 s4, s24  }
0x1c9: {  	[tilespmem:s26], [sflag:$0x1] =	stream.indirect.gather [hbm4b:s5+s23], $0x80, s1, s23, $0xb8;
	[tilespmem:$0x1F900] =	vst v63  }
0x1ca: {  	s1 =	sshll.u32 s25, $0x3  }
0x1cb: {  	s1 =	sand.u32 $0x1FFFFC00, s1  }
0x1cc: {  	s26 =	simm.s32 $0x15900;
	s1 =	sadd.s32 s2, s1  }
0x1cd: {  	[hbm4b:s1+s3] =	stream.linear.scatter [tilespmem:s26], [sflag:$0x6], $0x2000, $0x38;
	[tilespmem:$0x1F900] =	vst v63  }
0x1ce: {  	_ =	swait.ge [sflag:s31], $0x4000  }
0x1cf: {  	[sflag:s31] =	ssyncset.done $0x0  }
0x1d0: {  	[sflag:s31] =	ssyncadd.s32 $0xFFFFC000  }
0x1d1: {  	_ =	swait.ge [sflag:s18], $0x2000  }
0x1d2: {  	[sflag:s18] =	ssyncset.done $0x0  }
0x1d3: {  	s26 =	simm.s32 $0x5A00;
	[sflag:s18] =	ssyncadd.s32 $0xFFFFE000  }
0x1d4: {  	v0 =	vld [tilespmem:s26+$0x80];
	_ =	sdelay $0x3  }
0x1d5: {  	v1 =	vld [tilespmem:s26+$0xFFFFFF00]  }
0x1d6: {  	v2 =	vld [tilespmem:s26+$0xFFFFFF80];
	v0 =	vmul.f32 $8.000000000e+00, v0  }
0x1d7: {  	s25 =	simm.s32 $0x17980;
	v3 =	vld [tilespmem:s26+$0x0]  }
0x1d8: {  	[tilespmem:s25+$0x40] =	vst v0  }
0x1d9: {  	v0 =	vld [tilespmem:s26+$0x90]  }
0x1da: {  	v1 =	vmul.f32 $8.000000000e+00, v1  }
0x1db: {  	v2 =	vmul.f32 $8.000000000e+00, v2  }
0x1dc: {  	v3 =	vmul.f32 $8.000000000e+00, v3;
	[tilespmem:s25+$0xFFFFFF80] =	vst v1  }
0x1dd: {  	[tilespmem:s25+$0xFFFFFFC0] =	vst v2;
	v1 =	vld [tilespmem:s26+$0xFFFFFF10]  }
0x1de: {  	[tilespmem:s25+$0x0] =	vst v3;
	v2 =	vld [tilespmem:s26+$0xFFFFFF90];
	v0 =	vmul.f32 $8.000000000e+00, v0  }
0x1df: {  	s28 =	simm.s32 $0x5C00;
	v3 =	vld [tilespmem:s26+$0x10]  }
0x1e0: {  	[tilespmem:s25+$0x50] =	vst v0;
	v0 =	vld [tilespmem:s28+$0x80]  }
0x1e1: {  	v4 =	vld [tilespmem:s26+$0xA0]  }
0x1e2: {  	v5 =	vld [tilespmem:s28+$0xFFFFFF80];
	v1 =	vmul.f32 $8.000000000e+00, v1  }
0x1e3: {  	v6 =	vld [tilespmem:s28+$0x0];
	v2 =	vmul.f32 $8.000000000e+00, v2  }
0x1e4: {  	v3 =	vmul.f32 $8.000000000e+00, v3;
	[tilespmem:s25+$0xFFFFFF90] =	vst v1;
	v1 =	vld [tilespmem:s28+$0xFFFFFF00]  }
0x1e5: {  	[tilespmem:s25+$0xFFFFFFD0] =	vst v2;
	v2 =	vld [tilespmem:s26+$0xFFFFFF20];
	v0 =	vmul.f32 $8.000000000e+00, v0  }
0x1e6: {  	s30 =	simm.s32 $0x17A80;
	[tilespmem:s25+$0x10] =	vst v3;
	v7 =	vld [tilespmem:s26+$0xFFFFFFA0];
	v3 =	vmul.f32 $8.000000000e+00, v4  }
0x1e7: {  	v4 =	vmul.f32 $8.000000000e+00, v5;
	[tilespmem:s30+$0x40] =	vst v0;
	v0 =	vld [tilespmem:s26+$0x20]  }
0x1e8: {  	v5 =	vmul.f32 $8.000000000e+00, v6;
	v6 =	vld [tilespmem:s28+$0x90];
	[tilespmem:s25+$0x60] =	vst v3  }
0x1e9: {  	v1 =	vmul.f32 $8.000000000e+00, v1;
	[tilespmem:s30+$0xFFFFFFC0] =	vst v4;
	v8 =	vld [tilespmem:s26+$0xB0]  }
0x1ea: {  	v2 =	vmul.f32 $8.000000000e+00, v2;
	[tilespmem:s30+$0x0] =	vst v5;
	v9 =	vld [tilespmem:s28+$0xFFFFFF90]  }
0x1eb: {  	[tilespmem:s30+$0xFFFFFF80] =	vst v1;
	v5 =	vmul.f32 $8.000000000e+00, v7;
	v3 =	vld [tilespmem:s28+$0x10]  }
0x1ec: {  	v4 =	vld [tilespmem:s28+$0xFFFFFF10];
	[tilespmem:s25+$0xFFFFFFA0] =	vst v2;
	v2 =	vmul.f32 $8.000000000e+00, v0  }
0x1ed: {  	v1 =	vld [tilespmem:s26+$0xFFFFFF30];
	[tilespmem:s25+$0xFFFFFFE0] =	vst v5;
	v7 =	vmul.f32 $8.000000000e+00, v6  }
0x1ee: {  	v0 =	vld [tilespmem:s26+$0xFFFFFFB0];
	[tilespmem:s25+$0x20] =	vst v2;
	v5 =	vmul.f32 $8.000000000e+00, v8  }
0x1ef: {  	s29 =	simm.s32 $0x5E00;
	s1 =	simm.s32 $0x4;
	v6 =	vmul.f32 $8.000000000e+00, v9;
	[tilespmem:s30+$0x50] =	vst v7;
	v2 =	vld [tilespmem:s26+$0x30]  }
.LBB2_15:
0x1f0: {  	v7 =	vld [tilespmem:s29+$0x80];
	v3 =	vmul.f32 $8.000000000e+00, v3;
	[tilespmem:s25+$0x70] =	vst v5  }
0x1f1: {  	s1 =	sadd.s32 $0x4, s1;
	v4 =	vmul.f32 $8.000000000e+00, v4;
	[tilespmem:s30+$0xFFFFFFD0] =	vst v6;
	v5 =	vld [tilespmem:s28+$0xA0]  }
0x1f2: {  	p0 =	slt.u32 s1, $0x7C;
	v6 =	vld [tilespmem:s29+$0xFFFFFF80];
	[tilespmem:s30+$0x10] =	vst v3;
	v1 =	vmul.f32 $8.000000000e+00, v1  }
0x1f3: {  	v3 =	vld [tilespmem:s29+$0x0];
	[tilespmem:s30+$0xFFFFFF90] =	vst v4;
	v0 =	vmul.f32 $8.000000000e+00, v0  }
0x1f4: {  	v4 =	vld [tilespmem:s29+$0xFFFFFF00];
	[tilespmem:s25+$0xFFFFFFB0] =	vst v1;
	v1 =	vmul.f32 $8.000000000e+00, v2  }
0x1f5: {  	v2 =	vmul.f32 $8.000000000e+00, v7;
	v7 =	vld [tilespmem:s28+$0xFFFFFF20];
	[tilespmem:s25+$0xFFFFFFF0] =	vst v0  }
0x1f6: {  	v0 =	vld [tilespmem:s28+$0xFFFFFFA0];
	v5 =	vmul.f32 $8.000000000e+00, v5;
	[tilespmem:s25+$0x30] =	vst v1;
	s25 =	smov.u32 s30;
	s30 =	sadd.s32 $0x100, s30  }
0x1f7: {  	v1 =	vmul.f32 $8.000000000e+00, v6;
	[tilespmem:s30+$0x40] =	vst v2;
	v2 =	vld [tilespmem:s28+$0x20]  }
0x1f8: {  	v3 =	vmul.f32 $8.000000000e+00, v3;
	v6 =	vld [tilespmem:s29+$0x90];
	[tilespmem:s25+$0x60] =	vst v5  }
0x1f9: {  	v4 =	vmul.f32 $8.000000000e+00, v4;
	[tilespmem:s30+$0xFFFFFFC0] =	vst v1;
	v5 =	vld [tilespmem:s28+$0xB0]  }
0x1fa: {  	v8 =	vld [tilespmem:s29+$0xFFFFFF90];
	[tilespmem:s30+$0x0] =	vst v3;
	v1 =	vmul.f32 $8.000000000e+00, v7  }
.Ltmp6:
0x1fb: {  	[tilespmem:s30+$0xFFFFFF80] =	vst v4;
	v3 =	vld [tilespmem:s29+$0x10];
	v0 =	vmul.f32 $8.000000000e+00, v0;
	(pc) =	sbr.rel @p0 .LBB2_15-.Ltmp6, $4  }
0x1fc: {  	v4 =	vld [tilespmem:s29+$0xFFFFFF10];
	[tilespmem:s25+$0xFFFFFFA0] =	vst v1;
	v2 =	vmul.f32 $8.000000000e+00, v2  }
0x1fd: {  	v7 =	vmul.f32 $8.000000000e+00, v6;
	v1 =	vld [tilespmem:s28+$0xFFFFFF30];
	[tilespmem:s25+$0xFFFFFFE0] =	vst v0  }
0x1fe: {  	v0 =	vld [tilespmem:s28+$0xFFFFFFB0];
	[tilespmem:s25+$0x20] =	vst v2;
	v5 =	vmul.f32 $8.000000000e+00, v5  }
0x1ff: {  	v6 =	vmul.f32 $8.000000000e+00, v8;
	[tilespmem:s30+$0x50] =	vst v7;
	v2 =	vld [tilespmem:s28+$0x30];
	s28 =	smov.u32 s29;
	s29 =	sadd.s32 $0x200, s29  }
0x200: {  	_ = 	snop  }
0x201: {  	v4 =	vmul.f32 $8.000000000e+00, v4;
	_ =	sdelay $0x1  }
0x202: {  	v3 =	vmul.f32 $8.000000000e+00, v3;
	v7 =	vld [tilespmem:s28+$0xA0];
	[tilespmem:s30+$0xFFFFFF90] =	vst v4  }
0x203: {  	[tilespmem:s30+$0xFFFFFFD0] =	vst v6;
	v4 =	vld [tilespmem:s28+$0xFFFFFF20]  }
0x204: {  	[tilespmem:s30+$0x10] =	vst v3;
	v3 =	vld [tilespmem:s28+$0xFFFFFFA0]  }
0x205: {  	v6 =	vld [tilespmem:s28+$0x20];
	_ =	sdelay $0x1  }
0x206: {  	v7 =	vmul.f32 $8.000000000e+00, v7  }
0x207: {  	v4 =	vmul.f32 $8.000000000e+00, v4  }
0x208: {  	[tilespmem:s30+$0x60] =	vst v7;
	v3 =	vmul.f32 $8.000000000e+00, v3  }
0x209: {  	v7 =	vld [tilespmem:s28+$0xB0];
	[tilespmem:s30+$0xFFFFFFA0] =	vst v4;
	v4 =	vmul.f32 $8.000000000e+00, v6  }
0x20a: {  	[tilespmem:s30+$0xFFFFFFE0] =	vst v3;
	v6 =	vld [tilespmem:s28+$0xFFFFFF30]  }
0x20b: {  	v1 =	vmul.f32 $8.000000000e+00, v1;
	v3 =	vld [tilespmem:s28+$0xFFFFFFB0];
	[tilespmem:s30+$0x20] =	vst v4  }
0x20c: {  	[tilespmem:s25+$0x70] =	vst v5;
	v0 =	vmul.f32 $8.000000000e+00, v0;
	v4 =	vld [tilespmem:s28+$0x30]  }
0x20d: {  	[tilespmem:s25+$0xFFFFFFB0] =	vst v1;
	v1 =	vmul.f32 $8.000000000e+00, v2  }
0x20e: {  	[tilespmem:s25+$0xFFFFFFF0] =	vst v0;
	v0 =	vmul.f32 $8.000000000e+00, v7  }
0x20f: {  	[tilespmem:s25+$0x30] =	vst v1;
	v1 =	vmul.f32 $8.000000000e+00, v6  }
0x210: {  	[tilespmem:s30+$0x70] =	vst v0;
	v0 =	vmul.f32 $8.000000000e+00, v3  }
0x211: {  	[tilespmem:s30+$0xFFFFFFB0] =	vst v1;
	v1 =	vmul.f32 $8.000000000e+00, v4  }
0x212: {  	[tilespmem:s30+$0xFFFFFFF0] =	vst v0  }
0x213: {  	s1 =	sadd.s32 $0x300, s7;
	s26 =	simm.s32 $0x5900;
	s25 =	sadd.s32 s24, s12;
	[tilespmem:s30+$0x30] =	vst v1  }
0x214: {  	[tilespmem:s26], [sflag:$0x2] =	stream.indirect.gather [hbm4b:s5+s23], $0x80, s1, s23, $0xb8;
	[tilespmem:$0x1F900] =	vst v63  }
0x215: {  	s1 =	sshll.u32 s25, $0x3  }
0x216: {  	s1 =	sand.u32 $0x1FFFFC00, s1  }
0x217: {  	s26 =	simm.s32 $0x17900;
	s1 =	sadd.s32 s2, s1  }
0x218: {  	[hbm4b:s1+s3] =	stream.linear.scatter [tilespmem:s26], [sflag:$0x7], $0x2000, $0x38;
	[tilespmem:$0x1F900] =	vst v63  }
0x219: {  	_ =	swait.ge [sflag:s6], $0x4000  }
0x21a: {  	[sflag:s6] =	ssyncset.done $0x0  }
0x21b: {  	[sflag:s6] =	ssyncadd.s32 $0xFFFFC000  }
0x21c: {  	_ =	swait.ge [sflag:s19], $0x2000  }
0x21d: {  	[sflag:s19] =	ssyncset.done $0x0  }
0x21e: {  	s26 =	simm.s32 $0x9A00;
	[sflag:s19] =	ssyncadd.s32 $0xFFFFE000  }
0x21f: {  	v0 =	vld [tilespmem:s26+$0x80];
	_ =	sdelay $0x3  }
0x220: {  	v1 =	vld [tilespmem:s26+$0xFFFFFF00]  }
0x221: {  	v2 =	vld [tilespmem:s26+$0xFFFFFF80];
	v0 =	vmul.f32 $8.000000000e+00, v0  }
0x222: {  	s25 =	simm.s32 $0x19980;
	v3 =	vld [tilespmem:s26+$0x0]  }
0x223: {  	[tilespmem:s25+$0x40] =	vst v0  }
0x224: {  	v0 =	vld [tilespmem:s26+$0x90]  }
0x225: {  	v1 =	vmul.f32 $8.000000000e+00, v1  }
0x226: {  	v2 =	vmul.f32 $8.000000000e+00, v2  }
0x227: {  	v3 =	vmul.f32 $8.000000000e+00, v3;
	[tilespmem:s25+$0xFFFFFF80] =	vst v1  }
0x228: {  	[tilespmem:s25+$0xFFFFFFC0] =	vst v2;
	v1 =	vld [tilespmem:s26+$0xFFFFFF10]  }
0x229: {  	[tilespmem:s25+$0x0] =	vst v3;
	v2 =	vld [tilespmem:s26+$0xFFFFFF90];
	v0 =	vmul.f32 $8.000000000e+00, v0  }
0x22a: {  	s28 =	simm.s32 $0x9C00;
	v3 =	vld [tilespmem:s26+$0x10]  }
0x22b: {  	[tilespmem:s25+$0x50] =	vst v0;
	v0 =	vld [tilespmem:s28+$0x80]  }
0x22c: {  	v4 =	vld [tilespmem:s26+$0xA0]  }
0x22d: {  	v5 =	vld [tilespmem:s28+$0xFFFFFF80];
	v1 =	vmul.f32 $8.000000000e+00, v1  }
0x22e: {  	v6 =	vld [tilespmem:s28+$0x0];
	v2 =	vmul.f32 $8.000000000e+00, v2  }
0x22f: {  	v3 =	vmul.f32 $8.000000000e+00, v3;
	[tilespmem:s25+$0xFFFFFF90] =	vst v1;
	v1 =	vld [tilespmem:s28+$0xFFFFFF00]  }
0x230: {  	[tilespmem:s25+$0xFFFFFFD0] =	vst v2;
	v2 =	vld [tilespmem:s26+$0xFFFFFF20];
	v0 =	vmul.f32 $8.000000000e+00, v0  }
0x231: {  	s30 =	simm.s32 $0x19A80;
	[tilespmem:s25+$0x10] =	vst v3;
	v7 =	vld [tilespmem:s26+$0xFFFFFFA0];
	v3 =	vmul.f32 $8.000000000e+00, v4  }
0x232: {  	v4 =	vmul.f32 $8.000000000e+00, v5;
	[tilespmem:s30+$0x40] =	vst v0;
	v0 =	vld [tilespmem:s26+$0x20]  }
0x233: {  	v5 =	vmul.f32 $8.000000000e+00, v6;
	v6 =	vld [tilespmem:s28+$0x90];
	[tilespmem:s25+$0x60] =	vst v3  }
0x234: {  	v1 =	vmul.f32 $8.000000000e+00, v1;
	[tilespmem:s30+$0xFFFFFFC0] =	vst v4;
	v8 =	vld [tilespmem:s26+$0xB0]  }
0x235: {  	v2 =	vmul.f32 $8.000000000e+00, v2;
	[tilespmem:s30+$0x0] =	vst v5;
	v9 =	vld [tilespmem:s28+$0xFFFFFF90]  }
0x236: {  	[tilespmem:s30+$0xFFFFFF80] =	vst v1;
	v5 =	vmul.f32 $8.000000000e+00, v7;
	v3 =	vld [tilespmem:s28+$0x10]  }
0x237: {  	v4 =	vld [tilespmem:s28+$0xFFFFFF10];
	[tilespmem:s25+$0xFFFFFFA0] =	vst v2;
	v2 =	vmul.f32 $8.000000000e+00, v0  }
0x238: {  	v1 =	vld [tilespmem:s26+$0xFFFFFF30];
	[tilespmem:s25+$0xFFFFFFE0] =	vst v5;
	v7 =	vmul.f32 $8.000000000e+00, v6  }
0x239: {  	v0 =	vld [tilespmem:s26+$0xFFFFFFB0];
	[tilespmem:s25+$0x20] =	vst v2;
	v5 =	vmul.f32 $8.000000000e+00, v8  }
0x23a: {  	s29 =	simm.s32 $0x9E00;
	s1 =	simm.s32 $0x4;
	v6 =	vmul.f32 $8.000000000e+00, v9;
	[tilespmem:s30+$0x50] =	vst v7;
	v2 =	vld [tilespmem:s26+$0x30]  }
.LBB2_17:
0x23b: {  	v7 =	vld [tilespmem:s29+$0x80];
	v3 =	vmul.f32 $8.000000000e+00, v3;
	[tilespmem:s25+$0x70] =	vst v5  }
0x23c: {  	s1 =	sadd.s32 $0x4, s1;
	v4 =	vmul.f32 $8.000000000e+00, v4;
	[tilespmem:s30+$0xFFFFFFD0] =	vst v6;
	v5 =	vld [tilespmem:s28+$0xA0]  }
0x23d: {  	p0 =	slt.u32 s1, $0x7C;
	v6 =	vld [tilespmem:s29+$0xFFFFFF80];
	[tilespmem:s30+$0x10] =	vst v3;
	v1 =	vmul.f32 $8.000000000e+00, v1  }
0x23e: {  	v3 =	vld [tilespmem:s29+$0x0];
	[tilespmem:s30+$0xFFFFFF90] =	vst v4;
	v0 =	vmul.f32 $8.000000000e+00, v0  }
0x23f: {  	v4 =	vld [tilespmem:s29+$0xFFFFFF00];
	[tilespmem:s25+$0xFFFFFFB0] =	vst v1;
	v1 =	vmul.f32 $8.000000000e+00, v2  }
0x240: {  	v2 =	vmul.f32 $8.000000000e+00, v7;
	v7 =	vld [tilespmem:s28+$0xFFFFFF20];
	[tilespmem:s25+$0xFFFFFFF0] =	vst v0  }
0x241: {  	v0 =	vld [tilespmem:s28+$0xFFFFFFA0];
	v5 =	vmul.f32 $8.000000000e+00, v5;
	[tilespmem:s25+$0x30] =	vst v1;
	s25 =	smov.u32 s30;
	s30 =	sadd.s32 $0x100, s30  }
0x242: {  	v1 =	vmul.f32 $8.000000000e+00, v6;
	[tilespmem:s30+$0x40] =	vst v2;
	v2 =	vld [tilespmem:s28+$0x20]  }
0x243: {  	v3 =	vmul.f32 $8.000000000e+00, v3;
	v6 =	vld [tilespmem:s29+$0x90];
	[tilespmem:s25+$0x60] =	vst v5  }
0x244: {  	v4 =	vmul.f32 $8.000000000e+00, v4;
	[tilespmem:s30+$0xFFFFFFC0] =	vst v1;
	v5 =	vld [tilespmem:s28+$0xB0]  }
0x245: {  	v8 =	vld [tilespmem:s29+$0xFFFFFF90];
	[tilespmem:s30+$0x0] =	vst v3;
	v1 =	vmul.f32 $8.000000000e+00, v7  }
.Ltmp7:
0x246: {  	[tilespmem:s30+$0xFFFFFF80] =	vst v4;
	v3 =	vld [tilespmem:s29+$0x10];
	v0 =	vmul.f32 $8.000000000e+00, v0;
	(pc) =	sbr.rel @p0 .LBB2_17-.Ltmp7, $4  }
0x247: {  	v4 =	vld [tilespmem:s29+$0xFFFFFF10];
	[tilespmem:s25+$0xFFFFFFA0] =	vst v1;
	v2 =	vmul.f32 $8.000000000e+00, v2  }
0x248: {  	v7 =	vmul.f32 $8.000000000e+00, v6;
	v1 =	vld [tilespmem:s28+$0xFFFFFF30];
	[tilespmem:s25+$0xFFFFFFE0] =	vst v0  }
0x249: {  	v0 =	vld [tilespmem:s28+$0xFFFFFFB0];
	[tilespmem:s25+$0x20] =	vst v2;
	v5 =	vmul.f32 $8.000000000e+00, v5  }
0x24a: {  	v6 =	vmul.f32 $8.000000000e+00, v8;
	[tilespmem:s30+$0x50] =	vst v7;
	v2 =	vld [tilespmem:s28+$0x30];
	s28 =	smov.u32 s29;
	s29 =	sadd.s32 $0x200, s29  }
0x24b: {  	_ = 	snop  }
0x24c: {  	v4 =	vmul.f32 $8.000000000e+00, v4;
	_ =	sdelay $0x1  }
0x24d: {  	v3 =	vmul.f32 $8.000000000e+00, v3;
	v7 =	vld [tilespmem:s28+$0xA0];
	[tilespmem:s30+$0xFFFFFF90] =	vst v4  }
0x24e: {  	[tilespmem:s30+$0xFFFFFFD0] =	vst v6;
	v4 =	vld [tilespmem:s28+$0xFFFFFF20]  }
0x24f: {  	[tilespmem:s30+$0x10] =	vst v3;
	v3 =	vld [tilespmem:s28+$0xFFFFFFA0]  }
0x250: {  	v6 =	vld [tilespmem:s28+$0x20];
	_ =	sdelay $0x1  }
0x251: {  	v7 =	vmul.f32 $8.000000000e+00, v7  }
0x252: {  	v4 =	vmul.f32 $8.000000000e+00, v4  }
0x253: {  	[tilespmem:s30+$0x60] =	vst v7;
	v3 =	vmul.f32 $8.000000000e+00, v3  }
0x254: {  	v7 =	vld [tilespmem:s28+$0xB0];
	[tilespmem:s30+$0xFFFFFFA0] =	vst v4;
	v4 =	vmul.f32 $8.000000000e+00, v6  }
0x255: {  	[tilespmem:s30+$0xFFFFFFE0] =	vst v3;
	v6 =	vld [tilespmem:s28+$0xFFFFFF30]  }
0x256: {  	v1 =	vmul.f32 $8.000000000e+00, v1;
	v3 =	vld [tilespmem:s28+$0xFFFFFFB0];
	[tilespmem:s30+$0x20] =	vst v4  }
0x257: {  	[tilespmem:s25+$0x70] =	vst v5;
	v0 =	vmul.f32 $8.000000000e+00, v0;
	v4 =	vld [tilespmem:s28+$0x30]  }
0x258: {  	[tilespmem:s25+$0xFFFFFFB0] =	vst v1;
	v1 =	vmul.f32 $8.000000000e+00, v2  }
0x259: {  	[tilespmem:s25+$0xFFFFFFF0] =	vst v0;
	v0 =	vmul.f32 $8.000000000e+00, v7  }
0x25a: {  	[tilespmem:s25+$0x30] =	vst v1;
	v1 =	vmul.f32 $8.000000000e+00, v6  }
0x25b: {  	[tilespmem:s30+$0x70] =	vst v0;
	v0 =	vmul.f32 $8.000000000e+00, v3  }
0x25c: {  	[tilespmem:s30+$0xFFFFFFB0] =	vst v1;
	v1 =	vmul.f32 $8.000000000e+00, v4  }
0x25d: {  	[tilespmem:s30+$0xFFFFFFF0] =	vst v0  }
0x25e: {  	s1 =	sadd.s32 $0x380, s7;
	s26 =	simm.s32 $0x9900;
	[tilespmem:s30+$0x30] =	vst v1  }
0x25f: {  	[tilespmem:s26], [sflag:$0x3] =	stream.indirect.gather [hbm4b:s5+s23], $0x80, s1, s23, $0xb8;
	[tilespmem:$0x1F900] =	vst v63  }
0x260: {  	s26 =	sadd.s32 s24, s13  }
0x261: {  	s1 =	sshll.u32 s26, $0x3  }
0x262: {  	s1 =	sand.u32 $0x1FFFFC00, s1  }
0x263: {  	s1 =	sadd.s32 s2, s1  }
0x264: {  	[hbm4b:s1+s3] =	stream.linear.scatter [tilespmem:s8], [sflag:$0x8], $0x2000, $0x38;
	[tilespmem:$0x1F900] =	vst v63  }
0x265: {  	_ =	swait.ge [sflag:s9], $0x4000  }
0x266: {  	[sflag:s9] =	ssyncset.done $0x0  }
0x267: {  	[sflag:s9] =	ssyncadd.s32 $0xFFFFC000  }
0x268: {  	_ =	swait.ge [sflag:s20], $0x2000  }
0x269: {  	[sflag:s20] =	ssyncset.done $0x0  }
0x26a: {  	s26 =	simm.s32 $0xDA00;
	[sflag:s20] =	ssyncadd.s32 $0xFFFFE000  }
0x26b: {  	v0 =	vld [tilespmem:s26+$0x80];
	_ =	sdelay $0x3  }
0x26c: {  	v1 =	vld [tilespmem:s26+$0xFFFFFF00]  }
0x26d: {  	v2 =	vld [tilespmem:s26+$0xFFFFFF80];
	v0 =	vmul.f32 $8.000000000e+00, v0  }
0x26e: {  	s25 =	simm.s32 $0x1B980;
	v3 =	vld [tilespmem:s26+$0x0]  }
0x26f: {  	[tilespmem:s25+$0x40] =	vst v0  }
0x270: {  	v0 =	vld [tilespmem:s26+$0x90]  }
0x271: {  	v1 =	vmul.f32 $8.000000000e+00, v1  }
0x272: {  	v2 =	vmul.f32 $8.000000000e+00, v2  }
0x273: {  	v3 =	vmul.f32 $8.000000000e+00, v3;
	[tilespmem:s25+$0xFFFFFF80] =	vst v1  }
0x274: {  	[tilespmem:s25+$0xFFFFFFC0] =	vst v2;
	v1 =	vld [tilespmem:s26+$0xFFFFFF10]  }
0x275: {  	[tilespmem:s25+$0x0] =	vst v3;
	v2 =	vld [tilespmem:s26+$0xFFFFFF90];
	v0 =	vmul.f32 $8.000000000e+00, v0  }
0x276: {  	s28 =	simm.s32 $0xDC00;
	v3 =	vld [tilespmem:s26+$0x10]  }
0x277: {  	[tilespmem:s25+$0x50] =	vst v0;
	v0 =	vld [tilespmem:s28+$0x80]  }
0x278: {  	v4 =	vld [tilespmem:s26+$0xA0]  }
0x279: {  	v5 =	vld [tilespmem:s28+$0xFFFFFF80];
	v1 =	vmul.f32 $8.000000000e+00, v1  }
0x27a: {  	v6 =	vld [tilespmem:s28+$0x0];
	v2 =	vmul.f32 $8.000000000e+00, v2  }
0x27b: {  	v3 =	vmul.f32 $8.000000000e+00, v3;
	[tilespmem:s25+$0xFFFFFF90] =	vst v1;
	v1 =	vld [tilespmem:s28+$0xFFFFFF00]  }
0x27c: {  	[tilespmem:s25+$0xFFFFFFD0] =	vst v2;
	v2 =	vld [tilespmem:s26+$0xFFFFFF20];
	v0 =	vmul.f32 $8.000000000e+00, v0  }
0x27d: {  	s30 =	simm.s32 $0x1BA80;
	[tilespmem:s25+$0x10] =	vst v3;
	v7 =	vld [tilespmem:s26+$0xFFFFFFA0];
	v3 =	vmul.f32 $8.000000000e+00, v4  }
0x27e: {  	v4 =	vmul.f32 $8.000000000e+00, v5;
	[tilespmem:s30+$0x40] =	vst v0;
	v0 =	vld [tilespmem:s26+$0x20]  }
0x27f: {  	v5 =	vmul.f32 $8.000000000e+00, v6;
	v6 =	vld [tilespmem:s28+$0x90];
	[tilespmem:s25+$0x60] =	vst v3  }
0x280: {  	v1 =	vmul.f32 $8.000000000e+00, v1;
	[tilespmem:s30+$0xFFFFFFC0] =	vst v4;
	v8 =	vld [tilespmem:s26+$0xB0]  }
0x281: {  	v2 =	vmul.f32 $8.000000000e+00, v2;
	[tilespmem:s30+$0x0] =	vst v5;
	v9 =	vld [tilespmem:s28+$0xFFFFFF90]  }
0x282: {  	[tilespmem:s30+$0xFFFFFF80] =	vst v1;
	v5 =	vmul.f32 $8.000000000e+00, v7;
	v3 =	vld [tilespmem:s28+$0x10]  }
0x283: {  	v4 =	vld [tilespmem:s28+$0xFFFFFF10];
	[tilespmem:s25+$0xFFFFFFA0] =	vst v2;
	v2 =	vmul.f32 $8.000000000e+00, v0  }
0x284: {  	v1 =	vld [tilespmem:s26+$0xFFFFFF30];
	[tilespmem:s25+$0xFFFFFFE0] =	vst v5;
	v7 =	vmul.f32 $8.000000000e+00, v6  }
0x285: {  	v0 =	vld [tilespmem:s26+$0xFFFFFFB0];
	[tilespmem:s25+$0x20] =	vst v2;
	v5 =	vmul.f32 $8.000000000e+00, v8  }
0x286: {  	s29 =	simm.s32 $0xDE00;
	s1 =	simm.s32 $0x4;
	v6 =	vmul.f32 $8.000000000e+00, v9;
	[tilespmem:s30+$0x50] =	vst v7;
	v2 =	vld [tilespmem:s26+$0x30]  }
.LBB2_19:
0x287: {  	v7 =	vld [tilespmem:s29+$0x80];
	v3 =	vmul.f32 $8.000000000e+00, v3;
	[tilespmem:s25+$0x70] =	vst v5  }
0x288: {  	s1 =	sadd.s32 $0x4, s1;
	v4 =	vmul.f32 $8.000000000e+00, v4;
	[tilespmem:s30+$0xFFFFFFD0] =	vst v6;
	v5 =	vld [tilespmem:s28+$0xA0]  }
0x289: {  	p0 =	slt.u32 s1, $0x7C;
	v6 =	vld [tilespmem:s29+$0xFFFFFF80];
	[tilespmem:s30+$0x10] =	vst v3;
	v1 =	vmul.f32 $8.000000000e+00, v1  }
0x28a: {  	v3 =	vld [tilespmem:s29+$0x0];
	[tilespmem:s30+$0xFFFFFF90] =	vst v4;
	v0 =	vmul.f32 $8.000000000e+00, v0  }
0x28b: {  	v4 =	vld [tilespmem:s29+$0xFFFFFF00];
	[tilespmem:s25+$0xFFFFFFB0] =	vst v1;
	v1 =	vmul.f32 $8.000000000e+00, v2  }
0x28c: {  	v2 =	vmul.f32 $8.000000000e+00, v7;
	v7 =	vld [tilespmem:s28+$0xFFFFFF20];
	[tilespmem:s25+$0xFFFFFFF0] =	vst v0  }
0x28d: {  	v0 =	vld [tilespmem:s28+$0xFFFFFFA0];
	v5 =	vmul.f32 $8.000000000e+00, v5;
	[tilespmem:s25+$0x30] =	vst v1;
	s25 =	smov.u32 s30;
	s30 =	sadd.s32 $0x100, s30  }
0x28e: {  	v1 =	vmul.f32 $8.000000000e+00, v6;
	[tilespmem:s30+$0x40] =	vst v2;
	v2 =	vld [tilespmem:s28+$0x20]  }
0x28f: {  	v3 =	vmul.f32 $8.000000000e+00, v3;
	v6 =	vld [tilespmem:s29+$0x90];
	[tilespmem:s25+$0x60] =	vst v5  }
0x290: {  	v4 =	vmul.f32 $8.000000000e+00, v4;
	[tilespmem:s30+$0xFFFFFFC0] =	vst v1;
	v5 =	vld [tilespmem:s28+$0xB0]  }
0x291: {  	v8 =	vld [tilespmem:s29+$0xFFFFFF90];
	[tilespmem:s30+$0x0] =	vst v3;
	v1 =	vmul.f32 $8.000000000e+00, v7  }
.Ltmp8:
0x292: {  	[tilespmem:s30+$0xFFFFFF80] =	vst v4;
	v3 =	vld [tilespmem:s29+$0x10];
	v0 =	vmul.f32 $8.000000000e+00, v0;
	(pc) =	sbr.rel @p0 .LBB2_19-.Ltmp8, $4  }
0x293: {  	v4 =	vld [tilespmem:s29+$0xFFFFFF10];
	[tilespmem:s25+$0xFFFFFFA0] =	vst v1;
	v2 =	vmul.f32 $8.000000000e+00, v2  }
0x294: {  	v7 =	vmul.f32 $8.000000000e+00, v6;
	v1 =	vld [tilespmem:s28+$0xFFFFFF30];
	[tilespmem:s25+$0xFFFFFFE0] =	vst v0  }
0x295: {  	v0 =	vld [tilespmem:s28+$0xFFFFFFB0];
	[tilespmem:s25+$0x20] =	vst v2;
	v5 =	vmul.f32 $8.000000000e+00, v5  }
0x296: {  	v6 =	vmul.f32 $8.000000000e+00, v8;
	[tilespmem:s30+$0x50] =	vst v7;
	v2 =	vld [tilespmem:s28+$0x30];
	s28 =	smov.u32 s29;
	s29 =	sadd.s32 $0x200, s29  }
0x297: {  	_ = 	snop  }
0x298: {  	v4 =	vmul.f32 $8.000000000e+00, v4;
	_ =	sdelay $0x1  }
0x299: {  	v3 =	vmul.f32 $8.000000000e+00, v3;
	v7 =	vld [tilespmem:s28+$0xA0];
	[tilespmem:s30+$0xFFFFFF90] =	vst v4  }
0x29a: {  	[tilespmem:s30+$0xFFFFFFD0] =	vst v6;
	v4 =	vld [tilespmem:s28+$0xFFFFFF20]  }
0x29b: {  	[tilespmem:s30+$0x10] =	vst v3;
	v3 =	vld [tilespmem:s28+$0xFFFFFFA0]  }
0x29c: {  	v6 =	vld [tilespmem:s28+$0x20];
	_ =	sdelay $0x1  }
0x29d: {  	v7 =	vmul.f32 $8.000000000e+00, v7  }
0x29e: {  	v4 =	vmul.f32 $8.000000000e+00, v4  }
0x29f: {  	[tilespmem:s30+$0x60] =	vst v7;
	v3 =	vmul.f32 $8.000000000e+00, v3  }
0x2a0: {  	v7 =	vld [tilespmem:s28+$0xB0];
	[tilespmem:s30+$0xFFFFFFA0] =	vst v4;
	v4 =	vmul.f32 $8.000000000e+00, v6  }
0x2a1: {  	[tilespmem:s30+$0xFFFFFFE0] =	vst v3;
	v6 =	vld [tilespmem:s28+$0xFFFFFF30]  }
0x2a2: {  	v1 =	vmul.f32 $8.000000000e+00, v1;
	v3 =	vld [tilespmem:s28+$0xFFFFFFB0];
	[tilespmem:s30+$0x20] =	vst v4  }
0x2a3: {  	[tilespmem:s25+$0x70] =	vst v5;
	v0 =	vmul.f32 $8.000000000e+00, v0;
	v4 =	vld [tilespmem:s28+$0x30]  }
0x2a4: {  	[tilespmem:s25+$0xFFFFFFB0] =	vst v1;
	v1 =	vmul.f32 $8.000000000e+00, v2  }
0x2a5: {  	[tilespmem:s25+$0xFFFFFFF0] =	vst v0;
	v0 =	vmul.f32 $8.000000000e+00, v7  }
0x2a6: {  	[tilespmem:s25+$0x30] =	vst v1;
	v1 =	vmul.f32 $8.000000000e+00, v6  }
0x2a7: {  	[tilespmem:s30+$0x70] =	vst v0;
	v0 =	vmul.f32 $8.000000000e+00, v3  }
0x2a8: {  	[tilespmem:s30+$0xFFFFFFB0] =	vst v1;
	v1 =	vmul.f32 $8.000000000e+00, v4  }
0x2a9: {  	[tilespmem:s30+$0xFFFFFFF0] =	vst v0  }
0x2aa: {  	s1 =	sadd.s32 $0x400, s7;
	s26 =	simm.s32 $0xD900;
	[tilespmem:s30+$0x30] =	vst v1  }
0x2ab: {  	[tilespmem:s26], [sflag:$0x4] =	stream.indirect.gather [hbm4b:s5+s23], $0x80, s1, s23, $0xb8;
	[tilespmem:$0x1F900] =	vst v63  }
0x2ac: {  	s26 =	sadd.s32 s24, s14  }
0x2ad: {  	s1 =	sshll.u32 s26, $0x3  }
0x2ae: {  	s1 =	sand.u32 $0x1FFFFC00, s1  }
0x2af: {  	s1 =	sadd.s32 s2, s1  }
0x2b0: {  	[hbm4b:s1+s3] =	stream.linear.scatter [tilespmem:s10], [sflag:$0x9], $0x2000, $0x38;
	[tilespmem:$0x1F900] =	vst v63  }
0x2b1: {  	_ =	swait.ge [sflag:s11], $0x4000  }
0x2b2: {  	[sflag:s11] =	ssyncset.done $0x0  }
0x2b3: {  	[sflag:s11] =	ssyncadd.s32 $0xFFFFC000  }
0x2b4: {  	_ =	swait.ge [sflag:s21], $0x2000  }
0x2b5: {  	[sflag:s21] =	ssyncset.done $0x0  }
0x2b6: {  	s26 =	simm.s32 $0x11A00;
	[sflag:s21] =	ssyncadd.s32 $0xFFFFE000  }
0x2b7: {  	v0 =	vld [tilespmem:s26+$0x80];
	_ =	sdelay $0x3  }
0x2b8: {  	v1 =	vld [tilespmem:s26+$0xFFFFFF00]  }
0x2b9: {  	v2 =	vld [tilespmem:s26+$0xFFFFFF80];
	v0 =	vmul.f32 $8.000000000e+00, v0  }
0x2ba: {  	s25 =	simm.s32 $0x1D980;
	v3 =	vld [tilespmem:s26+$0x0]  }
0x2bb: {  	[tilespmem:s25+$0x40] =	vst v0  }
0x2bc: {  	v0 =	vld [tilespmem:s26+$0x90]  }
0x2bd: {  	v1 =	vmul.f32 $8.000000000e+00, v1  }
0x2be: {  	v2 =	vmul.f32 $8.000000000e+00, v2  }
0x2bf: {  	v3 =	vmul.f32 $8.000000000e+00, v3;
	[tilespmem:s25+$0xFFFFFF80] =	vst v1  }
0x2c0: {  	[tilespmem:s25+$0xFFFFFFC0] =	vst v2;
	v1 =	vld [tilespmem:s26+$0xFFFFFF10]  }
0x2c1: {  	[tilespmem:s25+$0x0] =	vst v3;
	v2 =	vld [tilespmem:s26+$0xFFFFFF90];
	v0 =	vmul.f32 $8.000000000e+00, v0  }
0x2c2: {  	s28 =	simm.s32 $0x11C00;
	v3 =	vld [tilespmem:s26+$0x10]  }
0x2c3: {  	[tilespmem:s25+$0x50] =	vst v0;
	v0 =	vld [tilespmem:s28+$0x80]  }
0x2c4: {  	v4 =	vld [tilespmem:s26+$0xA0]  }
0x2c5: {  	v5 =	vld [tilespmem:s28+$0xFFFFFF80];
	v1 =	vmul.f32 $8.000000000e+00, v1  }
0x2c6: {  	v6 =	vld [tilespmem:s28+$0x0];
	v2 =	vmul.f32 $8.000000000e+00, v2  }
0x2c7: {  	v3 =	vmul.f32 $8.000000000e+00, v3;
	[tilespmem:s25+$0xFFFFFF90] =	vst v1;
	v1 =	vld [tilespmem:s28+$0xFFFFFF00]  }
0x2c8: {  	[tilespmem:s25+$0xFFFFFFD0] =	vst v2;
	v2 =	vld [tilespmem:s26+$0xFFFFFF20];
	v0 =	vmul.f32 $8.000000000e+00, v0  }
0x2c9: {  	s30 =	simm.s32 $0x1DA80;
	[tilespmem:s25+$0x10] =	vst v3;
	v7 =	vld [tilespmem:s26+$0xFFFFFFA0];
	v3 =	vmul.f32 $8.000000000e+00, v4  }
0x2ca: {  	v4 =	vmul.f32 $8.000000000e+00, v5;
	[tilespmem:s30+$0x40] =	vst v0;
	v0 =	vld [tilespmem:s26+$0x20]  }
0x2cb: {  	v5 =	vmul.f32 $8.000000000e+00, v6;
	v6 =	vld [tilespmem:s28+$0x90];
	[tilespmem:s25+$0x60] =	vst v3  }
0x2cc: {  	v1 =	vmul.f32 $8.000000000e+00, v1;
	[tilespmem:s30+$0xFFFFFFC0] =	vst v4;
	v8 =	vld [tilespmem:s26+$0xB0]  }
0x2cd: {  	v2 =	vmul.f32 $8.000000000e+00, v2;
	[tilespmem:s30+$0x0] =	vst v5;
	v9 =	vld [tilespmem:s28+$0xFFFFFF90]  }
0x2ce: {  	[tilespmem:s30+$0xFFFFFF80] =	vst v1;
	v5 =	vmul.f32 $8.000000000e+00, v7;
	v3 =	vld [tilespmem:s28+$0x10]  }
0x2cf: {  	v4 =	vld [tilespmem:s28+$0xFFFFFF10];
	[tilespmem:s25+$0xFFFFFFA0] =	vst v2;
	v2 =	vmul.f32 $8.000000000e+00, v0  }
0x2d0: {  	v1 =	vld [tilespmem:s26+$0xFFFFFF30];
	[tilespmem:s25+$0xFFFFFFE0] =	vst v5;
	v7 =	vmul.f32 $8.000000000e+00, v6  }
0x2d1: {  	v0 =	vld [tilespmem:s26+$0xFFFFFFB0];
	[tilespmem:s25+$0x20] =	vst v2;
	v5 =	vmul.f32 $8.000000000e+00, v8  }
0x2d2: {  	s29 =	simm.s32 $0x11E00;
	s1 =	simm.s32 $0x4;
	v6 =	vmul.f32 $8.000000000e+00, v9;
	[tilespmem:s30+$0x50] =	vst v7;
	v2 =	vld [tilespmem:s26+$0x30]  }
.LBB2_21:
0x2d3: {  	v7 =	vld [tilespmem:s29+$0x80];
	v3 =	vmul.f32 $8.000000000e+00, v3;
	[tilespmem:s25+$0x70] =	vst v5  }
0x2d4: {  	s1 =	sadd.s32 $0x4, s1;
	v4 =	vmul.f32 $8.000000000e+00, v4;
	[tilespmem:s30+$0xFFFFFFD0] =	vst v6;
	v5 =	vld [tilespmem:s28+$0xA0]  }
0x2d5: {  	p0 =	slt.u32 s1, $0x7C;
	v6 =	vld [tilespmem:s29+$0xFFFFFF80];
	[tilespmem:s30+$0x10] =	vst v3;
	v1 =	vmul.f32 $8.000000000e+00, v1  }
0x2d6: {  	v3 =	vld [tilespmem:s29+$0x0];
	[tilespmem:s30+$0xFFFFFF90] =	vst v4;
	v0 =	vmul.f32 $8.000000000e+00, v0  }
0x2d7: {  	v4 =	vld [tilespmem:s29+$0xFFFFFF00];
	[tilespmem:s25+$0xFFFFFFB0] =	vst v1;
	v1 =	vmul.f32 $8.000000000e+00, v2  }
0x2d8: {  	v2 =	vmul.f32 $8.000000000e+00, v7;
	v7 =	vld [tilespmem:s28+$0xFFFFFF20];
	[tilespmem:s25+$0xFFFFFFF0] =	vst v0  }
0x2d9: {  	v0 =	vld [tilespmem:s28+$0xFFFFFFA0];
	v5 =	vmul.f32 $8.000000000e+00, v5;
	[tilespmem:s25+$0x30] =	vst v1;
	s25 =	smov.u32 s30;
	s30 =	sadd.s32 $0x100, s30  }
0x2da: {  	v1 =	vmul.f32 $8.000000000e+00, v6;
	[tilespmem:s30+$0x40] =	vst v2;
	v2 =	vld [tilespmem:s28+$0x20]  }
0x2db: {  	v3 =	vmul.f32 $8.000000000e+00, v3;
	v6 =	vld [tilespmem:s29+$0x90];
	[tilespmem:s25+$0x60] =	vst v5  }
0x2dc: {  	v4 =	vmul.f32 $8.000000000e+00, v4;
	[tilespmem:s30+$0xFFFFFFC0] =	vst v1;
	v5 =	vld [tilespmem:s28+$0xB0]  }
0x2dd: {  	v8 =	vld [tilespmem:s29+$0xFFFFFF90];
	[tilespmem:s30+$0x0] =	vst v3;
	v1 =	vmul.f32 $8.000000000e+00, v7  }
.Ltmp9:
0x2de: {  	[tilespmem:s30+$0xFFFFFF80] =	vst v4;
	v3 =	vld [tilespmem:s29+$0x10];
	v0 =	vmul.f32 $8.000000000e+00, v0;
	(pc) =	sbr.rel @p0 .LBB2_21-.Ltmp9, $4  }
0x2df: {  	v4 =	vld [tilespmem:s29+$0xFFFFFF10];
	[tilespmem:s25+$0xFFFFFFA0] =	vst v1;
	v2 =	vmul.f32 $8.000000000e+00, v2  }
0x2e0: {  	v7 =	vmul.f32 $8.000000000e+00, v6;
	v1 =	vld [tilespmem:s28+$0xFFFFFF30];
	[tilespmem:s25+$0xFFFFFFE0] =	vst v0  }
0x2e1: {  	v0 =	vld [tilespmem:s28+$0xFFFFFFB0];
	[tilespmem:s25+$0x20] =	vst v2;
	v5 =	vmul.f32 $8.000000000e+00, v5  }
0x2e2: {  	v6 =	vmul.f32 $8.000000000e+00, v8;
	[tilespmem:s30+$0x50] =	vst v7;
	v2 =	vld [tilespmem:s28+$0x30];
	s28 =	smov.u32 s29;
	s29 =	sadd.s32 $0x200, s29  }
0x2e3: {  	v3 =	vmul.f32 $8.000000000e+00, v3  }
0x2e4: {  	v7 =	vld [tilespmem:s28+$0xA0];
	v4 =	vmul.f32 $8.000000000e+00, v4;
	[tilespmem:s30+$0xFFFFFFD0] =	vst v6  }
0x2e5: {  	[tilespmem:s30+$0x10] =	vst v3;
	v53 =	vld [tilespmem:s28+$0xFFFFFFA0]  }
0x2e6: {  	[tilespmem:s30+$0xFFFFFF90] =	vst v4;
	v54 =	vld [tilespmem:s28+$0x20]  }
0x2e7: {  	v4 =	vld [tilespmem:s28+$0xFFFFFF20];
	_ =	sdelay $0x1  }
0x2e8: {  	v7 =	vmul.f32 $8.000000000e+00, v7  }
0x2e9: {  	v3 =	vmul.f32 $8.000000000e+00, v53  }
0x2ea: {  	[tilespmem:s30+$0x60] =	vst v7;
	v6 =	vmul.f32 $8.000000000e+00, v54  }
0x2eb: {  	v55 =	vld [tilespmem:s28+$0xB0];
	v4 =	vmul.f32 $8.000000000e+00, v4;
	[tilespmem:s30+$0xFFFFFFE0] =	vst v3  }
0x2ec: {  	[tilespmem:s30+$0x20] =	vst v6;
	v57 =	vld [tilespmem:s28+$0xFFFFFFB0]  }
0x2ed: {  	v1 =	vmul.f32 $8.000000000e+00, v1;
	[tilespmem:s30+$0xFFFFFFA0] =	vst v4;
	v58 =	vld [tilespmem:s28+$0x30]  }
0x2ee: {  	[tilespmem:s25+$0x70] =	vst v5;
	v0 =	vmul.f32 $8.000000000e+00, v0;
	v56 =	vld [tilespmem:s28+$0xFFFFFF30]  }
0x2ef: {  	[tilespmem:s25+$0xFFFFFFB0] =	vst v1;
	v59 =	vmul.f32 $8.000000000e+00, v2  }
0x2f0: {  	[tilespmem:s25+$0xFFFFFFF0] =	vst v0;
	v60 =	vmul.f32 $8.000000000e+00, v55  }
0x2f1: {  	[tilespmem:s25+$0x30] =	vst v59;
	v62 =	vmul.f32 $8.000000000e+00, v57  }
0x2f2: {  	[tilespmem:s30+$0x70] =	vst v60;
	v63 =	vmul.f32 $8.000000000e+00, v58  }
0x2f3: {  	v61 =	vmul.f32 $8.000000000e+00, v56;
	[tilespmem:s30+$0xFFFFFFF0] =	vst v62  }
0x2f4: {  	s22 =	sadd.s32 $0x1, s22;
	[tilespmem:s30+$0x30] =	vst v63  }
0x2f5: {  	s1 =	sadd.s32 $0x480, s7;
	s29 =	simm.s32 $0x11900;
	p0 =	sne.s32 s22, $0x9;
	[tilespmem:s30+$0xFFFFFFB0] =	vst v61  }
0x2f6: {  	[tilespmem:s29], [sflag:$0x5] =	stream.indirect.gather [hbm4b:s5+s23], $0x80, s1, s23, $0xb8;
	[tilespmem:$0x1F900] =	vst v63  }
.Ltmp10:
0x2f7: {  	s30 =	sadd.s32 s24, s15;
	(pc) =	sbr.rel @p0 .LBB2_12-.Ltmp10, $4  }
0x2f8: {  	s1 =	sshll.u32 s30, $0x3  }
0x2f9: {  	s1 =	sand.u32 $0x1FFFFC00, s1  }
0x2fa: {  	s1 =	sadd.s32 s2, s1  }
0x2fb: {  	[hbm4b:s1+s3] =	stream.linear.scatter [tilespmem:s16], [sflag:$0xA], $0x2000, $0x38;
	[tilespmem:$0x1F900] =	vst v63  }
0x2fc: {  	_ =	swait.ge [sflag:s0], $0x4000  }
0x2fd: {  	[sflag:s0] =	ssyncset.done $0x0  }
0x2fe: {  	[sflag:s0] =	ssyncadd.s32 $0xFFFFC000  }
0x2ff: {  	_ =	swait.ge [sflag:s17], $0x2000  }
0x300: {  	[sflag:s17] =	ssyncset.done $0x0  }
0x301: {  	s26 =	simm.s32 $0x1A00;
	[sflag:s17] =	ssyncadd.s32 $0xFFFFE000  }
0x302: {  	v0 =	vld [tilespmem:s26+$0x80];
	_ =	sdelay $0x3  }
0x303: {  	v1 =	vld [tilespmem:s26+$0xFFFFFF00]  }
0x304: {  	v2 =	vld [tilespmem:s26+$0xFFFFFF80];
	v0 =	vmul.f32 $8.000000000e+00, v0  }
0x305: {  	s7 =	simm.s32 $0x15980;
	v3 =	vld [tilespmem:s26+$0x0]  }
0x306: {  	[tilespmem:s7+$0x40] =	vst v0  }
0x307: {  	v0 =	vld [tilespmem:s26+$0x90]  }
0x308: {  	v1 =	vmul.f32 $8.000000000e+00, v1  }
0x309: {  	v2 =	vmul.f32 $8.000000000e+00, v2  }
0x30a: {  	v3 =	vmul.f32 $8.000000000e+00, v3;
	[tilespmem:s7+$0xFFFFFF80] =	vst v1  }
0x30b: {  	[tilespmem:s7+$0xFFFFFFC0] =	vst v2;
	v1 =	vld [tilespmem:s26+$0xFFFFFF10]  }
0x30c: {  	[tilespmem:s7+$0x0] =	vst v3;
	v2 =	vld [tilespmem:s26+$0xFFFFFF90];
	v0 =	vmul.f32 $8.000000000e+00, v0  }
0x30d: {  	s22 =	simm.s32 $0x1C00;
	v3 =	vld [tilespmem:s26+$0x10]  }
0x30e: {  	[tilespmem:s7+$0x50] =	vst v0;
	v0 =	vld [tilespmem:s22+$0x80]  }
0x30f: {  	v4 =	vld [tilespmem:s26+$0xA0]  }
0x310: {  	v5 =	vld [tilespmem:s22+$0xFFFFFF80];
	v1 =	vmul.f32 $8.000000000e+00, v1  }
0x311: {  	v6 =	vld [tilespmem:s22+$0x0];
	v2 =	vmul.f32 $8.000000000e+00, v2  }
0x312: {  	v3 =	vmul.f32 $8.000000000e+00, v3;
	[tilespmem:s7+$0xFFFFFF90] =	vst v1;
	v1 =	vld [tilespmem:s22+$0xFFFFFF00]  }
0x313: {  	[tilespmem:s7+$0xFFFFFFD0] =	vst v2;
	v2 =	vld [tilespmem:s26+$0xFFFFFF20];
	v0 =	vmul.f32 $8.000000000e+00, v0  }
0x314: {  	s24 =	simm.s32 $0x15A80;
	[tilespmem:s7+$0x10] =	vst v3;
	v7 =	vld [tilespmem:s26+$0xFFFFFFA0];
	v3 =	vmul.f32 $8.000000000e+00, v4  }
0x315: {  	v4 =	vmul.f32 $8.000000000e+00, v5;
	[tilespmem:s24+$0x40] =	vst v0;
	v0 =	vld [tilespmem:s26+$0x20]  }
0x316: {  	v5 =	vmul.f32 $8.000000000e+00, v6;
	v6 =	vld [tilespmem:s22+$0x90];
	[tilespmem:s7+$0x60] =	vst v3  }
0x317: {  	v1 =	vmul.f32 $8.000000000e+00, v1;
	[tilespmem:s24+$0xFFFFFFC0] =	vst v4;
	v8 =	vld [tilespmem:s26+$0xB0]  }
0x318: {  	v2 =	vmul.f32 $8.000000000e+00, v2;
	[tilespmem:s24+$0x0] =	vst v5;
	v9 =	vld [tilespmem:s22+$0xFFFFFF90]  }
0x319: {  	[tilespmem:s24+$0xFFFFFF80] =	vst v1;
	v5 =	vmul.f32 $8.000000000e+00, v7;
	v3 =	vld [tilespmem:s22+$0x10]  }
0x31a: {  	v4 =	vld [tilespmem:s22+$0xFFFFFF10];
	[tilespmem:s7+$0xFFFFFFA0] =	vst v2;
	v2 =	vmul.f32 $8.000000000e+00, v0  }
0x31b: {  	v1 =	vld [tilespmem:s26+$0xFFFFFF30];
	[tilespmem:s7+$0xFFFFFFE0] =	vst v5;
	v7 =	vmul.f32 $8.000000000e+00, v6  }
0x31c: {  	v0 =	vld [tilespmem:s26+$0xFFFFFFB0];
	[tilespmem:s7+$0x20] =	vst v2;
	v5 =	vmul.f32 $8.000000000e+00, v8  }
0x31d: {  	s1 =	simm.s32 $0x4;
	s25 =	simm.s32 $0x1E00;
	v6 =	vmul.f32 $8.000000000e+00, v9;
	[tilespmem:s24+$0x50] =	vst v7;
	v2 =	vld [tilespmem:s26+$0x30]  }
.LBB2_24:
0x31e: {  	v7 =	vld [tilespmem:s25+$0x80];
	v3 =	vmul.f32 $8.000000000e+00, v3;
	[tilespmem:s7+$0x70] =	vst v5  }
0x31f: {  	s1 =	sadd.s32 $0x4, s1;
	v4 =	vmul.f32 $8.000000000e+00, v4;
	[tilespmem:s24+$0xFFFFFFD0] =	vst v6;
	v5 =	vld [tilespmem:s22+$0xA0]  }
0x320: {  	p0 =	slt.u32 s1, $0x7C;
	v6 =	vld [tilespmem:s25+$0xFFFFFF80];
	[tilespmem:s24+$0x10] =	vst v3;
	v1 =	vmul.f32 $8.000000000e+00, v1  }
0x321: {  	v3 =	vld [tilespmem:s25+$0x0];
	[tilespmem:s24+$0xFFFFFF90] =	vst v4;
	v0 =	vmul.f32 $8.000000000e+00, v0  }
0x322: {  	v4 =	vld [tilespmem:s25+$0xFFFFFF00];
	[tilespmem:s7+$0xFFFFFFB0] =	vst v1;
	v1 =	vmul.f32 $8.000000000e+00, v2  }
0x323: {  	v2 =	vmul.f32 $8.000000000e+00, v7;
	v7 =	vld [tilespmem:s22+$0xFFFFFF20];
	[tilespmem:s7+$0xFFFFFFF0] =	vst v0  }
0x324: {  	v0 =	vld [tilespmem:s22+$0xFFFFFFA0];
	v5 =	vmul.f32 $8.000000000e+00, v5;
	[tilespmem:s7+$0x30] =	vst v1;
	s7 =	smov.u32 s24;
	s24 =	sadd.s32 $0x100, s24  }
0x325: {  	v1 =	vmul.f32 $8.000000000e+00, v6;
	[tilespmem:s24+$0x40] =	vst v2;
	v2 =	vld [tilespmem:s22+$0x20]  }
0x326: {  	v3 =	vmul.f32 $8.000000000e+00, v3;
	v6 =	vld [tilespmem:s25+$0x90];
	[tilespmem:s7+$0x60] =	vst v5  }
0x327: {  	v4 =	vmul.f32 $8.000000000e+00, v4;
	[tilespmem:s24+$0xFFFFFFC0] =	vst v1;
	v5 =	vld [tilespmem:s22+$0xB0]  }
0x328: {  	v8 =	vld [tilespmem:s25+$0xFFFFFF90];
	[tilespmem:s24+$0x0] =	vst v3;
	v1 =	vmul.f32 $8.000000000e+00, v7  }
.Ltmp11:
0x329: {  	[tilespmem:s24+$0xFFFFFF80] =	vst v4;
	v3 =	vld [tilespmem:s25+$0x10];
	v0 =	vmul.f32 $8.000000000e+00, v0;
	(pc) =	sbr.rel @p0 .LBB2_24-.Ltmp11, $4  }
0x32a: {  	v4 =	vld [tilespmem:s25+$0xFFFFFF10];
	[tilespmem:s7+$0xFFFFFFA0] =	vst v1;
	v2 =	vmul.f32 $8.000000000e+00, v2  }
0x32b: {  	v7 =	vmul.f32 $8.000000000e+00, v6;
	v1 =	vld [tilespmem:s22+$0xFFFFFF30];
	[tilespmem:s7+$0xFFFFFFE0] =	vst v0  }
0x32c: {  	v0 =	vld [tilespmem:s22+$0xFFFFFFB0];
	[tilespmem:s7+$0x20] =	vst v2;
	v5 =	vmul.f32 $8.000000000e+00, v5  }
0x32d: {  	v6 =	vmul.f32 $8.000000000e+00, v8;
	[tilespmem:s24+$0x50] =	vst v7;
	v2 =	vld [tilespmem:s22+$0x30];
	s22 =	smov.u32 s25;
	s25 =	sadd.s32 $0x200, s25  }
0x32e: {  	_ = 	snop  }
0x32f: {  	v4 =	vmul.f32 $8.000000000e+00, v4;
	_ =	sdelay $0x1  }
0x330: {  	v3 =	vmul.f32 $8.000000000e+00, v3;
	v7 =	vld [tilespmem:s22+$0xA0];
	[tilespmem:s24+$0xFFFFFF90] =	vst v4  }
0x331: {  	[tilespmem:s24+$0xFFFFFFD0] =	vst v6;
	v4 =	vld [tilespmem:s22+$0xFFFFFF20]  }
0x332: {  	[tilespmem:s24+$0x10] =	vst v3;
	v3 =	vld [tilespmem:s22+$0xFFFFFFA0]  }
0x333: {  	v6 =	vld [tilespmem:s22+$0x20];
	_ =	sdelay $0x1  }
0x334: {  	v7 =	vmul.f32 $8.000000000e+00, v7  }
0x335: {  	v4 =	vmul.f32 $8.000000000e+00, v4  }
0x336: {  	[tilespmem:s24+$0x60] =	vst v7;
	v3 =	vmul.f32 $8.000000000e+00, v3  }
0x337: {  	v7 =	vld [tilespmem:s22+$0xB0];
	[tilespmem:s24+$0xFFFFFFA0] =	vst v4;
	v4 =	vmul.f32 $8.000000000e+00, v6  }
0x338: {  	[tilespmem:s24+$0xFFFFFFE0] =	vst v3;
	v6 =	vld [tilespmem:s22+$0xFFFFFF30]  }
0x339: {  	v1 =	vmul.f32 $8.000000000e+00, v1;
	v3 =	vld [tilespmem:s22+$0xFFFFFFB0];
	[tilespmem:s24+$0x20] =	vst v4  }
0x33a: {  	[tilespmem:s7+$0x70] =	vst v5;
	v0 =	vmul.f32 $8.000000000e+00, v0;
	v4 =	vld [tilespmem:s22+$0x30]  }
0x33b: {  	[tilespmem:s7+$0xFFFFFFB0] =	vst v1;
	v1 =	vmul.f32 $8.000000000e+00, v2  }
0x33c: {  	[tilespmem:s7+$0xFFFFFFF0] =	vst v0;
	v0 =	vmul.f32 $8.000000000e+00, v7  }
0x33d: {  	[tilespmem:s7+$0x30] =	vst v1;
	v1 =	vmul.f32 $8.000000000e+00, v6  }
0x33e: {  	[tilespmem:s24+$0x70] =	vst v0;
	v0 =	vmul.f32 $8.000000000e+00, v3  }
0x33f: {  	[tilespmem:s24+$0xFFFFFFB0] =	vst v1;
	v1 =	vmul.f32 $8.000000000e+00, v4  }
0x340: {  	[tilespmem:s24+$0xFFFFFFF0] =	vst v0  }
0x341: {  	[tilespmem:s24+$0x30] =	vst v1  }
0x342: {  	s30 =	simm.s32 $0x15900;
	s1 =	rddreg [dreg:$0x9]  }
0x343: {  	[hbm4b:s1+s3] =	stream.linear.scatter [tilespmem:s30], [sflag:$0x6], $0x2000, $0x38;
	[tilespmem:$0x1F900] =	vst v63  }
0x344: {  	_ =	swait.ge [sflag:s31], $0x4000  }
0x345: {  	[sflag:s31] =	ssyncset.done $0x0  }
0x346: {  	[sflag:s31] =	ssyncadd.s32 $0xFFFFC000  }
0x347: {  	_ =	swait.ge [sflag:s18], $0x2000  }
0x348: {  	[sflag:s18] =	ssyncset.done $0x0  }
0x349: {  	s26 =	simm.s32 $0x5A00;
	[sflag:s18] =	ssyncadd.s32 $0xFFFFE000  }
0x34a: {  	v0 =	vld [tilespmem:s26+$0x80];
	_ =	sdelay $0x3  }
0x34b: {  	v1 =	vld [tilespmem:s26+$0xFFFFFF00]  }
0x34c: {  	v2 =	vld [tilespmem:s26+$0xFFFFFF80];
	v0 =	vmul.f32 $8.000000000e+00, v0  }
0x34d: {  	s7 =	simm.s32 $0x17980;
	v3 =	vld [tilespmem:s26+$0x0]  }
0x34e: {  	[tilespmem:s7+$0x40] =	vst v0  }
0x34f: {  	v0 =	vld [tilespmem:s26+$0x90]  }
0x350: {  	v1 =	vmul.f32 $8.000000000e+00, v1  }
0x351: {  	v2 =	vmul.f32 $8.000000000e+00, v2  }
0x352: {  	v3 =	vmul.f32 $8.000000000e+00, v3;
	[tilespmem:s7+$0xFFFFFF80] =	vst v1  }
0x353: {  	[tilespmem:s7+$0xFFFFFFC0] =	vst v2;
	v1 =	vld [tilespmem:s26+$0xFFFFFF10]  }
0x354: {  	[tilespmem:s7+$0x0] =	vst v3;
	v2 =	vld [tilespmem:s26+$0xFFFFFF90];
	v0 =	vmul.f32 $8.000000000e+00, v0  }
0x355: {  	s22 =	simm.s32 $0x5C00;
	v3 =	vld [tilespmem:s26+$0x10]  }
0x356: {  	[tilespmem:s7+$0x50] =	vst v0;
	v0 =	vld [tilespmem:s22+$0x80]  }
0x357: {  	v4 =	vld [tilespmem:s26+$0xA0]  }
0x358: {  	v5 =	vld [tilespmem:s22+$0xFFFFFF80];
	v1 =	vmul.f32 $8.000000000e+00, v1  }
0x359: {  	v6 =	vld [tilespmem:s22+$0x0];
	v2 =	vmul.f32 $8.000000000e+00, v2  }
0x35a: {  	v3 =	vmul.f32 $8.000000000e+00, v3;
	[tilespmem:s7+$0xFFFFFF90] =	vst v1;
	v1 =	vld [tilespmem:s22+$0xFFFFFF00]  }
0x35b: {  	[tilespmem:s7+$0xFFFFFFD0] =	vst v2;
	v2 =	vld [tilespmem:s26+$0xFFFFFF20];
	v0 =	vmul.f32 $8.000000000e+00, v0  }
0x35c: {  	s24 =	simm.s32 $0x17A80;
	[tilespmem:s7+$0x10] =	vst v3;
	v7 =	vld [tilespmem:s26+$0xFFFFFFA0];
	v3 =	vmul.f32 $8.000000000e+00, v4  }
0x35d: {  	v4 =	vmul.f32 $8.000000000e+00, v5;
	[tilespmem:s24+$0x40] =	vst v0;
	v0 =	vld [tilespmem:s26+$0x20]  }
0x35e: {  	v5 =	vmul.f32 $8.000000000e+00, v6;
	v6 =	vld [tilespmem:s22+$0x90];
	[tilespmem:s7+$0x60] =	vst v3  }
0x35f: {  	v1 =	vmul.f32 $8.000000000e+00, v1;
	[tilespmem:s24+$0xFFFFFFC0] =	vst v4;
	v8 =	vld [tilespmem:s26+$0xB0]  }
0x360: {  	v2 =	vmul.f32 $8.000000000e+00, v2;
	[tilespmem:s24+$0x0] =	vst v5;
	v9 =	vld [tilespmem:s22+$0xFFFFFF90]  }
0x361: {  	[tilespmem:s24+$0xFFFFFF80] =	vst v1;
	v5 =	vmul.f32 $8.000000000e+00, v7;
	v3 =	vld [tilespmem:s22+$0x10]  }
0x362: {  	v4 =	vld [tilespmem:s22+$0xFFFFFF10];
	[tilespmem:s7+$0xFFFFFFA0] =	vst v2;
	v2 =	vmul.f32 $8.000000000e+00, v0  }
0x363: {  	v1 =	vld [tilespmem:s26+$0xFFFFFF30];
	[tilespmem:s7+$0xFFFFFFE0] =	vst v5;
	v7 =	vmul.f32 $8.000000000e+00, v6  }
0x364: {  	v0 =	vld [tilespmem:s26+$0xFFFFFFB0];
	[tilespmem:s7+$0x20] =	vst v2;
	v5 =	vmul.f32 $8.000000000e+00, v8  }
0x365: {  	s25 =	simm.s32 $0x5E00;
	s1 =	simm.s32 $0x4;
	v6 =	vmul.f32 $8.000000000e+00, v9;
	[tilespmem:s24+$0x50] =	vst v7;
	v2 =	vld [tilespmem:s26+$0x30]  }
.LBB2_26:
0x366: {  	v7 =	vld [tilespmem:s25+$0x80];
	v3 =	vmul.f32 $8.000000000e+00, v3;
	[tilespmem:s7+$0x70] =	vst v5  }
0x367: {  	s1 =	sadd.s32 $0x4, s1;
	v4 =	vmul.f32 $8.000000000e+00, v4;
	[tilespmem:s24+$0xFFFFFFD0] =	vst v6;
	v5 =	vld [tilespmem:s22+$0xA0]  }
0x368: {  	p0 =	slt.u32 s1, $0x7C;
	v6 =	vld [tilespmem:s25+$0xFFFFFF80];
	[tilespmem:s24+$0x10] =	vst v3;
	v1 =	vmul.f32 $8.000000000e+00, v1  }
0x369: {  	v3 =	vld [tilespmem:s25+$0x0];
	[tilespmem:s24+$0xFFFFFF90] =	vst v4;
	v0 =	vmul.f32 $8.000000000e+00, v0  }
0x36a: {  	v4 =	vld [tilespmem:s25+$0xFFFFFF00];
	[tilespmem:s7+$0xFFFFFFB0] =	vst v1;
	v1 =	vmul.f32 $8.000000000e+00, v2  }
0x36b: {  	v2 =	vmul.f32 $8.000000000e+00, v7;
	v7 =	vld [tilespmem:s22+$0xFFFFFF20];
	[tilespmem:s7+$0xFFFFFFF0] =	vst v0  }
0x36c: {  	v0 =	vld [tilespmem:s22+$0xFFFFFFA0];
	v5 =	vmul.f32 $8.000000000e+00, v5;
	[tilespmem:s7+$0x30] =	vst v1;
	s7 =	smov.u32 s24;
	s24 =	sadd.s32 $0x100, s24  }
0x36d: {  	v1 =	vmul.f32 $8.000000000e+00, v6;
	[tilespmem:s24+$0x40] =	vst v2;
	v2 =	vld [tilespmem:s22+$0x20]  }
0x36e: {  	v3 =	vmul.f32 $8.000000000e+00, v3;
	v6 =	vld [tilespmem:s25+$0x90];
	[tilespmem:s7+$0x60] =	vst v5  }
0x36f: {  	v4 =	vmul.f32 $8.000000000e+00, v4;
	[tilespmem:s24+$0xFFFFFFC0] =	vst v1;
	v5 =	vld [tilespmem:s22+$0xB0]  }
0x370: {  	v8 =	vld [tilespmem:s25+$0xFFFFFF90];
	[tilespmem:s24+$0x0] =	vst v3;
	v1 =	vmul.f32 $8.000000000e+00, v7  }
.Ltmp12:
0x371: {  	[tilespmem:s24+$0xFFFFFF80] =	vst v4;
	v3 =	vld [tilespmem:s25+$0x10];
	v0 =	vmul.f32 $8.000000000e+00, v0;
	(pc) =	sbr.rel @p0 .LBB2_26-.Ltmp12, $4  }
0x372: {  	v4 =	vld [tilespmem:s25+$0xFFFFFF10];
	[tilespmem:s7+$0xFFFFFFA0] =	vst v1;
	v2 =	vmul.f32 $8.000000000e+00, v2  }
0x373: {  	v7 =	vmul.f32 $8.000000000e+00, v6;
	v1 =	vld [tilespmem:s22+$0xFFFFFF30];
	[tilespmem:s7+$0xFFFFFFE0] =	vst v0  }
0x374: {  	v0 =	vld [tilespmem:s22+$0xFFFFFFB0];
	[tilespmem:s7+$0x20] =	vst v2;
	v5 =	vmul.f32 $8.000000000e+00, v5  }
0x375: {  	v6 =	vmul.f32 $8.000000000e+00, v8;
	[tilespmem:s24+$0x50] =	vst v7;
	v2 =	vld [tilespmem:s22+$0x30];
	s22 =	smov.u32 s25;
	s25 =	sadd.s32 $0x200, s25  }
0x376: {  	_ = 	snop  }
0x377: {  	v4 =	vmul.f32 $8.000000000e+00, v4;
	_ =	sdelay $0x1  }
0x378: {  	v3 =	vmul.f32 $8.000000000e+00, v3;
	v7 =	vld [tilespmem:s22+$0xA0];
	[tilespmem:s24+$0xFFFFFF90] =	vst v4  }
0x379: {  	[tilespmem:s24+$0xFFFFFFD0] =	vst v6;
	v4 =	vld [tilespmem:s22+$0xFFFFFF20]  }
0x37a: {  	[tilespmem:s24+$0x10] =	vst v3;
	v3 =	vld [tilespmem:s22+$0xFFFFFFA0]  }
0x37b: {  	v6 =	vld [tilespmem:s22+$0x20];
	_ =	sdelay $0x1  }
0x37c: {  	v7 =	vmul.f32 $8.000000000e+00, v7  }
0x37d: {  	v4 =	vmul.f32 $8.000000000e+00, v4  }
0x37e: {  	[tilespmem:s24+$0x60] =	vst v7;
	v3 =	vmul.f32 $8.000000000e+00, v3  }
0x37f: {  	v7 =	vld [tilespmem:s22+$0xB0];
	[tilespmem:s24+$0xFFFFFFA0] =	vst v4;
	v4 =	vmul.f32 $8.000000000e+00, v6  }
0x380: {  	[tilespmem:s24+$0xFFFFFFE0] =	vst v3;
	v6 =	vld [tilespmem:s22+$0xFFFFFF30]  }
0x381: {  	v1 =	vmul.f32 $8.000000000e+00, v1;
	v3 =	vld [tilespmem:s22+$0xFFFFFFB0];
	[tilespmem:s24+$0x20] =	vst v4  }
0x382: {  	[tilespmem:s7+$0x70] =	vst v5;
	v0 =	vmul.f32 $8.000000000e+00, v0;
	v4 =	vld [tilespmem:s22+$0x30]  }
0x383: {  	[tilespmem:s7+$0xFFFFFFB0] =	vst v1;
	v1 =	vmul.f32 $8.000000000e+00, v2  }
0x384: {  	[tilespmem:s7+$0xFFFFFFF0] =	vst v0;
	v0 =	vmul.f32 $8.000000000e+00, v7  }
0x385: {  	[tilespmem:s7+$0x30] =	vst v1;
	v1 =	vmul.f32 $8.000000000e+00, v6  }
0x386: {  	[tilespmem:s24+$0x70] =	vst v0;
	v0 =	vmul.f32 $8.000000000e+00, v3  }
0x387: {  	[tilespmem:s24+$0xFFFFFFB0] =	vst v1;
	v1 =	vmul.f32 $8.000000000e+00, v4  }
0x388: {  	[tilespmem:s24+$0xFFFFFFF0] =	vst v0  }
0x389: {  	[tilespmem:s24+$0x30] =	vst v1  }
0x38a: {  	s30 =	simm.s32 $0x17900;
	s1 =	rddreg [dreg:$0xa]  }
0x38b: {  	[hbm4b:s1+s3] =	stream.linear.scatter [tilespmem:s30], [sflag:$0x7], $0x2000, $0x38;
	[tilespmem:$0x1F900] =	vst v63  }
0x38c: {  	_ =	swait.ge [sflag:s6], $0x4000  }
0x38d: {  	[sflag:s6] =	ssyncset.done $0x0  }
0x38e: {  	[sflag:s6] =	ssyncadd.s32 $0xFFFFC000  }
0x38f: {  	_ =	swait.ge [sflag:s19], $0x2000  }
0x390: {  	[sflag:s19] =	ssyncset.done $0x0  }
0x391: {  	s26 =	simm.s32 $0x9A00;
	[sflag:s19] =	ssyncadd.s32 $0xFFFFE000  }
0x392: {  	v0 =	vld [tilespmem:s26+$0x80];
	_ =	sdelay $0x3  }
0x393: {  	v1 =	vld [tilespmem:s26+$0xFFFFFF00]  }
0x394: {  	v2 =	vld [tilespmem:s26+$0xFFFFFF80];
	v0 =	vmul.f32 $8.000000000e+00, v0  }
0x395: {  	s7 =	simm.s32 $0x19980;
	v3 =	vld [tilespmem:s26+$0x0]  }
0x396: {  	[tilespmem:s7+$0x40] =	vst v0  }
0x397: {  	v0 =	vld [tilespmem:s26+$0x90]  }
0x398: {  	v1 =	vmul.f32 $8.000000000e+00, v1  }
0x399: {  	v2 =	vmul.f32 $8.000000000e+00, v2  }
0x39a: {  	v3 =	vmul.f32 $8.000000000e+00, v3;
	[tilespmem:s7+$0xFFFFFF80] =	vst v1  }
0x39b: {  	[tilespmem:s7+$0xFFFFFFC0] =	vst v2;
	v1 =	vld [tilespmem:s26+$0xFFFFFF10]  }
0x39c: {  	[tilespmem:s7+$0x0] =	vst v3;
	v2 =	vld [tilespmem:s26+$0xFFFFFF90];
	v0 =	vmul.f32 $8.000000000e+00, v0  }
0x39d: {  	s22 =	simm.s32 $0x9C00;
	v3 =	vld [tilespmem:s26+$0x10]  }
0x39e: {  	[tilespmem:s7+$0x50] =	vst v0;
	v0 =	vld [tilespmem:s22+$0x80]  }
0x39f: {  	v4 =	vld [tilespmem:s26+$0xA0]  }
0x3a0: {  	v5 =	vld [tilespmem:s22+$0xFFFFFF80];
	v1 =	vmul.f32 $8.000000000e+00, v1  }
0x3a1: {  	v6 =	vld [tilespmem:s22+$0x0];
	v2 =	vmul.f32 $8.000000000e+00, v2  }
0x3a2: {  	v3 =	vmul.f32 $8.000000000e+00, v3;
	[tilespmem:s7+$0xFFFFFF90] =	vst v1;
	v1 =	vld [tilespmem:s22+$0xFFFFFF00]  }
0x3a3: {  	[tilespmem:s7+$0xFFFFFFD0] =	vst v2;
	v2 =	vld [tilespmem:s26+$0xFFFFFF20];
	v0 =	vmul.f32 $8.000000000e+00, v0  }
0x3a4: {  	s24 =	simm.s32 $0x19A80;
	[tilespmem:s7+$0x10] =	vst v3;
	v7 =	vld [tilespmem:s26+$0xFFFFFFA0];
	v3 =	vmul.f32 $8.000000000e+00, v4  }
0x3a5: {  	v4 =	vmul.f32 $8.000000000e+00, v5;
	[tilespmem:s24+$0x40] =	vst v0;
	v0 =	vld [tilespmem:s26+$0x20]  }
0x3a6: {  	v5 =	vmul.f32 $8.000000000e+00, v6;
	v6 =	vld [tilespmem:s22+$0x90];
	[tilespmem:s7+$0x60] =	vst v3  }
0x3a7: {  	v1 =	vmul.f32 $8.000000000e+00, v1;
	[tilespmem:s24+$0xFFFFFFC0] =	vst v4;
	v8 =	vld [tilespmem:s26+$0xB0]  }
0x3a8: {  	v2 =	vmul.f32 $8.000000000e+00, v2;
	[tilespmem:s24+$0x0] =	vst v5;
	v9 =	vld [tilespmem:s22+$0xFFFFFF90]  }
0x3a9: {  	[tilespmem:s24+$0xFFFFFF80] =	vst v1;
	v5 =	vmul.f32 $8.000000000e+00, v7;
	v3 =	vld [tilespmem:s22+$0x10]  }
0x3aa: {  	v4 =	vld [tilespmem:s22+$0xFFFFFF10];
	[tilespmem:s7+$0xFFFFFFA0] =	vst v2;
	v2 =	vmul.f32 $8.000000000e+00, v0  }
0x3ab: {  	v1 =	vld [tilespmem:s26+$0xFFFFFF30];
	[tilespmem:s7+$0xFFFFFFE0] =	vst v5;
	v7 =	vmul.f32 $8.000000000e+00, v6  }
0x3ac: {  	v0 =	vld [tilespmem:s26+$0xFFFFFFB0];
	[tilespmem:s7+$0x20] =	vst v2;
	v5 =	vmul.f32 $8.000000000e+00, v8  }
0x3ad: {  	s25 =	simm.s32 $0x9E00;
	s1 =	simm.s32 $0x4;
	v6 =	vmul.f32 $8.000000000e+00, v9;
	[tilespmem:s24+$0x50] =	vst v7;
	v2 =	vld [tilespmem:s26+$0x30]  }
.LBB2_28:
0x3ae: {  	v7 =	vld [tilespmem:s25+$0x80];
	v3 =	vmul.f32 $8.000000000e+00, v3;
	[tilespmem:s7+$0x70] =	vst v5  }
0x3af: {  	s1 =	sadd.s32 $0x4, s1;
	v4 =	vmul.f32 $8.000000000e+00, v4;
	[tilespmem:s24+$0xFFFFFFD0] =	vst v6;
	v5 =	vld [tilespmem:s22+$0xA0]  }
0x3b0: {  	p0 =	slt.u32 s1, $0x7C;
	v6 =	vld [tilespmem:s25+$0xFFFFFF80];
	[tilespmem:s24+$0x10] =	vst v3;
	v1 =	vmul.f32 $8.000000000e+00, v1  }
0x3b1: {  	v3 =	vld [tilespmem:s25+$0x0];
	[tilespmem:s24+$0xFFFFFF90] =	vst v4;
	v0 =	vmul.f32 $8.000000000e+00, v0  }
0x3b2: {  	v4 =	vld [tilespmem:s25+$0xFFFFFF00];
	[tilespmem:s7+$0xFFFFFFB0] =	vst v1;
	v1 =	vmul.f32 $8.000000000e+00, v2  }
0x3b3: {  	v2 =	vmul.f32 $8.000000000e+00, v7;
	v7 =	vld [tilespmem:s22+$0xFFFFFF20];
	[tilespmem:s7+$0xFFFFFFF0] =	vst v0  }
0x3b4: {  	v0 =	vld [tilespmem:s22+$0xFFFFFFA0];
	v5 =	vmul.f32 $8.000000000e+00, v5;
	[tilespmem:s7+$0x30] =	vst v1;
	s7 =	smov.u32 s24;
	s24 =	sadd.s32 $0x100, s24  }
0x3b5: {  	v1 =	vmul.f32 $8.000000000e+00, v6;
	[tilespmem:s24+$0x40] =	vst v2;
	v2 =	vld [tilespmem:s22+$0x20]  }
0x3b6: {  	v3 =	vmul.f32 $8.000000000e+00, v3;
	v6 =	vld [tilespmem:s25+$0x90];
	[tilespmem:s7+$0x60] =	vst v5  }
0x3b7: {  	v4 =	vmul.f32 $8.000000000e+00, v4;
	[tilespmem:s24+$0xFFFFFFC0] =	vst v1;
	v5 =	vld [tilespmem:s22+$0xB0]  }
0x3b8: {  	v8 =	vld [tilespmem:s25+$0xFFFFFF90];
	[tilespmem:s24+$0x0] =	vst v3;
	v1 =	vmul.f32 $8.000000000e+00, v7  }
.Ltmp13:
0x3b9: {  	[tilespmem:s24+$0xFFFFFF80] =	vst v4;
	v3 =	vld [tilespmem:s25+$0x10];
	v0 =	vmul.f32 $8.000000000e+00, v0;
	(pc) =	sbr.rel @p0 .LBB2_28-.Ltmp13, $4  }
0x3ba: {  	v4 =	vld [tilespmem:s25+$0xFFFFFF10];
	[tilespmem:s7+$0xFFFFFFA0] =	vst v1;
	v2 =	vmul.f32 $8.000000000e+00, v2  }
0x3bb: {  	v7 =	vmul.f32 $8.000000000e+00, v6;
	v1 =	vld [tilespmem:s22+$0xFFFFFF30];
	[tilespmem:s7+$0xFFFFFFE0] =	vst v0  }
0x3bc: {  	v0 =	vld [tilespmem:s22+$0xFFFFFFB0];
	[tilespmem:s7+$0x20] =	vst v2;
	v5 =	vmul.f32 $8.000000000e+00, v5  }
0x3bd: {  	v6 =	vmul.f32 $8.000000000e+00, v8;
	[tilespmem:s24+$0x50] =	vst v7;
	v2 =	vld [tilespmem:s22+$0x30];
	s22 =	smov.u32 s25;
	s25 =	sadd.s32 $0x200, s25  }
0x3be: {  	_ = 	snop  }
0x3bf: {  	v4 =	vmul.f32 $8.000000000e+00, v4;
	_ =	sdelay $0x1  }
0x3c0: {  	v3 =	vmul.f32 $8.000000000e+00, v3;
	v7 =	vld [tilespmem:s22+$0xA0];
	[tilespmem:s24+$0xFFFFFF90] =	vst v4  }
0x3c1: {  	[tilespmem:s24+$0xFFFFFFD0] =	vst v6;
	v4 =	vld [tilespmem:s22+$0xFFFFFF20]  }
0x3c2: {  	[tilespmem:s24+$0x10] =	vst v3;
	v3 =	vld [tilespmem:s22+$0xFFFFFFA0]  }
0x3c3: {  	v6 =	vld [tilespmem:s22+$0x20];
	_ =	sdelay $0x1  }
0x3c4: {  	v7 =	vmul.f32 $8.000000000e+00, v7  }
0x3c5: {  	v4 =	vmul.f32 $8.000000000e+00, v4  }
0x3c6: {  	[tilespmem:s24+$0x60] =	vst v7;
	v3 =	vmul.f32 $8.000000000e+00, v3  }
0x3c7: {  	v7 =	vld [tilespmem:s22+$0xB0];
	[tilespmem:s24+$0xFFFFFFA0] =	vst v4;
	v4 =	vmul.f32 $8.000000000e+00, v6  }
0x3c8: {  	[tilespmem:s24+$0xFFFFFFE0] =	vst v3;
	v6 =	vld [tilespmem:s22+$0xFFFFFF30]  }
0x3c9: {  	v1 =	vmul.f32 $8.000000000e+00, v1;
	v3 =	vld [tilespmem:s22+$0xFFFFFFB0];
	[tilespmem:s24+$0x20] =	vst v4  }
0x3ca: {  	[tilespmem:s7+$0x70] =	vst v5;
	v0 =	vmul.f32 $8.000000000e+00, v0;
	v4 =	vld [tilespmem:s22+$0x30]  }
0x3cb: {  	[tilespmem:s7+$0xFFFFFFB0] =	vst v1;
	v1 =	vmul.f32 $8.000000000e+00, v2  }
0x3cc: {  	[tilespmem:s7+$0xFFFFFFF0] =	vst v0;
	v0 =	vmul.f32 $8.000000000e+00, v7  }
0x3cd: {  	[tilespmem:s7+$0x30] =	vst v1;
	v1 =	vmul.f32 $8.000000000e+00, v6  }
0x3ce: {  	[tilespmem:s24+$0x70] =	vst v0;
	v0 =	vmul.f32 $8.000000000e+00, v3  }
0x3cf: {  	[tilespmem:s24+$0xFFFFFFB0] =	vst v1;
	v1 =	vmul.f32 $8.000000000e+00, v4  }
0x3d0: {  	[tilespmem:s24+$0xFFFFFFF0] =	vst v0  }
0x3d1: {  	[tilespmem:s24+$0x30] =	vst v1  }
0x3d2: {  	s1 =	rddreg [dreg:$0xb]  }
0x3d3: {  	[hbm4b:s1+s3] =	stream.linear.scatter [tilespmem:s8], [sflag:$0x8], $0x2000, $0x38;
	[tilespmem:$0x1F900] =	vst v63  }
0x3d4: {  	_ =	swait.ge [sflag:s9], $0x4000  }
0x3d5: {  	[sflag:s9] =	ssyncset.done $0x0  }
0x3d6: {  	[sflag:s9] =	ssyncadd.s32 $0xFFFFC000  }
0x3d7: {  	_ =	swait.ge [sflag:s20], $0x2000  }
0x3d8: {  	[sflag:s20] =	ssyncset.done $0x0  }
0x3d9: {  	s26 =	simm.s32 $0xDA00;
	[sflag:s20] =	ssyncadd.s32 $0xFFFFE000  }
0x3da: {  	v0 =	vld [tilespmem:s26+$0x80];
	_ =	sdelay $0x3  }
0x3db: {  	v1 =	vld [tilespmem:s26+$0xFFFFFF00]  }
0x3dc: {  	v2 =	vld [tilespmem:s26+$0xFFFFFF80];
	v0 =	vmul.f32 $8.000000000e+00, v0  }
0x3dd: {  	s7 =	simm.s32 $0x1B980;
	v3 =	vld [tilespmem:s26+$0x0]  }
0x3de: {  	[tilespmem:s7+$0x40] =	vst v0  }
0x3df: {  	v0 =	vld [tilespmem:s26+$0x90]  }
0x3e0: {  	v1 =	vmul.f32 $8.000000000e+00, v1  }
0x3e1: {  	v2 =	vmul.f32 $8.000000000e+00, v2  }
0x3e2: {  	v3 =	vmul.f32 $8.000000000e+00, v3;
	[tilespmem:s7+$0xFFFFFF80] =	vst v1  }
0x3e3: {  	[tilespmem:s7+$0xFFFFFFC0] =	vst v2;
	v1 =	vld [tilespmem:s26+$0xFFFFFF10]  }
0x3e4: {  	[tilespmem:s7+$0x0] =	vst v3;
	v2 =	vld [tilespmem:s26+$0xFFFFFF90];
	v0 =	vmul.f32 $8.000000000e+00, v0  }
0x3e5: {  	s22 =	simm.s32 $0xDC00;
	v3 =	vld [tilespmem:s26+$0x10]  }
0x3e6: {  	[tilespmem:s7+$0x50] =	vst v0;
	v0 =	vld [tilespmem:s22+$0x80]  }
0x3e7: {  	v4 =	vld [tilespmem:s26+$0xA0]  }
0x3e8: {  	v5 =	vld [tilespmem:s22+$0xFFFFFF80];
	v1 =	vmul.f32 $8.000000000e+00, v1  }
0x3e9: {  	v6 =	vld [tilespmem:s22+$0x0];
	v2 =	vmul.f32 $8.000000000e+00, v2  }
0x3ea: {  	v3 =	vmul.f32 $8.000000000e+00, v3;
	[tilespmem:s7+$0xFFFFFF90] =	vst v1;
	v1 =	vld [tilespmem:s22+$0xFFFFFF00]  }
0x3eb: {  	[tilespmem:s7+$0xFFFFFFD0] =	vst v2;
	v2 =	vld [tilespmem:s26+$0xFFFFFF20];
	v0 =	vmul.f32 $8.000000000e+00, v0  }
0x3ec: {  	s24 =	simm.s32 $0x1BA80;
	[tilespmem:s7+$0x10] =	vst v3;
	v7 =	vld [tilespmem:s26+$0xFFFFFFA0];
	v3 =	vmul.f32 $8.000000000e+00, v4  }
0x3ed: {  	v4 =	vmul.f32 $8.000000000e+00, v5;
	[tilespmem:s24+$0x40] =	vst v0;
	v0 =	vld [tilespmem:s26+$0x20]  }
0x3ee: {  	v5 =	vmul.f32 $8.000000000e+00, v6;
	v6 =	vld [tilespmem:s22+$0x90];
	[tilespmem:s7+$0x60] =	vst v3  }
0x3ef: {  	v1 =	vmul.f32 $8.000000000e+00, v1;
	[tilespmem:s24+$0xFFFFFFC0] =	vst v4;
	v8 =	vld [tilespmem:s26+$0xB0]  }
0x3f0: {  	v2 =	vmul.f32 $8.000000000e+00, v2;
	[tilespmem:s24+$0x0] =	vst v5;
	v9 =	vld [tilespmem:s22+$0xFFFFFF90]  }
0x3f1: {  	[tilespmem:s24+$0xFFFFFF80] =	vst v1;
	v5 =	vmul.f32 $8.000000000e+00, v7;
	v3 =	vld [tilespmem:s22+$0x10]  }
0x3f2: {  	v4 =	vld [tilespmem:s22+$0xFFFFFF10];
	[tilespmem:s7+$0xFFFFFFA0] =	vst v2;
	v2 =	vmul.f32 $8.000000000e+00, v0  }
0x3f3: {  	v1 =	vld [tilespmem:s26+$0xFFFFFF30];
	[tilespmem:s7+$0xFFFFFFE0] =	vst v5;
	v7 =	vmul.f32 $8.000000000e+00, v6  }
0x3f4: {  	v0 =	vld [tilespmem:s26+$0xFFFFFFB0];
	[tilespmem:s7+$0x20] =	vst v2;
	v5 =	vmul.f32 $8.000000000e+00, v8  }
0x3f5: {  	s25 =	simm.s32 $0xDE00;
	s1 =	simm.s32 $0x4;
	v6 =	vmul.f32 $8.000000000e+00, v9;
	[tilespmem:s24+$0x50] =	vst v7;
	v2 =	vld [tilespmem:s26+$0x30]  }
.LBB2_30:
0x3f6: {  	v7 =	vld [tilespmem:s25+$0x80];
	v3 =	vmul.f32 $8.000000000e+00, v3;
	[tilespmem:s7+$0x70] =	vst v5  }
0x3f7: {  	s1 =	sadd.s32 $0x4, s1;
	v4 =	vmul.f32 $8.000000000e+00, v4;
	[tilespmem:s24+$0xFFFFFFD0] =	vst v6;
	v5 =	vld [tilespmem:s22+$0xA0]  }
0x3f8: {  	p0 =	slt.u32 s1, $0x7C;
	v6 =	vld [tilespmem:s25+$0xFFFFFF80];
	[tilespmem:s24+$0x10] =	vst v3;
	v1 =	vmul.f32 $8.000000000e+00, v1  }
0x3f9: {  	v3 =	vld [tilespmem:s25+$0x0];
	[tilespmem:s24+$0xFFFFFF90] =	vst v4;
	v0 =	vmul.f32 $8.000000000e+00, v0  }
0x3fa: {  	v4 =	vld [tilespmem:s25+$0xFFFFFF00];
	[tilespmem:s7+$0xFFFFFFB0] =	vst v1;
	v1 =	vmul.f32 $8.000000000e+00, v2  }
0x3fb: {  	v2 =	vmul.f32 $8.000000000e+00, v7;
	v7 =	vld [tilespmem:s22+$0xFFFFFF20];
	[tilespmem:s7+$0xFFFFFFF0] =	vst v0  }
0x3fc: {  	v0 =	vld [tilespmem:s22+$0xFFFFFFA0];
	v5 =	vmul.f32 $8.000000000e+00, v5;
	[tilespmem:s7+$0x30] =	vst v1;
	s7 =	smov.u32 s24;
	s24 =	sadd.s32 $0x100, s24  }
0x3fd: {  	v1 =	vmul.f32 $8.000000000e+00, v6;
	[tilespmem:s24+$0x40] =	vst v2;
	v2 =	vld [tilespmem:s22+$0x20]  }
0x3fe: {  	v3 =	vmul.f32 $8.000000000e+00, v3;
	v6 =	vld [tilespmem:s25+$0x90];
	[tilespmem:s7+$0x60] =	vst v5  }
0x3ff: {  	v4 =	vmul.f32 $8.000000000e+00, v4;
	[tilespmem:s24+$0xFFFFFFC0] =	vst v1;
	v5 =	vld [tilespmem:s22+$0xB0]  }
0x400: {  	v8 =	vld [tilespmem:s25+$0xFFFFFF90];
	[tilespmem:s24+$0x0] =	vst v3;
	v1 =	vmul.f32 $8.000000000e+00, v7  }
.Ltmp14:
0x401: {  	[tilespmem:s24+$0xFFFFFF80] =	vst v4;
	v3 =	vld [tilespmem:s25+$0x10];
	v0 =	vmul.f32 $8.000000000e+00, v0;
	(pc) =	sbr.rel @p0 .LBB2_30-.Ltmp14, $4  }
0x402: {  	v4 =	vld [tilespmem:s25+$0xFFFFFF10];
	[tilespmem:s7+$0xFFFFFFA0] =	vst v1;
	v2 =	vmul.f32 $8.000000000e+00, v2  }
0x403: {  	v7 =	vmul.f32 $8.000000000e+00, v6;
	v1 =	vld [tilespmem:s22+$0xFFFFFF30];
	[tilespmem:s7+$0xFFFFFFE0] =	vst v0  }
0x404: {  	v0 =	vld [tilespmem:s22+$0xFFFFFFB0];
	[tilespmem:s7+$0x20] =	vst v2;
	v5 =	vmul.f32 $8.000000000e+00, v5  }
0x405: {  	v6 =	vmul.f32 $8.000000000e+00, v8;
	[tilespmem:s24+$0x50] =	vst v7;
	v2 =	vld [tilespmem:s22+$0x30];
	s22 =	smov.u32 s25;
	s25 =	sadd.s32 $0x200, s25  }
0x406: {  	_ = 	snop  }
0x407: {  	v4 =	vmul.f32 $8.000000000e+00, v4;
	_ =	sdelay $0x1  }
0x408: {  	v3 =	vmul.f32 $8.000000000e+00, v3;
	v7 =	vld [tilespmem:s22+$0xA0];
	[tilespmem:s24+$0xFFFFFF90] =	vst v4  }
0x409: {  	[tilespmem:s24+$0xFFFFFFD0] =	vst v6;
	v4 =	vld [tilespmem:s22+$0xFFFFFF20]  }
0x40a: {  	[tilespmem:s24+$0x10] =	vst v3;
	v3 =	vld [tilespmem:s22+$0xFFFFFFA0]  }
0x40b: {  	v6 =	vld [tilespmem:s22+$0x20];
	_ =	sdelay $0x1  }
0x40c: {  	v7 =	vmul.f32 $8.000000000e+00, v7  }
0x40d: {  	v4 =	vmul.f32 $8.000000000e+00, v4  }
0x40e: {  	[tilespmem:s24+$0x60] =	vst v7;
	v3 =	vmul.f32 $8.000000000e+00, v3  }
0x40f: {  	v7 =	vld [tilespmem:s22+$0xB0];
	[tilespmem:s24+$0xFFFFFFA0] =	vst v4;
	v4 =	vmul.f32 $8.000000000e+00, v6  }
0x410: {  	[tilespmem:s24+$0xFFFFFFE0] =	vst v3;
	v6 =	vld [tilespmem:s22+$0xFFFFFF30]  }
0x411: {  	v1 =	vmul.f32 $8.000000000e+00, v1;
	v3 =	vld [tilespmem:s22+$0xFFFFFFB0];
	[tilespmem:s24+$0x20] =	vst v4  }
0x412: {  	[tilespmem:s7+$0x70] =	vst v5;
	v0 =	vmul.f32 $8.000000000e+00, v0;
	v4 =	vld [tilespmem:s22+$0x30]  }
0x413: {  	[tilespmem:s7+$0xFFFFFFB0] =	vst v1;
	v1 =	vmul.f32 $8.000000000e+00, v2  }
0x414: {  	[tilespmem:s7+$0xFFFFFFF0] =	vst v0;
	v0 =	vmul.f32 $8.000000000e+00, v7  }
0x415: {  	[tilespmem:s7+$0x30] =	vst v1;
	v1 =	vmul.f32 $8.000000000e+00, v6  }
0x416: {  	[tilespmem:s24+$0x70] =	vst v0;
	v0 =	vmul.f32 $8.000000000e+00, v3  }
0x417: {  	[tilespmem:s24+$0xFFFFFFB0] =	vst v1;
	v1 =	vmul.f32 $8.000000000e+00, v4  }
0x418: {  	[tilespmem:s24+$0xFFFFFFF0] =	vst v0  }
0x419: {  	[tilespmem:s24+$0x30] =	vst v1  }
0x41a: {  	s1 =	rddreg [dreg:$0xc]  }
0x41b: {  	[hbm4b:s1+s3] =	stream.linear.scatter [tilespmem:s10], [sflag:$0x9], $0x2000, $0x38;
	[tilespmem:$0x1F900] =	vst v63  }
0x41c: {  	_ =	swait.ge [sflag:s11], $0x4000  }
0x41d: {  	[sflag:s11] =	ssyncset.done $0x0  }
0x41e: {  	[sflag:s11] =	ssyncadd.s32 $0xFFFFC000  }
0x41f: {  	_ =	swait.ge [sflag:s21], $0x2000  }
0x420: {  	[sflag:s21] =	ssyncset.done $0x0  }
0x421: {  	s26 =	simm.s32 $0x11A00;
	[sflag:s21] =	ssyncadd.s32 $0xFFFFE000  }
0x422: {  	v0 =	vld [tilespmem:s26+$0x80];
	_ =	sdelay $0x3  }
0x423: {  	v1 =	vld [tilespmem:s26+$0xFFFFFF00]  }
0x424: {  	v2 =	vld [tilespmem:s26+$0xFFFFFF80];
	v0 =	vmul.f32 $8.000000000e+00, v0  }
0x425: {  	s7 =	simm.s32 $0x1D980;
	v3 =	vld [tilespmem:s26+$0x0]  }
0x426: {  	[tilespmem:s7+$0x40] =	vst v0  }
0x427: {  	v0 =	vld [tilespmem:s26+$0x90]  }
0x428: {  	v1 =	vmul.f32 $8.000000000e+00, v1  }
0x429: {  	v2 =	vmul.f32 $8.000000000e+00, v2  }
0x42a: {  	v3 =	vmul.f32 $8.000000000e+00, v3;
	[tilespmem:s7+$0xFFFFFF80] =	vst v1  }
0x42b: {  	[tilespmem:s7+$0xFFFFFFC0] =	vst v2;
	v1 =	vld [tilespmem:s26+$0xFFFFFF10]  }
0x42c: {  	[tilespmem:s7+$0x0] =	vst v3;
	v2 =	vld [tilespmem:s26+$0xFFFFFF90];
	v0 =	vmul.f32 $8.000000000e+00, v0  }
0x42d: {  	s22 =	simm.s32 $0x11C00;
	v3 =	vld [tilespmem:s26+$0x10]  }
0x42e: {  	[tilespmem:s7+$0x50] =	vst v0;
	v0 =	vld [tilespmem:s22+$0x80]  }
0x42f: {  	v4 =	vld [tilespmem:s26+$0xA0]  }
0x430: {  	v5 =	vld [tilespmem:s22+$0xFFFFFF80];
	v1 =	vmul.f32 $8.000000000e+00, v1  }
0x431: {  	v6 =	vld [tilespmem:s22+$0x0];
	v2 =	vmul.f32 $8.000000000e+00, v2  }
0x432: {  	v3 =	vmul.f32 $8.000000000e+00, v3;
	[tilespmem:s7+$0xFFFFFF90] =	vst v1;
	v1 =	vld [tilespmem:s22+$0xFFFFFF00]  }
0x433: {  	[tilespmem:s7+$0xFFFFFFD0] =	vst v2;
	v2 =	vld [tilespmem:s26+$0xFFFFFF20];
	v0 =	vmul.f32 $8.000000000e+00, v0  }
0x434: {  	s24 =	simm.s32 $0x1DA80;
	[tilespmem:s7+$0x10] =	vst v3;
	v7 =	vld [tilespmem:s26+$0xFFFFFFA0];
	v3 =	vmul.f32 $8.000000000e+00, v4  }
0x435: {  	v4 =	vmul.f32 $8.000000000e+00, v5;
	[tilespmem:s24+$0x40] =	vst v0;
	v0 =	vld [tilespmem:s26+$0x20]  }
0x436: {  	v5 =	vmul.f32 $8.000000000e+00, v6;
	v6 =	vld [tilespmem:s22+$0x90];
	[tilespmem:s7+$0x60] =	vst v3  }
0x437: {  	v1 =	vmul.f32 $8.000000000e+00, v1;
	[tilespmem:s24+$0xFFFFFFC0] =	vst v4;
	v8 =	vld [tilespmem:s26+$0xB0]  }
0x438: {  	v2 =	vmul.f32 $8.000000000e+00, v2;
	[tilespmem:s24+$0x0] =	vst v5;
	v9 =	vld [tilespmem:s22+$0xFFFFFF90]  }
0x439: {  	[tilespmem:s24+$0xFFFFFF80] =	vst v1;
	v5 =	vmul.f32 $8.000000000e+00, v7;
	v3 =	vld [tilespmem:s22+$0x10]  }
0x43a: {  	v4 =	vld [tilespmem:s22+$0xFFFFFF10];
	[tilespmem:s7+$0xFFFFFFA0] =	vst v2;
	v2 =	vmul.f32 $8.000000000e+00, v0  }
0x43b: {  	v1 =	vld [tilespmem:s26+$0xFFFFFF30];
	[tilespmem:s7+$0xFFFFFFE0] =	vst v5;
	v7 =	vmul.f32 $8.000000000e+00, v6  }
0x43c: {  	v0 =	vld [tilespmem:s26+$0xFFFFFFB0];
	[tilespmem:s7+$0x20] =	vst v2;
	v5 =	vmul.f32 $8.000000000e+00, v8  }
0x43d: {  	s25 =	simm.s32 $0x11E00;
	s1 =	simm.s32 $0x4;
	v6 =	vmul.f32 $8.000000000e+00, v9;
	[tilespmem:s24+$0x50] =	vst v7;
	v2 =	vld [tilespmem:s26+$0x30]  }
.LBB2_32:
0x43e: {  	v7 =	vld [tilespmem:s25+$0x80];
	v3 =	vmul.f32 $8.000000000e+00, v3;
	[tilespmem:s7+$0x70] =	vst v5  }
0x43f: {  	s1 =	sadd.s32 $0x4, s1;
	v4 =	vmul.f32 $8.000000000e+00, v4;
	[tilespmem:s24+$0xFFFFFFD0] =	vst v6;
	v5 =	vld [tilespmem:s22+$0xA0]  }
0x440: {  	p0 =	slt.u32 s1, $0x7C;
	v6 =	vld [tilespmem:s25+$0xFFFFFF80];
	[tilespmem:s24+$0x10] =	vst v3;
	v1 =	vmul.f32 $8.000000000e+00, v1  }
0x441: {  	v3 =	vld [tilespmem:s25+$0x0];
	[tilespmem:s24+$0xFFFFFF90] =	vst v4;
	v0 =	vmul.f32 $8.000000000e+00, v0  }
0x442: {  	v4 =	vld [tilespmem:s25+$0xFFFFFF00];
	[tilespmem:s7+$0xFFFFFFB0] =	vst v1;
	v1 =	vmul.f32 $8.000000000e+00, v2  }
0x443: {  	v2 =	vmul.f32 $8.000000000e+00, v7;
	v7 =	vld [tilespmem:s22+$0xFFFFFF20];
	[tilespmem:s7+$0xFFFFFFF0] =	vst v0  }
0x444: {  	v0 =	vld [tilespmem:s22+$0xFFFFFFA0];
	v5 =	vmul.f32 $8.000000000e+00, v5;
	[tilespmem:s7+$0x30] =	vst v1;
	s7 =	smov.u32 s24;
	s24 =	sadd.s32 $0x100, s24  }
0x445: {  	v1 =	vmul.f32 $8.000000000e+00, v6;
	[tilespmem:s24+$0x40] =	vst v2;
	v2 =	vld [tilespmem:s22+$0x20]  }
0x446: {  	v3 =	vmul.f32 $8.000000000e+00, v3;
	v6 =	vld [tilespmem:s25+$0x90];
	[tilespmem:s7+$0x60] =	vst v5  }
0x447: {  	v4 =	vmul.f32 $8.000000000e+00, v4;
	[tilespmem:s24+$0xFFFFFFC0] =	vst v1;
	v5 =	vld [tilespmem:s22+$0xB0]  }
0x448: {  	v8 =	vld [tilespmem:s25+$0xFFFFFF90];
	[tilespmem:s24+$0x0] =	vst v3;
	v1 =	vmul.f32 $8.000000000e+00, v7  }
.Ltmp15:
0x449: {  	[tilespmem:s24+$0xFFFFFF80] =	vst v4;
	v3 =	vld [tilespmem:s25+$0x10];
	v0 =	vmul.f32 $8.000000000e+00, v0;
	(pc) =	sbr.rel @p0 .LBB2_32-.Ltmp15, $4  }
0x44a: {  	v4 =	vld [tilespmem:s25+$0xFFFFFF10];
	[tilespmem:s7+$0xFFFFFFA0] =	vst v1;
	v2 =	vmul.f32 $8.000000000e+00, v2  }
0x44b: {  	v7 =	vmul.f32 $8.000000000e+00, v6;
	v1 =	vld [tilespmem:s22+$0xFFFFFF30];
	[tilespmem:s7+$0xFFFFFFE0] =	vst v0  }
0x44c: {  	v0 =	vld [tilespmem:s22+$0xFFFFFFB0];
	[tilespmem:s7+$0x20] =	vst v2;
	v5 =	vmul.f32 $8.000000000e+00, v5  }
0x44d: {  	v6 =	vmul.f32 $8.000000000e+00, v8;
	[tilespmem:s24+$0x50] =	vst v7;
	v2 =	vld [tilespmem:s22+$0x30];
	s22 =	smov.u32 s25;
	s25 =	sadd.s32 $0x200, s25  }
0x44e: {  	v3 =	vmul.f32 $8.000000000e+00, v3  }
0x44f: {  	v7 =	vld [tilespmem:s22+$0xA0];
	v4 =	vmul.f32 $8.000000000e+00, v4;
	[tilespmem:s24+$0xFFFFFFD0] =	vst v6  }
0x450: {  	[tilespmem:s24+$0x10] =	vst v3;
	v53 =	vld [tilespmem:s22+$0xFFFFFFA0]  }
0x451: {  	[tilespmem:s24+$0xFFFFFF90] =	vst v4;
	v54 =	vld [tilespmem:s22+$0x20]  }
0x452: {  	v4 =	vld [tilespmem:s22+$0xFFFFFF20];
	_ =	sdelay $0x1  }
0x453: {  	v7 =	vmul.f32 $8.000000000e+00, v7  }
0x454: {  	v3 =	vmul.f32 $8.000000000e+00, v53  }
0x455: {  	[tilespmem:s24+$0x60] =	vst v7;
	v6 =	vmul.f32 $8.000000000e+00, v54  }
0x456: {  	v55 =	vld [tilespmem:s22+$0xB0];
	v4 =	vmul.f32 $8.000000000e+00, v4;
	[tilespmem:s24+$0xFFFFFFE0] =	vst v3  }
0x457: {  	[tilespmem:s24+$0x20] =	vst v6;
	v57 =	vld [tilespmem:s22+$0xFFFFFFB0]  }
0x458: {  	v1 =	vmul.f32 $8.000000000e+00, v1;
	[tilespmem:s24+$0xFFFFFFA0] =	vst v4;
	v58 =	vld [tilespmem:s22+$0x30]  }
0x459: {  	[tilespmem:s7+$0x70] =	vst v5;
	v0 =	vmul.f32 $8.000000000e+00, v0;
	v56 =	vld [tilespmem:s22+$0xFFFFFF30]  }
0x45a: {  	[tilespmem:s7+$0xFFFFFFB0] =	vst v1;
	v59 =	vmul.f32 $8.000000000e+00, v2  }
0x45b: {  	[tilespmem:s7+$0xFFFFFFF0] =	vst v0;
	v60 =	vmul.f32 $8.000000000e+00, v55  }
0x45c: {  	[tilespmem:s7+$0x30] =	vst v59;
	v62 =	vmul.f32 $8.000000000e+00, v57  }
0x45d: {  	[tilespmem:s24+$0x70] =	vst v60;
	v63 =	vmul.f32 $8.000000000e+00, v58  }
0x45e: {  	v61 =	vmul.f32 $8.000000000e+00, v56;
	[tilespmem:s24+$0xFFFFFFF0] =	vst v62  }
0x45f: {  	[tilespmem:s24+$0x30] =	vst v63  }
0x460: {  	[tilespmem:s24+$0xFFFFFFB0] =	vst v61  }
0x461: {  	s1 =	rddreg [dreg:$0xd]  }
0x462: {  	[hbm4b:s1+s3] =	stream.linear.scatter [tilespmem:s16], [sflag:$0xA], $0x2000, $0x38;
	[tilespmem:$0x1F900] =	vst v63  }
0x463: {  	_ =	swait.ge [sflag:s17], $0x2000  }
0x464: {  	[sflag:s17] =	ssyncset.done $0x0  }
0x465: {  	[sflag:s17] =	ssyncadd.s32 $0xFFFFE000  }
0x466: {  	_ =	swait.ge [sflag:s18], $0x2000  }
0x467: {  	[sflag:s18] =	ssyncset.done $0x0  }
0x468: {  	[sflag:s18] =	ssyncadd.s32 $0xFFFFE000  }
0x469: {  	_ =	swait.ge [sflag:s19], $0x2000  }
0x46a: {  	[sflag:s19] =	ssyncset.done $0x0  }
0x46b: {  	[sflag:s19] =	ssyncadd.s32 $0xFFFFE000  }
0x46c: {  	_ =	swait.ge [sflag:s20], $0x2000  }
0x46d: {  	[sflag:s20] =	ssyncset.done $0x0  }
0x46e: {  	[sflag:s20] =	ssyncadd.s32 $0xFFFFE000  }
0x46f: {  	_ =	swait.ge [sflag:s21], $0x2000  }
0x470: {  	s29 =	rddreg [dreg:$0xf]  }
0x471: {  	s30 =	rddreg [dreg:$0xe];
	s7 =	sadd.s32 $0x1, s29  }
0x472: {  	p0 =	sne.s32 s7, s30  }
.Ltmp16:
0x473: {  	_ = 	snop;
	(pc) =	sbr.rel @p0 .LBB2_1-.Ltmp16, $3  }
0x474: {  	_ =	sdelay $0x1  }
0x475: {  	[sflag:s21] =	ssyncset.done $0x0  }
0x476: {  	[sflag:s21] =	ssyncadd.s32 $0xFFFFE000  }
0x477: {  	_ =	sfence.sel $0x180000  }
0x478: {  	[bflag:$0x0] =	sbarrier.arrive $0xFFFF  }
0x479: {  	_ =	strace $0x90000047  }
0x47a: {  	s0 =	stileid.u32;
	[bflag:$0x2] =	sbarrier.arrive $0xFFFF  }
0x47b: {  	p0 =	sne.s32 s0, $0x0;
	s0 =	rddreg [dreg:$0x2]  }
0x47c: {  	s0 =	sadd.s32 @!p0 $0x100000, s0  }
0x47d: {  	[sflag:s0] =	ssyncadd.tile.s32 @!p0 $0x1;
	_ =	shalt  }
.Lfunc_end2:
_tile_overlayer_lowered:
.L_overlay_start_2:
0x47e: {  	(tag) =	ssettag $0x2  }
0x47f: {  	s0 =	rddreg [dreg:$0x0];
	s2 =	stileid.u32  }
0x480: {  	s1 =	rddreg [dreg:$0x1];
	p0 =	sne.s32 s2, $0x0  }
0x481: {  	s3 =	rddreg [dreg:$0x2];
	[bflag:$0x3] =	sbarrier.arrive $0xFFFF;
	s2 =	simm.s32 @!p0 $0x1C0B  }
0x482: {  	[timem:s3], [sflag:s2] =	dma.local @!p0 [hbm:s0], s1  }
0x483: {  	s0 =	simm.s32 @!p0 $0xB  }
0x484: {  	_ =	swait.ge @!p0 [sflag:s0], s1  }
0x485: {  	s1 =	ssub.s32 @!p0 $0x0, s1;
	[sflag:s0] =	ssyncset.done @!p0 $0x0  }
0x486: {  	[sflag:s0] =	ssyncadd.s32 @!p0 s1  }
0x487: {  	[bflag:$0x3] =	sbarrier.arrive $0xFFFF  }
0x488: {  	_ =	shalt  }

// kernel: sparse-core-data-format-call.cloned.1.call-start
scs
called_computation_lowered:
.L_overlay_start_0:
0x0: {  	s2 =	sld [smem:$0x3FD9]  }
0x1: {  	s3 =	sld [smem:$0x3FFE];
	_ =	sdelay $0x1  }
0x2: {  	s1 =	srdreg.scid  }
0x3: {  	s0 =	sand.u32 $0x1, s1  }
0x4: {  	s18 =	sshll.u32 s0, $0xA;
	s2 =	sadd.s32 s3, s2  }
0x5: {  	s2 =	sadd.s32 s2, s18  }
0x6: {  	[smem:$0x3FC6] =	sst s2  }
0x7: {  	_ = 	snop  }
0x8: {  	s2 =	sld [smem:$0x3FD0];
	(tm) =	ssettm $0x1  }
0x9: {  	s19 =	sld [smem:$0x3FFB];
	_ =	sdelay $0x3  }
0xa: {  	_ =	strace s19  }
0xb: {  	s3 =	sld [smem:$0x3FFC];
	_ =	sdelay $0x3  }
0xc: {  	_ =	strace s3  }
0xd: {  	s3 =	sld [smem:$0x3FFD];
	_ =	sdelay $0x3  }
0xe: {  	_ =	strace s3  }
0xf: {  	_ =	strace $0x8FFFFFFF  }
0x10: {  	s20 =	sld [smem:$0x3FDB];
	_ =	sdelay $0x1  }
0x11: {  	s4 =	simm.s32 $_scs_section_size  }
0x12: {  	s5 =	simm.s32 $_size__tile_overlayer_lowered;
	s6 =	simm.s32 $_tile_overlayer_lowered  }
0x13: {  	s23 =	simm.s32 $0x1BFF;
	s22 =	sshll.u32 s6, $0x1;
	s3 =	sadd.s32 s4, s20  }
0x14: {  	s7 =	simm.s32 $0x0;
	s21 =	sshll.u32 s5, $0x1;
	s5 =	sadd.s32 s22, s3  }
0x15: {  	[timem:s7], [sflag:s23] =	dma.local [hbm:s5], s21  }
0x16: {  	_ =	swait.ge [sflag:s23], s21  }
0x17: {  	s4 =	ssub.s32 $0x0, s21;
	[sflag:s23] =	ssyncset.done $0x0  }
0x18: {  	[sflag:s23] =	ssyncadd.s32 s4;
	_ =	sdelay $0x1  }
0x19: {  	s24 =	simm.s32 $0x1B8B  }
0x1a: {  	_ =	swait.ge [sflag:s24], $0x1  }
0x1b: {  	[sflag:s24] =	ssyncset.done $0x0  }
0x1c: {  	s26 =	simm.s32 $0x1B8E;
	s25 =	sld [smem:$0x3FFE];
	[sflag:s24] =	ssyncadd.s32 $0xFFFFFFFF  }
0x1d: {  	s27 =	simm.s32 $execute0_lowered;
	[smem:$0x3FD2] =	sst s26  }
0x1e: {  	s5 =	sshll.u32 s27, $0x1;
	_ =	strace $0x80000049;
	[dreg:$0x1] =	wrdreg $0xFFFFFFFF  }
0x1f: {  	s28 =	simm.s32 $_size_execute0_lowered;
	s3 =	sadd.s32 s3, s5;
	[dreg:$0x0] =	wrdreg $0x0  }
0x20: {  	s5 =	sshll.u32 s28, $0x1;
	[dreg:$0x2] =	wrdreg s3  }
0x21: {  	[dreg:$0x3] =	wrdreg s5  }
0x22: {  	[dreg:$0x4] =	wrdreg $0xC0  }
0x23: {  	_ =	task [dreg:s7], $0x5FFFF  }
0x24: {  	[dreg:$0x1] =	wrdreg $0xFFFFFFFF  }
0x25: {  	[dreg:$0x0] =	wrdreg $0x60  }
0x26: {  	[dreg:$0x2] =	wrdreg s25  }
0x27: {  	[dreg:$0x3] =	wrdreg s2  }
0x28: {  	[dreg:$0x4] =	wrdreg $0x9  }
0x29: {  	_ =	task.clear_ibuf [dreg:s7], $0x5FFFF;
	_ =	strace $0x90000049  }
0x2a: {  	s29 =	simm.s32 $0x9;
	_ =	strace $0x8000004B  }
0x2b: {  	_ =	swait.ge [sflag:s29], $0x1  }
0x2c: {  	[sflag:s29] =	ssyncadd.s32 $0xFFFFFFFF  }
0x2d: {  	_ =	strace $0x9000004B  }
0x2e: {  	_ =	sfence  }
0x2f: {  	s30 =	sld [smem:$0x0];
	_ =	sdelay $0x2  }
0x30: {  	s31 =	sshll.u32 s1, $0xD;
	s1 =	sshrl.u32 s1, $0x2  }
0x31: {  	s3 =	sand.u32 $0x4000, s31;
	s1 =	sadd.s32 s1, s30  }
0x32: {  	s0 =	sor.u32 s3, s0;
	s1 =	sshll.u32 s1, $0x11  }
0x33: {  	s0 =	sor.u32 s1, s0  }
0x34: {  	s0 =	sadd.s32 $0x8F2B, s0  }
0x35: {  	[sflag:s0] =	ssyncadd.remote.s32 $0x1  }
0x36: {  	_ =	sfence.sel $0xFFFF  }
0x37: {  	[dreg:$0x0] =	wrdreg $0xFFFFFFFF;
	(pc) =	sbr.abs _section_cstart, $3  }
0x38: {  	[dreg:$0x1] =	wrdreg $0xFFFFFFFF  }
0x39: {  	_ =	task.clear_ibuf [dreg:s7], $0x2FFFF;
	_ =	strace $0x9FFFFFFF  }
0x3a: {  	(tm) =	ssettm $0x7FFFFFFF  }
0x3b: {  	_ =	shalt  }
tec
execute0_lowered:
.L_overlay_start_1:
0x0: {  	(tag) =	ssettag $0x1  }
0x1: {  	s7 =	rddreg [dreg:$0x0]  }
0x2: {  	s2 =	rddreg [dreg:$0x1]  }
0x3: {  	s0 =	stileid.u32;
	s1 =	srdreg.scid;
	s31 =	simm.s32 $0x2  }
0x4: {  	s14 =	simm.s32 $0x0;
	s15 =	simm.s32 $0x0;
	s13 =	simm.s32 $0x0  }
0x5: {  	s3 =	sshll.u32 s0, $0x5;
	s4 =	sshll.u32 s1, $0x9;
	s5 =	sshll.u32 s0, $0x1  }
0x6: {  	s1 =	rddreg [dreg:$0x2];
	s4 =	sor.u32 s3, s4;
	s3 =	sand.u32 $0x6, s5  }
0x7: {  	_ =	strace $0x8000004A;
	s4 =	sand.u32 $0x380, s4;
	s5 =	ssub.s32 $0xC8, s3  }
0x8: {  	s12 =	smov.u32 s3;
	s8 =	sshll.u32 s4, $0x4;
	s6 =	sand.u32 $0x6, s5  }
0x9: {  	s9 =	ssub.s32 $0x400, s4;
	s11 =	sshrl.u32 s5, $0x3;
	s5 =	simm.s32 $0x1  }
0xa: {  	p0 =	sne.s32 s6, $0x0;
	s6 =	simm.s32 $0x1;
	s10 =	sand.u32 $0x380, s9  }
0xb: {  	s6 =	simm.s32 @!p0 $0x0;
	p0 =	sne.s32 s10, $0x0;
	s10 =	simm.s32 $0x1  }
.Ltmp0:
0xc: {  	s9 =	sshrl.u32 s9, $0xA;
	s10 =	simm.s32 @!p0 $0x0;
	(pc) =	sbr.rel .LBB1_1-.Ltmp0, $4  }
0xd: {  	[sflag:s5] =	ssyncpa.u1 $0x0;
	s6 =	sadd.s32 s6, s11;
	s9 =	sadd.s32 s10, s9  }
0xe: {  	s8 =	sadd.s32 s8, s7;
	[sflag:s31] =	ssyncpa.u1 $0x0;
	s6 =	smul.u32 s6, s9  }
0xf: {  	s7 =	sadd.s32 $0xA00, s8;
	s8 =	sadd.s32 $0x4A00, s8;
	p0 =	por $0x0, $0x0  }
0x10: {  	s11 =	simm.s32 $0x2000;
	s10 =	simm.s32 $0x400;
	s9 =	sadd.s32 $0x1, s6  }
.LBB1_7:
0x11: {  	s16 =	sadd.s32 $0x8, s12  }
0x12: {  	p2 =	sgt.s32 s16, $0xC7  }
0x13: {  	s16 =	smov.u32 @p2 s3;
	p2 =	sne.s32 s13, s9  }
.Ltmp1:
0x14: {  	p1 =	slt.u32 s13, $0x2;
	(pc) =	sbr.rel @!p2 .LBB1_8-.Ltmp1, $4  }
0x15: {  	s14 =	simm.s32 @!p1 $0x2  }
0x16: {  	s17 =	sadd.s32 $0x1, s13;
	s15 =	smov.u32 s12;
	_ =	swait.ge @!p1 [sflag:s14], $0x4000  }
0x17: {  	p0 =	por !p0, !p0;
	s13 =	smov.u32 s17;
	[sflag:s14] =	ssyncset.done @!p1 $0x0  }
0x18: {  	s12 =	smov.u32 s16;
	[sflag:s14] =	ssyncadd.s32 @!p1 $0xFFFFC000;
	s14 =	smov.u32 s4  }
.LBB1_1:
0x19: {  	p1 =	sge.u32 s13, s6  }
0x1a: {  	s16 =	sxor.u32 @!p1 $0xFFFFFFFF, s13  }
0x1b: {  	s17 =	sshll.u32 @!p1 s12, $0xE;
	s19 =	simm.s32 @!p1 $0x40;
	s16 =	sshll.u32 @!p1 s16, $0xE  }
0x1c: {  	s20 =	simm.s32 @!p1 $0x80;
	s18 =	sadd.s32 @!p1 s17, s7;
	s16 =	sand.u32 @!p1 $0x4000, s16  }
0x1d: {  	[tilespmem:s16], [sflag:$0x1] =	stream.strided.gather @!p1 [hbm4b:s18+s19], $0x2000, s20, s19, $0x38;
	[tilespmem:$0x10100] =	vst v63  }
0x1e: {  	s31 =	sadd.s32 $0xFFFFFFFF, s13;
	s17 =	sadd.s32 @!p1 s17, s8;
	s16 =	sor.u32 @!p1 $0x2000, s16  }
0x1f: {  	[tilespmem:s16], [sflag:$0x1] =	stream.strided.gather @!p1 [hbm4b:s17+s19], $0x2000, s20, s19, $0x38;
	[tilespmem:$0x10100] =	vst v63  }
0x20: {  	p1 =	sge.u32 s31, s6  }
.Ltmp2:
0x21: {  	_ = 	snop;
	(pc) =	sbr.rel @p1 .LBB1_7-.Ltmp2, $1  }
0x22: {  	_ =	sdelay $0x3  }
0x23: {  	s16 =	simm.s32 $0x1;
	s18 =	sand.u32 $0x1, s13  }
0x24: {  	_ =	swait.ge [sflag:s5], $0x4000;
	s16 =	simm.s32 @!p0 $0x0;
	s18 =	smul.u32 $0x10200, s18  }
0x25: {  	p2 =	por $0x1, $0x1;
	[sflag:s5] =	ssyncset.done $0x0;
	s17 =	smul.u32 $0x10200, s16  }
0x26: {  	s19 =	sshll.u32 s16, $0x10;
	[sflag:s5] =	ssyncadd.s32 $0xFFFFC000;
	s30 =	sshrl.u32 s18, $0x2  }
0x27: {  	s31 =	sshrl.u32 s19, $0x2;
	s19 =	simm.s32 $0x0;
	s17 =	sshrl.u32 s17, $0x2  }
0x28: {  	s16 =	sor.u32 $0x8000, s30;
	s18 =	sadd.s32 $0x20, s31;
	s17 =	sor.u32 $0x8000, s17  }
.LBB1_3:
0x29: {  	s20 =	sshll.u32 s19, $0xD  }
0x2a: {  	s20 =	sand.u32 $0x3FFFE000, s20  }
0x2b: {  	s22 =	sadd.s32 s20, s18  }
0x2c: {  	s31 =	smul.u32 $0x8100, s19;
	v3 =	vld [tilespmem:s22+$0x10]  }
0x2d: {  	v1 =	vld [tilespmem:s22+$0xFFFFFFF0]  }
0x2e: {  	s19 =	sshra.s32 s31, $0x2;
	v0 =	vld [tilespmem:s22+$0x0]  }
0x2f: {  	s19 =	sadd.s32 s19, s17;
	v2 =	vld [tilespmem:s22+$0xFFFFFFE0]  }
0x30: {  	s20 =	sadd.s32 $0x0, s19  }
0x31: {  	p1 =	por p2, p2;
	s21 =	simm.s32 $0x4;
	s22 =	sadd.s32 $0x40, s22;
	[tilespmem:s20+$0x1830 ss:$0x81] =	vst.msk $0xffff, v3  }
.LBB1_4:
0x32: {  	v3 =	vld [tilespmem:s22+$0x10];
	p2 =	sne.s32 s21, $0x1FC;
	[tilespmem:s20+$0x810 ss:$0x81] =	vst.msk $0xffff, v1;
	s23 =	smov.u32 s21;
	s21 =	sadd.s32 $0x4, s21  }
.Ltmp3:
0x33: {  	v1 =	vld [tilespmem:s22+$0xFFFFFFF0];
	[tilespmem:s20+$0x1020 ss:$0x81] =	vst.msk $0xffff, v0;
	(pc) =	sbr.rel @p2 .LBB1_4-.Ltmp3, $4  }
0x34: {  	v0 =	vld [tilespmem:s22+$0x0];
	[tilespmem:s20+$0x0 ss:$0x81] =	vst.msk $0xffff, v2  }
0x35: {  	s20 =	sshra.s32 s23, $0x2;
	v2 =	vld [tilespmem:s22+$0xFFFFFFE0]  }
0x36: {  	s20 =	sadd.s32 s20, s19  }
0x37: {  	s22 =	sadd.s32 $0x40, s22;
	[tilespmem:s20+$0x1830 ss:$0x81] =	vst.msk $0xffff, v3  }
.Ltmp4:
0x38: {  	(pc) =	sbr.rel @p1 .LBB1_3-.Ltmp4, $4  }
0x39: {  	_ = 	snop  }
0x3a: {  	[tilespmem:s20+$0x810 ss:$0x81] =	vst.msk $0xffff, v1  }
0x3b: {  	[tilespmem:s20+$0x1020 ss:$0x81] =	vst.msk $0xffff, v0  }
0x3c: {  	s19 =	simm.s32 $0x1;
	p2 =	por $0x0, $0x0;
	[tilespmem:s20+$0x0 ss:$0x81] =	vst.msk $0xffff, v2  }
.Ltmp5:
0x3d: {  	(pc) =	sbr.rel .LBB1_7-.Ltmp5, $4  }
0x3e: {  	_ = 	snop  }
0x3f: {  	s15 =	sshll.u32 s15, $0xD;
	s14 =	sadd.s32 s2, s14  }
0x40: {  	s14 =	sadd.s32 s15, s14  }
0x41: {  	[hbm4b:s14+s10] =	stream.strided.scatter [tilespmem:s16], [sflag:$0x2], $0x4000, s11, s10, $0x20;
	[tilespmem:$0x10100] =	vst v63  }
.LBB1_8:
0x42: {  	_ =	sfence.sel $0x180000  }
0x43: {  	s2 =	simm.s32 $0x1;
	[bflag:$0x0] =	sbarrier.arrive $0xFFFF  }
0x44: {  	s31 =	simm.s32 $0x2;
	[sflag:s2] =	ssyncpa.u1 $0x1  }
0x45: {  	[sflag:s31] =	ssyncpa.u1 $0x1  }
0x46: {  	p0 =	sne.s32 s0, $0x0;
	_ =	strace $0x9000004A  }
0x47: {  	s0 =	sadd.s32 @!p0 $0x100000, s1;
	[bflag:$0x2] =	sbarrier.arrive $0xFFFF  }
0x48: {  	[sflag:s0] =	ssyncadd.tile.s32 @!p0 $0x1;
	_ =	shalt  }
.Lfunc_end1:
_tile_overlayer_lowered:
.L_overlay_start_2:
0x49: {  	(tag) =	ssettag $0x2  }
0x4a: {  	s0 =	rddreg [dreg:$0x0];
	s2 =	stileid.u32  }
0x4b: {  	s1 =	rddreg [dreg:$0x1];
	p0 =	sne.s32 s2, $0x0  }
0x4c: {  	s3 =	rddreg [dreg:$0x2];
	[bflag:$0x3] =	sbarrier.arrive $0xFFFF;
	s2 =	simm.s32 @!p0 $0x1C01  }
0x4d: {  	[timem:s3], [sflag:s2] =	dma.local @!p0 [hbm:s0], s1  }
0x4e: {  	s0 =	simm.s32 @!p0 $0x1  }
0x4f: {  	_ =	swait.ge @!p0 [sflag:s0], s1  }
0x50: {  	s1 =	ssub.s32 @!p0 $0x0, s1;
	[sflag:s0] =	ssyncset.done @!p0 $0x0  }
0x51: {  	[sflag:s0] =	ssyncadd.s32 @!p0 s1  }
0x52: {  	[bflag:$0x3] =	sbarrier.arrive $0xFFFF  }
0x53: {  	_ =	shalt  }

</sc_bundles>
